<compile_context>
chip_gen: v7x
topology: tpu7x:2x2x1
jax: 0.10.2.dev20260603
libtpu: 0.0.44.dev20260713+nightly
codegen_flags: <defaults>
</compile_context>

<pallas_src>
import functools
import math

import jax
import jax.numpy as jnp
from jax import lax
from jax.experimental import pallas as pl
from jax.experimental.pallas import tpu as pltpu
from jax.experimental.pallas import tpu_sc as plsc

N = 8192
K = 16
D = 256
D_FF = 1024
NHEAD = 8
DH = 32
POS_HID = 32

KNN_R = 64
ATT_R = 128
XPAD = 128
TW = D + XPAD

_NEG = -1e9


NCHUNK = 64
CW = 128


def _knn_body(own_ref, allx_ref, d2full_ref, gidx_ref, cidx_ref):
    R = KNN_R
    i = pl.program_id(0)
    d2 = None
    for c in range(3):
        oc = own_ref[:, c:c + 1]
        ac = allx_ref[c:c + 1, :]
        diff = oc - ac
        d2 = diff * diff if d2 is None else d2 + diff * diff
    d2full_ref[...] = d2
    parts = [jnp.min(d2[:, j * CW:(j + 1) * CW], axis=1, keepdims=True)
             for j in range(NCHUNK)]
    cmin = jnp.concatenate(parts, axis=1)
    ciota = lax.broadcasted_iota(jnp.int32, (R, NCHUNK), 1)
    big = jnp.int32(1 << 30)
    grow = i * R + lax.broadcasted_iota(jnp.int32, (R, 1), 0)
    for t in range(K):
        m = jnp.min(cmin, axis=1, keepdims=True)
        cid = jnp.min(jnp.where(cmin == m, ciota, big), axis=1, keepdims=True)
        cidx_ref[:, t:t + 1] = cid
        gidx_ref[:, t:t + 1] = grow * NCHUNK + cid
        cmin = jnp.where(ciota == cid, jnp.float32(jnp.inf), cmin)


def _run_knn_chunks(xyz_pad, xyz_t):
    grid = N // KNN_R
    return pl.pallas_call(
        _knn_body,
        grid=(grid,),
        in_specs=[
            pl.BlockSpec((KNN_R, 8), lambda i: (i, 0)),
            pl.BlockSpec((8, N), lambda i: (0, 0)),
        ],
        out_specs=[
            pl.BlockSpec((KNN_R, N), lambda i: (i, 0)),
            pl.BlockSpec((KNN_R, K), lambda i: (i, 0)),
            pl.BlockSpec((KNN_R, K), lambda i: (i, 0)),
        ],
        out_shape=[
            jax.ShapeDtypeStruct((N, N), jnp.float32),
            jax.ShapeDtypeStruct((N, K), jnp.int32),
            jax.ShapeDtypeStruct((N, K), jnp.int32),
        ],
    )(xyz_pad, xyz_t)


S2_R = 128


def _stage2_body(gat2_ref, cidx_ref, inds_ref, d2_ref, d_s):
    R = S2_R
    d_s[...] = gat2_ref[...].reshape(R, K, CW)
    cid3 = cidx_ref[...].reshape(R, K, 1)
    liota = lax.broadcasted_iota(jnp.int32, (R, K, CW), 2)
    oidx3 = cid3 * CW + liota
    lane16 = lax.broadcasted_iota(jnp.int32, (R, K), 1)
    big = jnp.int32(1 << 30)

    def sel(t, carry):
        vacc, iacc = carry
        d = d_s[...]
        m = jnp.min(jnp.min(d, axis=2), axis=1, keepdims=True)
        m3 = m.reshape(R, 1, 1)
        idx = jnp.min(jnp.min(jnp.where(d == m3, oidx3, big), axis=2),
                      axis=1, keepdims=True)
        d_s[...] = jnp.where(oidx3 == idx.reshape(R, 1, 1),
                             jnp.float32(jnp.inf), d)
        vacc = jnp.where(lane16 == t, m, vacc)
        iacc = jnp.where(lane16 == t, idx, iacc)
        return vacc, iacc

    vacc, iacc = lax.fori_loop(
        0, K, sel,
        (jnp.zeros((R, K), jnp.float32), jnp.zeros((R, K), jnp.int32)))
    inds_ref[...] = iacc
    d2_ref[...] = vacc


def _run_stage2(gat2, cidx):
    grid = N // S2_R
    return pl.pallas_call(
        _stage2_body,
        grid=(grid,),
        in_specs=[
            pl.BlockSpec((S2_R * K, CW), lambda i: (i, 0)),
            pl.BlockSpec((S2_R, K), lambda i: (i, 0)),
        ],
        out_specs=[
            pl.BlockSpec((S2_R, K), lambda i: (i, 0)),
            pl.BlockSpec((S2_R, K), lambda i: (i, 0)),
        ],
        out_shape=[
            jax.ShapeDtypeStruct((N, K), jnp.int32),
            jax.ShapeDtypeStruct((N, K), jnp.float32),
        ],
        scratch_shapes=[pltpu.VMEM((S2_R, K, CW), jnp.float32)],
    )(gat2, cidx)


_SC_CHUNK = 128


def _sc_gather_body(width, table_hbm, idx_hbm, out_hbm, idxv, rows0, rows1,
                    sem0, sem1):
    del width
    nc = 2
    ns = 16
    wid = lax.axis_index("s") * nc + lax.axis_index("c")
    b_per_w = (N * K) // (nc * ns)
    nchunk = b_per_w // _SC_CHUNK
    base = wid * b_per_w
    pltpu.sync_copy(idx_hbm.at[pl.ds(base, b_per_w)], idxv)

    rows = (rows0, rows1)
    sems = (sem0, sem1)

    def start(g, slot):
        pltpu.async_copy(
            table_hbm.at[idxv.at[pl.ds(g * _SC_CHUNK, _SC_CHUNK)]],
            rows[slot], sems[slot])

    def drain(g, slot):
        pltpu.make_async_copy(
            table_hbm.at[idxv.at[pl.ds(0, _SC_CHUNK)]], rows[slot], sems[slot]
        ).wait()
        pltpu.sync_copy(rows[slot],
                        out_hbm.at[pl.ds(base + g * _SC_CHUNK, _SC_CHUNK)])

    start(0, 0)
    start(1, 1)

    def pair(g2, carry):
        g = g2 * 2
        drain(g, 0)

        @pl.when(g + 2 < nchunk)
        def _():
            start(g + 2, 0)

        drain(g + 1, 1)

        @pl.when(g + 3 < nchunk)
        def _():
            start(g + 3, 1)

        return carry

    lax.fori_loop(0, nchunk // 2, pair, 0)


def _run_sc_gather(table, flat_inds):
    width = table.shape[1]
    mesh = plsc.VectorSubcoreMesh(core_axis_name="c", subcore_axis_name="s")
    b_per_w = (N * K) // 32
    kern = functools.partial(
        pl.kernel,
        mesh=mesh,
        out_type=jax.ShapeDtypeStruct((N * K, width), jnp.float32),
        scratch_types=[
            pltpu.VMEM((b_per_w,), jnp.int32),
            pltpu.VMEM((_SC_CHUNK, width), jnp.float32),
            pltpu.VMEM((_SC_CHUNK, width), jnp.float32),
            pltpu.SemaphoreType.DMA,
            pltpu.SemaphoreType.DMA,
        ],
    )(functools.partial(_sc_gather_body, width))
    return kern(table, flat_inds)


def _wprep_body(wkT_ref, pm_w2T_ref, pm_w2_ref, wq_ref, wv_ref, wo_ref,
                pm_b2_ref, bq_ref, bk_ref, bv_ref, bo_ref,
                wvo_ref, wpkT_ref, wpq_ref, cq_ref, ckb_ref, co_ref):
    f32 = jnp.float32
    wkT = wkT_ref[...]
    wpkT_ref[...] = jnp.dot(wkT, pm_w2T_ref[...], preferred_element_type=f32)
    wpq_ref[...] = jnp.dot(pm_w2_ref[...], wq_ref[...], preferred_element_type=f32)
    pm_b2 = pm_b2_ref[...]
    cq_ref[...] = jnp.dot(pm_b2, wq_ref[...], preferred_element_type=f32) + bq_ref[...]
    ckb_ref[...] = jnp.dot(pm_b2, wkT_ref[...].T, preferred_element_type=f32) + bk_ref[...]
    co_ref[...] = jnp.dot(bv_ref[...], wo_ref[...], preferred_element_type=f32) + bo_ref[...]
    wv = wv_ref[...]
    wo = wo_ref[...]
    for h in range(NHEAD):
        hs = slice(h * DH, (h + 1) * DH)
        wvo_ref[h * D:(h + 1) * D, :] = jnp.dot(
            wv[:, hs], wo[hs, :], preferred_element_type=f32)


def _run_wprep(wkT, pm_w2T, pm_w2, wq, wv, wo, pm_b2, bq, bk, bv, bo):
    return pl.pallas_call(
        _wprep_body,
        out_shape=[
            jax.ShapeDtypeStruct((NHEAD * D, D), jnp.float32),
            jax.ShapeDtypeStruct((D, POS_HID), jnp.float32),
            jax.ShapeDtypeStruct((POS_HID, D), jnp.float32),
            jax.ShapeDtypeStruct((1, D), jnp.float32),
            jax.ShapeDtypeStruct((1, D), jnp.float32),
            jax.ShapeDtypeStruct((1, D), jnp.float32),
        ],
    )(wkT, pm_w2T, pm_w2, wq, wv, wo, pm_b2, bq, bk, bv, bo)


def _ln(x, g, b):
    m = jnp.mean(x, axis=-1, keepdims=True)
    xc = x - m
    v = jnp.mean(xc * xc, axis=-1, keepdims=True)
    return xc * lax.rsqrt(v + 1e-5) * g + b


def _attn_body(feats_ref, ownx_ref, gat_ref, d2_ref,
               wq_ref, wkT3_ref, wpkT3_ref, wpq_ref, cq_ref, ckb3_ref,
               wvo3_ref, co_ref, pm_w1_ref, pm_b1_ref, pm_g_ref, pm_bt_ref,
               l1w_ref, l1b_ref, l2w_ref, l2b_ref,
               n1g_ref, n1b_ref, n2g_ref, n2b_ref, out_ref,
               qh3_s, hmlp_s):
    f32 = jnp.float32
    R = ATT_R
    feats = feats_ref[...]
    gx = gat_ref[:, D:].reshape(R, K, XPAD)

    hpre = None
    for c in range(3):
        relc = gx[:, :, c:c + 1] - ownx_ref[:, c:c + 1].reshape(R, 1, 1)
        w1c = pm_w1_ref[c:c + 1, :].reshape(1, 1, POS_HID)
        term = (relc * (1.0 / 10.0)) * w1c
        hpre = term if hpre is None else hpre + term
    hpre = hpre + pm_b1_ref[...].reshape(1, 1, POS_HID)
    hm = jnp.mean(hpre, axis=-1, keepdims=True)
    hc = hpre - hm
    hv = jnp.mean(hc * hc, axis=-1, keepdims=True)
    hmlp = hc * lax.rsqrt(hv + 1e-5) * pm_g_ref[...].reshape(1, 1, POS_HID) \
        + pm_bt_ref[...].reshape(1, 1, POS_HID)
    hmlp = jnp.maximum(hmlp, 0.0)
    hmlp_s[...] = hmlp

    h0 = hmlp[:, 0, :]
    qh = (jnp.dot(feats, wq_ref[...], preferred_element_type=f32)
          + jnp.dot(h0, wpq_ref[...], preferred_element_type=f32)
          + cq_ref[...])
    for h in range(NHEAD):
        qh3_s[h] = qh[:, h * DH:(h + 1) * DH]

    mask = jnp.sqrt(d2_ref[...]) > 0.5
    scale = 1.0 / math.sqrt(float(DH))

    def head(h, o_acc):
        qh_h = qh3_s[h]
        u_h = jnp.dot(qh_h, wkT3_ref[h], preferred_element_type=f32)
        w_h = jnp.dot(qh_h, wpkT3_ref[h], preferred_element_type=f32)
        sb_h = jnp.sum(qh_h * ckb3_ref[h], axis=-1, keepdims=True)
        gf = gat_ref[:, :D].reshape(R, K, D)
        s_feat = jnp.sum(u_h[:, None, :] * gf, axis=-1)
        s_pos = jnp.sum(w_h[:, None, :] * hmlp_s[...], axis=-1)
        s = (s_feat + s_pos + sb_h) * scale
        s = jnp.where(mask, _NEG, s)
        smax = jnp.max(s, axis=-1, keepdims=True)
        e = jnp.exp(s - smax)
        attn = e / jnp.sum(e, axis=-1, keepdims=True)
        ctx_h = jnp.sum(attn[:, :, None] * gf, axis=1)
        return o_acc + jnp.dot(ctx_h, wvo3_ref[h], preferred_element_type=f32)

    o = lax.fori_loop(0, NHEAD, head, jnp.zeros((R, D), f32)) + co_ref[...]
    src = _ln(feats + o, n1g_ref[...], n1b_ref[...])
    ffp = jnp.dot(src, l1w_ref[...], preferred_element_type=f32) + l1b_ref[...]
    ff = ffp * 0.5 * (1.0 + lax.erf(ffp * (1.0 / math.sqrt(2.0))))
    ff = jnp.dot(ff, l2w_ref[...], preferred_element_type=f32) + l2b_ref[...]
    out_ref[...] = _ln(src + ff, n2g_ref[...], n2b_ref[...])


def _run_attn(feats, xyz_pad, gathered, d2,
              wq, wkT3, wpkT3, wpq, cq, ckb3, wvo3, co,
              pm_w1, pm_b1, pm_g, pm_bt, l1w, l1b, l2w, l2b,
              n1g, n1b, n2g, n2b):
    grid = N // ATT_R

    def full2(shape):
        return pl.BlockSpec(shape, lambda i: (0, 0))

    def full3(shape):
        return pl.BlockSpec(shape, lambda i: (0, 0, 0))

    return pl.pallas_call(
        _attn_body,
        grid=(grid,),
        in_specs=[
            pl.BlockSpec((ATT_R, D), lambda i: (i, 0)),
            pl.BlockSpec((ATT_R, 8), lambda i: (i, 0)),
            pl.BlockSpec((ATT_R * K, TW), lambda i: (i, 0)),
            pl.BlockSpec((ATT_R, K), lambda i: (i, 0)),
            full2((D, D)),
            full3((NHEAD, DH, D)),
            full3((NHEAD, DH, DH)),
            full2((POS_HID, D)),
            full2((1, D)),
            full3((NHEAD, 1, DH)),
            full3((NHEAD, D, D)),
            full2((1, D)),
            full2((3, POS_HID)),
            full2((1, POS_HID)),
            full2((1, POS_HID)),
            full2((1, POS_HID)),
            full2((D, D_FF)),
            full2((1, D_FF)),
            full2((D_FF, D)),
            full2((1, D)),
            full2((1, D)),
            full2((1, D)),
            full2((1, D)),
            full2((1, D)),
        ],
        out_specs=pl.BlockSpec((ATT_R, D), lambda i: (i, 0)),
        out_shape=jax.ShapeDtypeStruct((N, D), jnp.float32),
        scratch_shapes=[
            pltpu.VMEM((NHEAD, ATT_R, DH), jnp.float32),
            pltpu.VMEM((ATT_R, K, POS_HID), jnp.float32),
        ],
    )(feats, xyz_pad, gathered, d2,
      wq, wkT3, wpkT3, wpq, cq, ckb3, wvo3, co,
      pm_w1, pm_b1, pm_g, pm_bt, l1w, l1b, l2w, l2b,
      n1g, n1b, n2g, n2b)


def kernel(pts_feats, pts_xyz, pts_inds, pm_w1, pm_b1, pm_g, pm_bt, pm_w2,
           pm_b2, wq, bq, wk, bk, wv, bv, wo, bo, l1w, l1b, l2w, l2b,
           n1g, n1b, n2g, n2b):
    del pts_inds

    def row(v):
        return v.reshape(1, -1)

    xyz_pad8 = jnp.pad(pts_xyz, ((0, 0), (0, 8 - 3)))
    xyz_t = jnp.pad(pts_xyz.T, ((0, 8 - 3), (0, 0)))

    d2full, gidx, cidx = _run_knn_chunks(xyz_pad8, xyz_t)
    gat2 = _run_sc_gather(d2full.reshape(N * NCHUNK, CW), gidx.reshape(-1))
    inds, d2 = _run_stage2(gat2, cidx)

    table = jnp.concatenate(
        [pts_feats, jnp.pad(pts_xyz, ((0, 0), (0, XPAD - 3)))], axis=1)
    gathered = _run_sc_gather(table, inds.reshape(-1))

    wvo, wpkT, wpq, cq, ckb, co = _run_wprep(
        wk.T, pm_w2.T, pm_w2, wq, wv, wo,
        row(pm_b2), row(bq), row(bk), row(bv), row(bo))

    wkT3 = wk.T.reshape(NHEAD, DH, D)
    wpkT3 = wpkT.reshape(NHEAD, DH, DH)
    ckb3 = ckb.reshape(NHEAD, 1, DH)
    wvo3 = wvo.reshape(NHEAD, D, D)

    return _run_attn(
        pts_feats, xyz_pad8, gathered, d2,
        wq, wkT3, wpkT3, wpq, cq, ckb3, wvo3, co,
        pm_w1, row(pm_b1), row(pm_g), row(pm_bt),
        l1w, row(l1b), l2w, row(l2b),
        row(n1g), row(n1b), row(n2g), row(n2b))

# --- scband reference (transcript-rebuilt; emitter-appended) ---
"""Pipeline reference for scband-knnattention-block-85993835201279 (READ-ONLY COPY).

The authoritative reference and input builder live on the scoring server;
editing this copy changes nothing except your own understanding.
"""

import jax, jax.numpy as jnp
import numpy as np

N = 8192
K = 16
D_MODEL = 256
D_FF = 1024
NHEAD = 8
POS_HID = 32
MAX_DIST = 0.5


def _ln(x, g, b):
    m = jnp.mean(x, axis=-1, keepdims=True)
    v = jnp.var(x, axis=-1, keepdims=True)
    return (x - m) / jnp.sqrt(v + 1e-5) * g + b


def setup_inputs(seed: int = 0):
    key = jax.random.key(seed)
    ks = jax.random.split(key, 24)
    s = 0.02
    inp = {
        "pts_feats": jax.random.normal(ks[0], (N, D_MODEL), jnp.float32),
        "pts_xyz": jax.random.uniform(ks[1], (N, 3), dtype=jnp.float32),
        "pts_inds": jnp.zeros((N, 2), jnp.int32),
        "pm_w1": jax.random.normal(ks[2], (3, POS_HID), jnp.float32) * s,
        "pm_b1": jnp.zeros((POS_HID,), jnp.float32),
        "pm_g": jnp.ones((POS_HID,), jnp.float32),
        "pm_bt": jnp.zeros((POS_HID,), jnp.float32),
        "pm_w2": jax.random.normal(ks[3], (POS_HID, D_MODEL), jnp.float32) * s,
        "pm_b2": jnp.zeros((D_MODEL,), jnp.float32),
        "wq": jax.random.normal(ks[4], (D_MODEL, D_MODEL), jnp.float32) * s,
        "bq": jnp.zeros((D_MODEL,), jnp.float32),
        "wk": jax.random.normal(ks[5], (D_MODEL, D_MODEL), jnp.float32) * s,
        "bk": jnp.zeros((D_MODEL,), jnp.float32),
        "wv": jax.random.normal(ks[6], (D_MODEL, D_MODEL), jnp.float32) * s,
        "bv": jnp.zeros((D_MODEL,), jnp.float32),
        "wo": jax.random.normal(ks[7], (D_MODEL, D_MODEL), jnp.float32) * s,
        "bo": jnp.zeros((D_MODEL,), jnp.float32),
        "l1w": jax.random.normal(ks[8], (D_MODEL, D_FF), jnp.float32) * s,
        "l1b": jnp.zeros((D_FF,), jnp.float32),
        "l2w": jax.random.normal(ks[9], (D_FF, D_MODEL), jnp.float32) * s,
        "l2b": jnp.zeros((D_MODEL,), jnp.float32),
        "n1g": jnp.ones((D_MODEL,), jnp.float32),
        "n1b": jnp.zeros((D_MODEL,), jnp.float32),
        "n2g": jnp.ones((D_MODEL,), jnp.float32),
        "n2b": jnp.zeros((D_MODEL,), jnp.float32),
    }
    return inp


def _forward(pts_feats, pts_xyz, pts_inds, pm_w1, pm_b1, pm_g, pm_bt, pm_w2, pm_b2,
             wq, bq, wk, bk, wv, bv, wo, bo, l1w, l1b, l2w, l2b, n1g, n1b, n2g, n2b):
    n = pts_feats.shape[0]
    # group: brute-force KNN via pairwise distances + top_k (smallest dist)
    rel = pts_xyz[:, None, :] - pts_xyz[None, :, :]
    dist = jnp.sqrt(jnp.sum(rel * rel, axis=2))
    _, topk_inds = jax.lax.top_k(-dist, K)
    flat = topk_inds.reshape(-1)
    group_feats = jnp.take(pts_feats, flat, axis=0).reshape(n, K, D_MODEL)
    group_xyz = jnp.take(pts_xyz, flat, axis=0).reshape(n, K, 3)
    rel_xyz = group_xyz - pts_xyz[:, None, :]
    # pos embed MLP: Linear(3,32) -> LN -> ReLU -> Linear(32,256)
    h = rel_xyz / 10.0
    h = _ln(h @ pm_w1 + pm_b1, pm_g, pm_bt)
    h = jax.nn.relu(h)
    pos = h @ pm_w2 + pm_b2
    # key padding mask
    key_mask = jnp.sqrt(jnp.sum(rel_xyz * rel_xyz, axis=2)) > MAX_DIST
    src = pts_feats[:, None, :]
    q = src + pos[:, 0:1, :]
    k = group_feats + pos
    v = group_feats
    dh = D_MODEL // NHEAD
    qh = (q @ wq + bq).reshape(n, 1, NHEAD, dh).transpose(0, 2, 1, 3)
    kh = (k @ wk + bk).reshape(n, K, NHEAD, dh).transpose(0, 2, 1, 3)
    vh = (v @ wv + bv).reshape(n, K, NHEAD, dh).transpose(0, 2, 1, 3)
    scores = jnp.einsum('nhqd,nhkd->nhqk', qh, kh) / jnp.sqrt(jnp.float32(dh))
    scores = jnp.where(key_mask[:, None, None, :], jnp.float32(-1e9), scores)
    attn = jax.nn.softmax(scores, axis=-1)
    o = jnp.einsum('nhqk,nhkd->nhqd', attn, vh).transpose(0, 2, 1, 3).reshape(n, 1, D_MODEL)
    o = o @ wo + bo
    src = src + o
    src = _ln(src, n1g, n1b)
    ff = jax.nn.gelu(src @ l1w + l1b, approximate=False)
    ff = ff @ l2w + l2b
    src = src + ff
    src = _ln(src, n2g, n2b)
    return src[:, 0, :]


def reference(pts_feats, pts_xyz, pts_inds, pm_w1, pm_b1, pm_g, pm_bt, pm_w2, pm_b2,
              wq, bq, wk, bk, wv, bv, wo, bo, l1w, l1b, l2w, l2b, n1g, n1b, n2g, n2b):
    return _forward(pts_feats, pts_xyz, pts_inds, pm_w1, pm_b1, pm_g, pm_bt, pm_w2, pm_b2,
                    wq, bq, wk, bk, wv, bv, wo, bo, l1w, l1b, l2w, l2b, n1g, n1b, n2g, n2b)

if __name__ == "__main__":
    import jax
    _d = setup_inputs()
    print(jax.jit(kernel)(*tuple(_d.values())))

</pallas_src>

<mosaic_0001>
#map = affine_map<(d0, d1) -> (0, 0)>
#map1 = affine_map<(d0, d1) -> (0)>
module attributes {stable_mosaic.version = 14 : i64} {
  func.func @_sc_gather_body(%arg0: i32, %arg1: i32, %arg2: memref<8192x384xf32, #tpu.memory_space<hbm>>, %arg3: memref<131072xi32, #tpu.memory_space<hbm>>, %arg4: memref<131072x384xf32, #tpu.memory_space<hbm>>, %arg5: memref<4096xi32, #tpu.memory_space<vmem>>, %arg6: memref<128x384xf32, #tpu.memory_space<vmem>>, %arg7: memref<128x384xf32, #tpu.memory_space<vmem>>, %arg8: memref<!tpu.dma_semaphore, #tpu.memory_space<semaphore_mem>>, %arg9: memref<!tpu.dma_semaphore, #tpu.memory_space<semaphore_mem>>) attributes {dimension_semantics = [#tpu.dimension_semantics<core_parallel>, #tpu.dimension_semantics<subcore_parallel>], iteration_bounds = array<i64: 2, 16>, scalar_prefetch = 0 : i64, scratch_operands = 5 : i64, tpu.core_type = #tpu.core_type<sc_vector_subcore>, window_params = [{transform_indices = #map}, {transform_indices = #map1}, {transform_indices = #map}]} {
    %mul3A = arith.constant 2 : i32
    %mul3A_0 = arith.muli %arg1, %mul3A : i32
    %add3A = arith.addi %mul3A_0, %arg0 : i32
    %mul3A_1 = arith.constant 4096 : i32
    %mul3A_2 = arith.muli %add3A, %mul3A_1 : i32
    "tpu.region"() ({
      %run_scoped3A = tpu.sem_alloc : memref<!tpu.dma_semaphore, #tpu.memory_space<semaphore_mem>>
      %dma_start3A_17 = tpu.memref_slice %arg3[%mul3A_2] : memref<131072xi32, #tpu.memory_space<hbm>> -> memref<4096xi32, #tpu.memory_space<hbm>>
      %dma_start3A_18 = tpu.memref_slice %arg3[%mul3A_2] : memref<131072xi32, #tpu.memory_space<hbm>> -> memref<4096xi32, #tpu.memory_space<hbm>>
      tpu.enqueue_dma source(%dma_start3A_18 : memref<4096xi32, #tpu.memory_space<hbm>>) target(%arg5 : memref<4096xi32, #tpu.memory_space<vmem>>) target_semaphore(%run_scoped3A : memref<!tpu.dma_semaphore, #tpu.memory_space<semaphore_mem>>)
      %dma_wait3A = tpu.memref_slice %arg3[%mul3A_2] : memref<131072xi32, #tpu.memory_space<hbm>> -> memref<4096xi32, #tpu.memory_space<hbm>>
      %dma_wait3A_19 = tpu.memref_slice %arg3[%mul3A_2] : memref<131072xi32, #tpu.memory_space<hbm>> -> memref<4096xi32, #tpu.memory_space<hbm>>
      tpu.wait_dma2 semaphore(%run_scoped3A : memref<!tpu.dma_semaphore, #tpu.memory_space<semaphore_mem>>) src(%dma_wait3A_19 : memref<4096xi32, #tpu.memory_space<hbm>>) dst(%arg5 : memref<4096xi32, #tpu.memory_space<vmem>>)
      tpu.yield
    }) : () -> ()
    %dma_start3A = arith.constant 0 : i32
    %dma_start3A_3 = tpu.memref_slice %arg5[%dma_start3A] : memref<4096xi32, #tpu.memory_space<vmem>> -> memref<128xi32, #tpu.memory_space<vmem>>
    %dma_start3A_4 = arith.constant 0 : i32
    %dma_start3A_5 = arith.constant 0 : i32
    %dma_start3A_6 = tpu.memref_slice %arg2[%dma_start3A_4, %dma_start3A_5] : memref<8192x384xf32, #tpu.memory_space<hbm>> -> memref<8192x384xf32, #tpu.memory_space<hbm>>
    tpu.enqueue_indirect_dma source(%dma_start3A_6 : memref<8192x384xf32, #tpu.memory_space<hbm>>) target(%arg6 : memref<128x384xf32, #tpu.memory_space<vmem>>) offsets(%dma_start3A_3 : memref<128xi32, #tpu.memory_space<vmem>>) semaphore(%arg8 : memref<!tpu.dma_semaphore, #tpu.memory_space<semaphore_mem>>)
    %dma_start3A_7 = arith.constant 128 : i32
    %dma_start3A_8 = tpu.memref_slice %arg5[%dma_start3A_7] : memref<4096xi32, #tpu.memory_space<vmem>> -> memref<128xi32, #tpu.memory_space<vmem>>
    %dma_start3A_9 = arith.constant 0 : i32
    %dma_start3A_10 = arith.constant 0 : i32
    %dma_start3A_11 = tpu.memref_slice %arg2[%dma_start3A_9, %dma_start3A_10] : memref<8192x384xf32, #tpu.memory_space<hbm>> -> memref<8192x384xf32, #tpu.memory_space<hbm>>
    tpu.enqueue_indirect_dma source(%dma_start3A_11 : memref<8192x384xf32, #tpu.memory_space<hbm>>) target(%arg7 : memref<128x384xf32, #tpu.memory_space<vmem>>) offsets(%dma_start3A_8 : memref<128xi32, #tpu.memory_space<vmem>>) semaphore(%arg9 : memref<!tpu.dma_semaphore, #tpu.memory_space<semaphore_mem>>)
    %scan3A = arith.constant 0 : i32
    %scan3A_12 = arith.constant 0 : i32
    %scan3A_13 = arith.constant 16 : i32
    %scan3A_14 = arith.addi %scan3A_12, %scan3A_13 : i32
    %scan3A_15 = arith.constant 1 : i32
    scf.for %scan3A_17 = %scan3A_12 to %scan3A_14 step %scan3A_15  : i32 {
      %mul3A_18 = arith.constant 2 : i32
      %mul3A_19 = arith.muli %scan3A_17, %mul3A_18 : i32
      %dma_wait3A = arith.constant 0 : i32
      %dma_wait3A_20 = tpu.memref_slice %arg5[%dma_wait3A] : memref<4096xi32, #tpu.memory_space<vmem>> -> memref<128xi32, #tpu.memory_space<vmem>>
      %dma_wait3A_21 = arith.constant 0 : i32
      %dma_wait3A_22 = arith.constant 0 : i32
      %dma_wait3A_23 = tpu.memref_slice %arg2[%dma_wait3A_21, %dma_wait3A_22] : memref<8192x384xf32, #tpu.memory_space<hbm>> -> memref<8192x384xf32, #tpu.memory_space<hbm>>
      tpu.wait_indirect_dma semaphore(%arg8 : memref<!tpu.dma_semaphore, #tpu.memory_space<semaphore_mem>>) src(%dma_wait3A_23 : memref<8192x384xf32, #tpu.memory_space<hbm>>) dst(%arg6 : memref<128x384xf32, #tpu.memory_space<vmem>>)
      %mul3A_24 = arith.constant 128 : i32
      %mul3A_25 = arith.muli %mul3A_19, %mul3A_24 : i32
      %add3A_26 = arith.addi %mul3A_2, %mul3A_25 : i32
      "tpu.region"() ({
        %run_scoped3A = tpu.sem_alloc : memref<!tpu.dma_semaphore, #tpu.memory_space<semaphore_mem>>
        %dma_start3A_48 = arith.constant 0 : i32
        %dma_start3A_49 = tpu.memref_slice %arg4[%add3A_26, %dma_start3A_48] : memref<131072x384xf32, #tpu.memory_space<hbm>> -> memref<128x384xf32, #tpu.memory_space<hbm>>
        %dma_start3A_50 = arith.constant 0 : i32
        %dma_start3A_51 = tpu.memref_slice %arg4[%add3A_26, %dma_start3A_50] : memref<131072x384xf32, #tpu.memory_space<hbm>> -> memref<128x384xf32, #tpu.memory_space<hbm>>
        tpu.enqueue_dma source(%arg6 : memref<128x384xf32, #tpu.memory_space<vmem>>) target(%dma_start3A_51 : memref<128x384xf32, #tpu.memory_space<hbm>>) target_semaphore(%run_scoped3A : memref<!tpu.dma_semaphore, #tpu.memory_space<semaphore_mem>>)
        %dma_wait3A_52 = arith.constant 0 : i32
        %dma_wait3A_53 = tpu.memref_slice %arg4[%add3A_26, %dma_wait3A_52] : memref<131072x384xf32, #tpu.memory_space<hbm>> -> memref<128x384xf32, #tpu.memory_space<hbm>>
        %dma_wait3A_54 = arith.constant 0 : i32
        %dma_wait3A_55 = tpu.memref_slice %arg4[%add3A_26, %dma_wait3A_54] : memref<131072x384xf32, #tpu.memory_space<hbm>> -> memref<128x384xf32, #tpu.memory_space<hbm>>
        tpu.wait_dma2 semaphore(%run_scoped3A : memref<!tpu.dma_semaphore, #tpu.memory_space<semaphore_mem>>) src(%arg6 : memref<128x384xf32, #tpu.memory_space<vmem>>) dst(%dma_wait3A_55 : memref<128x384xf32, #tpu.memory_space<hbm>>)
        tpu.yield
      }) : () -> ()
      %add3A_27 = arith.constant 2 : i32
      %add3A_28 = arith.addi %mul3A_19, %add3A_27 : i32
      %lt3A = arith.constant 32 : i32
      %lt3A_29 = arith.cmpi slt, %add3A_28, %lt3A : i32
      %convert_element_type3A = arith.extui %lt3A_29 : i1 to i32
      %cond3A = arith.constant 0 : i32
      %cond3A_30 = arith.cmpi ne, %convert_element_type3A, %cond3A : i32
      scf.if %cond3A_30 {
        %add3A_48 = arith.constant 2 : i32
        %add3A_49 = arith.addi %mul3A_19, %add3A_48 : i32
        %mul3A_50 = arith.constant 128 : i32
        %mul3A_51 = arith.muli %add3A_49, %mul3A_50 : i32
        %dma_start3A_52 = tpu.memref_slice %arg5[%mul3A_51] : memref<4096xi32, #tpu.memory_space<vmem>> -> memref<128xi32, #tpu.memory_space<vmem>>
        %dma_start3A_53 = arith.constant 0 : i32
        %dma_start3A_54 = arith.constant 0 : i32
        %dma_start3A_55 = tpu.memref_slice %arg2[%dma_start3A_53, %dma_start3A_54] : memref<8192x384xf32, #tpu.memory_space<hbm>> -> memref<8192x384xf32, #tpu.memory_space<hbm>>
        tpu.enqueue_indirect_dma source(%dma_start3A_55 : memref<8192x384xf32, #tpu.memory_space<hbm>>) target(%arg6 : memref<128x384xf32, #tpu.memory_space<vmem>>) offsets(%dma_start3A_52 : memref<128xi32, #tpu.memory_space<vmem>>) semaphore(%arg8 : memref<!tpu.dma_semaphore, #tpu.memory_space<semaphore_mem>>)
      } else {
      }
      %add3A_31 = arith.constant 1 : i32
      %add3A_32 = arith.addi %mul3A_19, %add3A_31 : i32
      %dma_wait3A_33 = arith.constant 0 : i32
      %dma_wait3A_34 = tpu.memref_slice %arg5[%dma_wait3A_33] : memref<4096xi32, #tpu.memory_space<vmem>> -> memref<128xi32, #tpu.memory_space<vmem>>
      %dma_wait3A_35 = arith.constant 0 : i32
      %dma_wait3A_36 = arith.constant 0 : i32
      %dma_wait3A_37 = tpu.memref_slice %arg2[%dma_wait3A_35, %dma_wait3A_36] : memref<8192x384xf32, #tpu.memory_space<hbm>> -> memref<8192x384xf32, #tpu.memory_space<hbm>>
      tpu.wait_indirect_dma semaphore(%arg9 : memref<!tpu.dma_semaphore, #tpu.memory_space<semaphore_mem>>) src(%dma_wait3A_37 : memref<8192x384xf32, #tpu.memory_space<hbm>>) dst(%arg7 : memref<128x384xf32, #tpu.memory_space<vmem>>)
      %mul3A_38 = arith.constant 128 : i32
      %mul3A_39 = arith.muli %add3A_32, %mul3A_38 : i32
      %add3A_40 = arith.addi %mul3A_2, %mul3A_39 : i32
      "tpu.region"() ({
        %run_scoped3A = tpu.sem_alloc : memref<!tpu.dma_semaphore, #tpu.memory_space<semaphore_mem>>
        %dma_start3A_48 = arith.constant 0 : i32
        %dma_start3A_49 = tpu.memref_slice %arg4[%add3A_40, %dma_start3A_48] : memref<131072x384xf32, #tpu.memory_space<hbm>> -> memref<128x384xf32, #tpu.memory_space<hbm>>
        %dma_start3A_50 = arith.constant 0 : i32
        %dma_start3A_51 = tpu.memref_slice %arg4[%add3A_40, %dma_start3A_50] : memref<131072x384xf32, #tpu.memory_space<hbm>> -> memref<128x384xf32, #tpu.memory_space<hbm>>
        tpu.enqueue_dma source(%arg7 : memref<128x384xf32, #tpu.memory_space<vmem>>) target(%dma_start3A_51 : memref<128x384xf32, #tpu.memory_space<hbm>>) target_semaphore(%run_scoped3A : memref<!tpu.dma_semaphore, #tpu.memory_space<semaphore_mem>>)
        %dma_wait3A_52 = arith.constant 0 : i32
        %dma_wait3A_53 = tpu.memref_slice %arg4[%add3A_40, %dma_wait3A_52] : memref<131072x384xf32, #tpu.memory_space<hbm>> -> memref<128x384xf32, #tpu.memory_space<hbm>>
        %dma_wait3A_54 = arith.constant 0 : i32
        %dma_wait3A_55 = tpu.memref_slice %arg4[%add3A_40, %dma_wait3A_54] : memref<131072x384xf32, #tpu.memory_space<hbm>> -> memref<128x384xf32, #tpu.memory_space<hbm>>
        tpu.wait_dma2 semaphore(%run_scoped3A : memref<!tpu.dma_semaphore, #tpu.memory_space<semaphore_mem>>) src(%arg7 : memref<128x384xf32, #tpu.memory_space<vmem>>) dst(%dma_wait3A_55 : memref<128x384xf32, #tpu.memory_space<hbm>>)
        tpu.yield
      }) : () -> ()
      %add3A_41 = arith.constant 3 : i32
      %add3A_42 = arith.addi %mul3A_19, %add3A_41 : i32
      %lt3A_43 = arith.constant 32 : i32
      %lt3A_44 = arith.cmpi slt, %add3A_42, %lt3A_43 : i32
      %convert_element_type3A_45 = arith.extui %lt3A_44 : i1 to i32
      %cond3A_46 = arith.constant 0 : i32
      %cond3A_47 = arith.cmpi ne, %convert_element_type3A_45, %cond3A_46 : i32
      scf.if %cond3A_47 {
        %add3A_48 = arith.constant 3 : i32
        %add3A_49 = arith.addi %mul3A_19, %add3A_48 : i32
        %mul3A_50 = arith.constant 128 : i32
        %mul3A_51 = arith.muli %add3A_49, %mul3A_50 : i32
        %dma_start3A_52 = tpu.memref_slice %arg5[%mul3A_51] : memref<4096xi32, #tpu.memory_space<vmem>> -> memref<128xi32, #tpu.memory_space<vmem>>
        %dma_start3A_53 = arith.constant 0 : i32
        %dma_start3A_54 = arith.constant 0 : i32
        %dma_start3A_55 = tpu.memref_slice %arg2[%dma_start3A_53, %dma_start3A_54] : memref<8192x384xf32, #tpu.memory_space<hbm>> -> memref<8192x384xf32, #tpu.memory_space<hbm>>
        tpu.enqueue_indirect_dma source(%dma_start3A_55 : memref<8192x384xf32, #tpu.memory_space<hbm>>) target(%arg7 : memref<128x384xf32, #tpu.memory_space<vmem>>) offsets(%dma_start3A_52 : memref<128xi32, #tpu.memory_space<vmem>>) semaphore(%arg9 : memref<!tpu.dma_semaphore, #tpu.memory_space<semaphore_mem>>)
      } else {
      }
    }
    %scan3A_16 = arith.constant 16 : i32
    return
  }
}

#map = affine_map<(d0, d1) -> (0, 0)>
#map1 = affine_map<(d0, d1) -> (0)>
module attributes {stable_mosaic.version = 14 : i64} {
  func.func @_sc_gather_body(%arg0: i32, %arg1: i32, %arg2: memref<524288x128xf32, #tpu.memory_space<hbm>>, %arg3: memref<131072xi32, #tpu.memory_space<hbm>>, %arg4: memref<131072x128xf32, #tpu.memory_space<hbm>>, %arg5: memref<4096xi32, #tpu.memory_space<vmem>>, %arg6: memref<128x128xf32, #tpu.memory_space<vmem>>, %arg7: memref<128x128xf32, #tpu.memory_space<vmem>>, %arg8: memref<!tpu.dma_semaphore, #tpu.memory_space<semaphore_mem>>, %arg9: memref<!tpu.dma_semaphore, #tpu.memory_space<semaphore_mem>>) attributes {dimension_semantics = [#tpu.dimension_semantics<core_parallel>, #tpu.dimension_semantics<subcore_parallel>], iteration_bounds = array<i64: 2, 16>, scalar_prefetch = 0 : i64, scratch_operands = 5 : i64, tpu.core_type = #tpu.core_type<sc_vector_subcore>, window_params = [{transform_indices = #map}, {transform_indices = #map1}, {transform_indices = #map}]} {
    %mul3A = arith.constant 2 : i32
    %mul3A_0 = arith.muli %arg1, %mul3A : i32
    %add3A = arith.addi %mul3A_0, %arg0 : i32
    %mul3A_1 = arith.constant 4096 : i32
    %mul3A_2 = arith.muli %add3A, %mul3A_1 : i32
    "tpu.region"() ({
      %run_scoped3A = tpu.sem_alloc : memref<!tpu.dma_semaphore, #tpu.memory_space<semaphore_mem>>
      %dma_start3A_17 = tpu.memref_slice %arg3[%mul3A_2] : memref<131072xi32, #tpu.memory_space<hbm>> -> memref<4096xi32, #tpu.memory_space<hbm>>
      %dma_start3A_18 = tpu.memref_slice %arg3[%mul3A_2] : memref<131072xi32, #tpu.memory_space<hbm>> -> memref<4096xi32, #tpu.memory_space<hbm>>
      tpu.enqueue_dma source(%dma_start3A_18 : memref<4096xi32, #tpu.memory_space<hbm>>) target(%arg5 : memref<4096xi32, #tpu.memory_space<vmem>>) target_semaphore(%run_scoped3A : memref<!tpu.dma_semaphore, #tpu.memory_space<semaphore_mem>>)
      %dma_wait3A = tpu.memref_slice %arg3[%mul3A_2] : memref<131072xi32, #tpu.memory_space<hbm>> -> memref<4096xi32, #tpu.memory_space<hbm>>
      %dma_wait3A_19 = tpu.memref_slice %arg3[%mul3A_2] : memref<131072xi32, #tpu.memory_space<hbm>> -> memref<4096xi32, #tpu.memory_space<hbm>>
      tpu.wait_dma2 semaphore(%run_scoped3A : memref<!tpu.dma_semaphore, #tpu.memory_space<semaphore_mem>>) src(%dma_wait3A_19 : memref<4096xi32, #tpu.memory_space<hbm>>) dst(%arg5 : memref<4096xi32, #tpu.memory_space<vmem>>)
      tpu.yield
    }) : () -> ()
    %dma_start3A = arith.constant 0 : i32
    %dma_start3A_3 = tpu.memref_slice %arg5[%dma_start3A] : memref<4096xi32, #tpu.memory_space<vmem>> -> memref<128xi32, #tpu.memory_space<vmem>>
    %dma_start3A_4 = arith.constant 0 : i32
    %dma_start3A_5 = arith.constant 0 : i32
    %dma_start3A_6 = tpu.memref_slice %arg2[%dma_start3A_4, %dma_start3A_5] : memref<524288x128xf32, #tpu.memory_space<hbm>> -> memref<524288x128xf32, #tpu.memory_space<hbm>>
    tpu.enqueue_indirect_dma source(%dma_start3A_6 : memref<524288x128xf32, #tpu.memory_space<hbm>>) target(%arg6 : memref<128x128xf32, #tpu.memory_space<vmem>>) offsets(%dma_start3A_3 : memref<128xi32, #tpu.memory_space<vmem>>) semaphore(%arg8 : memref<!tpu.dma_semaphore, #tpu.memory_space<semaphore_mem>>)
    %dma_start3A_7 = arith.constant 128 : i32
    %dma_start3A_8 = tpu.memref_slice %arg5[%dma_start3A_7] : memref<4096xi32, #tpu.memory_space<vmem>> -> memref<128xi32, #tpu.memory_space<vmem>>
    %dma_start3A_9 = arith.constant 0 : i32
    %dma_start3A_10 = arith.constant 0 : i32
    %dma_start3A_11 = tpu.memref_slice %arg2[%dma_start3A_9, %dma_start3A_10] : memref<524288x128xf32, #tpu.memory_space<hbm>> -> memref<524288x128xf32, #tpu.memory_space<hbm>>
    tpu.enqueue_indirect_dma source(%dma_start3A_11 : memref<524288x128xf32, #tpu.memory_space<hbm>>) target(%arg7 : memref<128x128xf32, #tpu.memory_space<vmem>>) offsets(%dma_start3A_8 : memref<128xi32, #tpu.memory_space<vmem>>) semaphore(%arg9 : memref<!tpu.dma_semaphore, #tpu.memory_space<semaphore_mem>>)
    %scan3A = arith.constant 0 : i32
    %scan3A_12 = arith.constant 0 : i32
    %scan3A_13 = arith.constant 16 : i32
    %scan3A_14 = arith.addi %scan3A_12, %scan3A_13 : i32
    %scan3A_15 = arith.constant 1 : i32
    scf.for %scan3A_17 = %scan3A_12 to %scan3A_14 step %scan3A_15  : i32 {
      %mul3A_18 = arith.constant 2 : i32
      %mul3A_19 = arith.muli %scan3A_17, %mul3A_18 : i32
      %dma_wait3A = arith.constant 0 : i32
      %dma_wait3A_20 = tpu.memref_slice %arg5[%dma_wait3A] : memref<4096xi32, #tpu.memory_space<vmem>> -> memref<128xi32, #tpu.memory_space<vmem>>
      %dma_wait3A_21 = arith.constant 0 : i32
      %dma_wait3A_22 = arith.constant 0 : i32
      %dma_wait3A_23 = tpu.memref_slice %arg2[%dma_wait3A_21, %dma_wait3A_22] : memref<524288x128xf32, #tpu.memory_space<hbm>> -> memref<524288x128xf32, #tpu.memory_space<hbm>>
      tpu.wait_indirect_dma semaphore(%arg8 : memref<!tpu.dma_semaphore, #tpu.memory_space<semaphore_mem>>) src(%dma_wait3A_23 : memref<524288x128xf32, #tpu.memory_space<hbm>>) dst(%arg6 : memref<128x128xf32, #tpu.memory_space<vmem>>)
      %mul3A_24 = arith.constant 128 : i32
      %mul3A_25 = arith.muli %mul3A_19, %mul3A_24 : i32
      %add3A_26 = arith.addi %mul3A_2, %mul3A_25 : i32
      "tpu.region"() ({
        %run_scoped3A = tpu.sem_alloc : memref<!tpu.dma_semaphore, #tpu.memory_space<semaphore_mem>>
        %dma_start3A_48 = arith.constant 0 : i32
        %dma_start3A_49 = tpu.memref_slice %arg4[%add3A_26, %dma_start3A_48] : memref<131072x128xf32, #tpu.memory_space<hbm>> -> memref<128x128xf32, #tpu.memory_space<hbm>>
        %dma_start3A_50 = arith.constant 0 : i32
        %dma_start3A_51 = tpu.memref_slice %arg4[%add3A_26, %dma_start3A_50] : memref<131072x128xf32, #tpu.memory_space<hbm>> -> memref<128x128xf32, #tpu.memory_space<hbm>>
        tpu.enqueue_dma source(%arg6 : memref<128x128xf32, #tpu.memory_space<vmem>>) target(%dma_start3A_51 : memref<128x128xf32, #tpu.memory_space<hbm>>) target_semaphore(%run_scoped3A : memref<!tpu.dma_semaphore, #tpu.memory_space<semaphore_mem>>)
        %dma_wait3A_52 = arith.constant 0 : i32
        %dma_wait3A_53 = tpu.memref_slice %arg4[%add3A_26, %dma_wait3A_52] : memref<131072x128xf32, #tpu.memory_space<hbm>> -> memref<128x128xf32, #tpu.memory_space<hbm>>
        %dma_wait3A_54 = arith.constant 0 : i32
        %dma_wait3A_55 = tpu.memref_slice %arg4[%add3A_26, %dma_wait3A_54] : memref<131072x128xf32, #tpu.memory_space<hbm>> -> memref<128x128xf32, #tpu.memory_space<hbm>>
        tpu.wait_dma2 semaphore(%run_scoped3A : memref<!tpu.dma_semaphore, #tpu.memory_space<semaphore_mem>>) src(%arg6 : memref<128x128xf32, #tpu.memory_space<vmem>>) dst(%dma_wait3A_55 : memref<128x128xf32, #tpu.memory_space<hbm>>)
        tpu.yield
      }) : () -> ()
      %add3A_27 = arith.constant 2 : i32
      %add3A_28 = arith.addi %mul3A_19, %add3A_27 : i32
      %lt3A = arith.constant 32 : i32
      %lt3A_29 = arith.cmpi slt, %add3A_28, %lt3A : i32
      %convert_element_type3A = arith.extui %lt3A_29 : i1 to i32
      %cond3A = arith.constant 0 : i32
      %cond3A_30 = arith.cmpi ne, %convert_element_type3A, %cond3A : i32
      scf.if %cond3A_30 {
        %add3A_48 = arith.constant 2 : i32
        %add3A_49 = arith.addi %mul3A_19, %add3A_48 : i32
        %mul3A_50 = arith.constant 128 : i32
        %mul3A_51 = arith.muli %add3A_49, %mul3A_50 : i32
        %dma_start3A_52 = tpu.memref_slice %arg5[%mul3A_51] : memref<4096xi32, #tpu.memory_space<vmem>> -> memref<128xi32, #tpu.memory_space<vmem>>
        %dma_start3A_53 = arith.constant 0 : i32
        %dma_start3A_54 = arith.constant 0 : i32
        %dma_start3A_55 = tpu.memref_slice %arg2[%dma_start3A_53, %dma_start3A_54] : memref<524288x128xf32, #tpu.memory_space<hbm>> -> memref<524288x128xf32, #tpu.memory_space<hbm>>
        tpu.enqueue_indirect_dma source(%dma_start3A_55 : memref<524288x128xf32, #tpu.memory_space<hbm>>) target(%arg6 : memref<128x128xf32, #tpu.memory_space<vmem>>) offsets(%dma_start3A_52 : memref<128xi32, #tpu.memory_space<vmem>>) semaphore(%arg8 : memref<!tpu.dma_semaphore, #tpu.memory_space<semaphore_mem>>)
      } else {
      }
      %add3A_31 = arith.constant 1 : i32
      %add3A_32 = arith.addi %mul3A_19, %add3A_31 : i32
      %dma_wait3A_33 = arith.constant 0 : i32
      %dma_wait3A_34 = tpu.memref_slice %arg5[%dma_wait3A_33] : memref<4096xi32, #tpu.memory_space<vmem>> -> memref<128xi32, #tpu.memory_space<vmem>>
      %dma_wait3A_35 = arith.constant 0 : i32
      %dma_wait3A_36 = arith.constant 0 : i32
      %dma_wait3A_37 = tpu.memref_slice %arg2[%dma_wait3A_35, %dma_wait3A_36] : memref<524288x128xf32, #tpu.memory_space<hbm>> -> memref<524288x128xf32, #tpu.memory_space<hbm>>
      tpu.wait_indirect_dma semaphore(%arg9 : memref<!tpu.dma_semaphore, #tpu.memory_space<semaphore_mem>>) src(%dma_wait3A_37 : memref<524288x128xf32, #tpu.memory_space<hbm>>) dst(%arg7 : memref<128x128xf32, #tpu.memory_space<vmem>>)
      %mul3A_38 = arith.constant 128 : i32
      %mul3A_39 = arith.muli %add3A_32, %mul3A_38 : i32
      %add3A_40 = arith.addi %mul3A_2, %mul3A_39 : i32
      "tpu.region"() ({
        %run_scoped3A = tpu.sem_alloc : memref<!tpu.dma_semaphore, #tpu.memory_space<semaphore_mem>>
        %dma_start3A_48 = arith.constant 0 : i32
        %dma_start3A_49 = tpu.memref_slice %arg4[%add3A_40, %dma_start3A_48] : memref<131072x128xf32, #tpu.memory_space<hbm>> -> memref<128x128xf32, #tpu.memory_space<hbm>>
        %dma_start3A_50 = arith.constant 0 : i32
        %dma_start3A_51 = tpu.memref_slice %arg4[%add3A_40, %dma_start3A_50] : memref<131072x128xf32, #tpu.memory_space<hbm>> -> memref<128x128xf32, #tpu.memory_space<hbm>>
        tpu.enqueue_dma source(%arg7 : memref<128x128xf32, #tpu.memory_space<vmem>>) target(%dma_start3A_51 : memref<128x128xf32, #tpu.memory_space<hbm>>) target_semaphore(%run_scoped3A : memref<!tpu.dma_semaphore, #tpu.memory_space<semaphore_mem>>)
        %dma_wait3A_52 = arith.constant 0 : i32
        %dma_wait3A_53 = tpu.memref_slice %arg4[%add3A_40, %dma_wait3A_52] : memref<131072x128xf32, #tpu.memory_space<hbm>> -> memref<128x128xf32, #tpu.memory_space<hbm>>
        %dma_wait3A_54 = arith.constant 0 : i32
        %dma_wait3A_55 = tpu.memref_slice %arg4[%add3A_40, %dma_wait3A_54] : memref<131072x128xf32, #tpu.memory_space<hbm>> -> memref<128x128xf32, #tpu.memory_space<hbm>>
        tpu.wait_dma2 semaphore(%run_scoped3A : memref<!tpu.dma_semaphore, #tpu.memory_space<semaphore_mem>>) src(%arg7 : memref<128x128xf32, #tpu.memory_space<vmem>>) dst(%dma_wait3A_55 : memref<128x128xf32, #tpu.memory_space<hbm>>)
        tpu.yield
      }) : () -> ()
      %add3A_41 = arith.constant 3 : i32
      %add3A_42 = arith.addi %mul3A_19, %add3A_41 : i32
      %lt3A_43 = arith.constant 32 : i32
      %lt3A_44 = arith.cmpi slt, %add3A_42, %lt3A_43 : i32
      %convert_element_type3A_45 = arith.extui %lt3A_44 : i1 to i32
      %cond3A_46 = arith.constant 0 : i32
      %cond3A_47 = arith.cmpi ne, %convert_element_type3A_45, %cond3A_46 : i32
      scf.if %cond3A_47 {
        %add3A_48 = arith.constant 3 : i32
        %add3A_49 = arith.addi %mul3A_19, %add3A_48 : i32
        %mul3A_50 = arith.constant 128 : i32
        %mul3A_51 = arith.muli %add3A_49, %mul3A_50 : i32
        %dma_start3A_52 = tpu.memref_slice %arg5[%mul3A_51] : memref<4096xi32, #tpu.memory_space<vmem>> -> memref<128xi32, #tpu.memory_space<vmem>>
        %dma_start3A_53 = arith.constant 0 : i32
        %dma_start3A_54 = arith.constant 0 : i32
        %dma_start3A_55 = tpu.memref_slice %arg2[%dma_start3A_53, %dma_start3A_54] : memref<524288x128xf32, #tpu.memory_space<hbm>> -> memref<524288x128xf32, #tpu.memory_space<hbm>>
        tpu.enqueue_indirect_dma source(%dma_start3A_55 : memref<524288x128xf32, #tpu.memory_space<hbm>>) target(%arg7 : memref<128x128xf32, #tpu.memory_space<vmem>>) offsets(%dma_start3A_52 : memref<128xi32, #tpu.memory_space<vmem>>) semaphore(%arg9 : memref<!tpu.dma_semaphore, #tpu.memory_space<semaphore_mem>>)
      } else {
      }
    }
    %scan3A_16 = arith.constant 16 : i32
    return
  }
}

module attributes {stable_mosaic.version = 14 : i64} {
  func.func @_knn_body(%arg0: i32, %arg1: memref<64x8xf32, #tpu.memory_space<vmem>>, %arg2: memref<8x8192xf32, #tpu.memory_space<vmem>>, %arg3: memref<64x8192xf32, #tpu.memory_space<vmem>>, %arg4: memref<64x16xi32, #tpu.memory_space<vmem>>, %arg5: memref<64x16xi32, #tpu.memory_space<vmem>>) attributes {dimension_semantics = [#tpu.dimension_semantics<arbitrary>], iteration_bounds = array<i64: 128>, scalar_prefetch = 0 : i64, scratch_operands = 0 : i64, tpu.core_type = #tpu.core_type<tc>, window_params = [{transform_indices = @transform_0, window_bounds = array<i64: 64, 8>}, {pipeline_mode = #tpu.pipeline_mode<synchronous>, transform_indices = @transform_1, window_bounds = array<i64: 8, 8192>}, {transform_indices = @transform_2, window_bounds = array<i64: 64, 8192>}, {transform_indices = @transform_3, window_bounds = array<i64: 64, 16>}, {transform_indices = @transform_4, window_bounds = array<i64: 64, 16>}]} {
    %get3A = arith.constant 0 : index
    %get3A_0 = arith.constant 0 : index
    %get3A_1 = vector.load %arg1[%get3A, %get3A_0] : memref<64x8xf32, #tpu.memory_space<vmem>>, vector<64x1xf32>
    %get3A_2 = arith.constant 0 : index
    %get3A_3 = arith.constant 0 : index
    %get3A_4 = vector.load %arg2[%get3A_2, %get3A_3] : memref<8x8192xf32, #tpu.memory_space<vmem>>, vector<1x8192xf32>
    %sub3A = vector.broadcast %get3A_1 : vector<64x1xf32> to vector<64x8192xf32>
    %sub3A_5 = vector.broadcast %get3A_4 : vector<1x8192xf32> to vector<64x8192xf32>
    %sub3A_6 = arith.subf %sub3A, %sub3A_5 : vector<64x8192xf32>
    %mul3A = arith.mulf %sub3A_6, %sub3A_6 : vector<64x8192xf32>
    %get3A_7 = arith.constant 0 : index
    %get3A_8 = arith.constant 1 : index
    %get3A_9 = vector.load %arg1[%get3A_7, %get3A_8] : memref<64x8xf32, #tpu.memory_space<vmem>>, vector<64x1xf32>
    %get3A_10 = arith.constant 1 : index
    %get3A_11 = arith.constant 0 : index
    %get3A_12 = vector.load %arg2[%get3A_10, %get3A_11] : memref<8x8192xf32, #tpu.memory_space<vmem>>, vector<1x8192xf32>
    %sub3A_13 = vector.broadcast %get3A_9 : vector<64x1xf32> to vector<64x8192xf32>
    %sub3A_14 = vector.broadcast %get3A_12 : vector<1x8192xf32> to vector<64x8192xf32>
    %sub3A_15 = arith.subf %sub3A_13, %sub3A_14 : vector<64x8192xf32>
    %mul3A_16 = arith.mulf %sub3A_15, %sub3A_15 : vector<64x8192xf32>
    %add3A = arith.addf %mul3A, %mul3A_16 : vector<64x8192xf32>
    %get3A_17 = arith.constant 0 : index
    %get3A_18 = arith.constant 2 : index
    %get3A_19 = vector.load %arg1[%get3A_17, %get3A_18] : memref<64x8xf32, #tpu.memory_space<vmem>>, vector<64x1xf32>
    %get3A_20 = arith.constant 2 : index
    %get3A_21 = arith.constant 0 : index
    %get3A_22 = vector.load %arg2[%get3A_20, %get3A_21] : memref<8x8192xf32, #tpu.memory_space<vmem>>, vector<1x8192xf32>
    %sub3A_23 = vector.broadcast %get3A_19 : vector<64x1xf32> to vector<64x8192xf32>
    %sub3A_24 = vector.broadcast %get3A_22 : vector<1x8192xf32> to vector<64x8192xf32>
    %sub3A_25 = arith.subf %sub3A_23, %sub3A_24 : vector<64x8192xf32>
    %mul3A_26 = arith.mulf %sub3A_25, %sub3A_25 : vector<64x8192xf32>
    %add3A_27 = arith.addf %add3A, %mul3A_26 : vector<64x8192xf32>
    %swap3A = arith.constant 0 : index
    %swap3A_28 = arith.constant 0 : index
    %swap3A_29 = vector.load %arg3[%swap3A, %swap3A_28] : memref<64x8192xf32, #tpu.memory_space<vmem>>, vector<64x8192xf32>
    tpu.vector_store %arg3[%swap3A, %swap3A_28], %add3A_27 {strides = array<i32>} : memref<64x8192xf32, #tpu.memory_space<vmem>>, vector<64x8192xf32>,
    %slice3A = vector.extract_strided_slice %add3A_27 {offsets = [0, 0], sizes = [64, 128], strides = [1, 1]} : vector<64x8192xf32> to vector<64x128xf32>
    %reduce_min3A = arith.constant dense<0x7F800000> : vector<64xf32>
    %reduce_min3A_30 = vector.multi_reduction <minimumf>, %slice3A, %reduce_min3A [1] : vector<64x128xf32> to vector<64xf32>
    %broadcast_in_dim3A = vector.shape_cast %reduce_min3A_30 : vector<64xf32> to vector<64x1xf32>
    %slice3A_31 = vector.extract_strided_slice %add3A_27 {offsets = [0, 128], sizes = [64, 128], strides = [1, 1]} : vector<64x8192xf32> to vector<64x128xf32>
    %reduce_min3A_32 = arith.constant dense<0x7F800000> : vector<64xf32>
    %reduce_min3A_33 = vector.multi_reduction <minimumf>, %slice3A_31, %reduce_min3A_32 [1] : vector<64x128xf32> to vector<64xf32>
    %broadcast_in_dim3A_34 = vector.shape_cast %reduce_min3A_33 : vector<64xf32> to vector<64x1xf32>
    %slice3A_35 = vector.extract_strided_slice %add3A_27 {offsets = [0, 256], sizes = [64, 128], strides = [1, 1]} : vector<64x8192xf32> to vector<64x128xf32>
    %reduce_min3A_36 = arith.constant dense<0x7F800000> : vector<64xf32>
    %reduce_min3A_37 = vector.multi_reduction <minimumf>, %slice3A_35, %reduce_min3A_36 [1] : vector<64x128xf32> to vector<64xf32>
    %broadcast_in_dim3A_38 = vector.shape_cast %reduce_min3A_37 : vector<64xf32> to vector<64x1xf32>
    %slice3A_39 = vector.extract_strided_slice %add3A_27 {offsets = [0, 384], sizes = [64, 128], strides = [1, 1]} : vector<64x8192xf32> to vector<64x128xf32>
    %reduce_min3A_40 = arith.constant dense<0x7F800000> : vector<64xf32>
    %reduce_min3A_41 = vector.multi_reduction <minimumf>, %slice3A_39, %reduce_min3A_40 [1] : vector<64x128xf32> to vector<64xf32>
    %broadcast_in_dim3A_42 = vector.shape_cast %reduce_min3A_41 : vector<64xf32> to vector<64x1xf32>
    %slice3A_43 = vector.extract_strided_slice %add3A_27 {offsets = [0, 512], sizes = [64, 128], strides = [1, 1]} : vector<64x8192xf32> to vector<64x128xf32>
    %reduce_min3A_44 = arith.constant dense<0x7F800000> : vector<64xf32>
    %reduce_min3A_45 = vector.multi_reduction <minimumf>, %slice3A_43, %reduce_min3A_44 [1] : vector<64x128xf32> to vector<64xf32>
    %broadcast_in_dim3A_46 = vector.shape_cast %reduce_min3A_45 : vector<64xf32> to vector<64x1xf32>
    %slice3A_47 = vector.extract_strided_slice %add3A_27 {offsets = [0, 640], sizes = [64, 128], strides = [1, 1]} : vector<64x8192xf32> to vector<64x128xf32>
    %reduce_min3A_48 = arith.constant dense<0x7F800000> : vector<64xf32>
    %reduce_min3A_49 = vector.multi_reduction <minimumf>, %slice3A_47, %reduce_min3A_48 [1] : vector<64x128xf32> to vector<64xf32>
    %broadcast_in_dim3A_50 = vector.shape_cast %reduce_min3A_49 : vector<64xf32> to vector<64x1xf32>
    %slice3A_51 = vector.extract_strided_slice %add3A_27 {offsets = [0, 768], sizes = [64, 128], strides = [1, 1]} : vector<64x8192xf32> to vector<64x128xf32>
    %reduce_min3A_52 = arith.constant dense<0x7F800000> : vector<64xf32>
    %reduce_min3A_53 = vector.multi_reduction <minimumf>, %slice3A_51, %reduce_min3A_52 [1] : vector<64x128xf32> to vector<64xf32>
    %broadcast_in_dim3A_54 = vector.shape_cast %reduce_min3A_53 : vector<64xf32> to vector<64x1xf32>
    %slice3A_55 = vector.extract_strided_slice %add3A_27 {offsets = [0, 896], sizes = [64, 128], strides = [1, 1]} : vector<64x8192xf32> to vector<64x128xf32>
    %reduce_min3A_56 = arith.constant dense<0x7F800000> : vector<64xf32>
    %reduce_min3A_57 = vector.multi_reduction <minimumf>, %slice3A_55, %reduce_min3A_56 [1] : vector<64x128xf32> to vector<64xf32>
    %broadcast_in_dim3A_58 = vector.shape_cast %reduce_min3A_57 : vector<64xf32> to vector<64x1xf32>
    %slice3A_59 = vector.extract_strided_slice %add3A_27 {offsets = [0, 1024], sizes = [64, 128], strides = [1, 1]} : vector<64x8192xf32> to vector<64x128xf32>
    %reduce_min3A_60 = arith.constant dense<0x7F800000> : vector<64xf32>
    %reduce_min3A_61 = vector.multi_reduction <minimumf>, %slice3A_59, %reduce_min3A_60 [1] : vector<64x128xf32> to vector<64xf32>
    %broadcast_in_dim3A_62 = vector.shape_cast %reduce_min3A_61 : vector<64xf32> to vector<64x1xf32>
    %slice3A_63 = vector.extract_strided_slice %add3A_27 {offsets = [0, 1152], sizes = [64, 128], strides = [1, 1]} : vector<64x8192xf32> to vector<64x128xf32>
    %reduce_min3A_64 = arith.constant dense<0x7F800000> : vector<64xf32>
    %reduce_min3A_65 = vector.multi_reduction <minimumf>, %slice3A_63, %reduce_min3A_64 [1] : vector<64x128xf32> to vector<64xf32>
    %broadcast_in_dim3A_66 = vector.shape_cast %reduce_min3A_65 : vector<64xf32> to vector<64x1xf32>
    %slice3A_67 = vector.extract_strided_slice %add3A_27 {offsets = [0, 1280], sizes = [64, 128], strides = [1, 1]} : vector<64x8192xf32> to vector<64x128xf32>
    %reduce_min3A_68 = arith.constant dense<0x7F800000> : vector<64xf32>
    %reduce_min3A_69 = vector.multi_reduction <minimumf>, %slice3A_67, %reduce_min3A_68 [1] : vector<64x128xf32> to vector<64xf32>
    %broadcast_in_dim3A_70 = vector.shape_cast %reduce_min3A_69 : vector<64xf32> to vector<64x1xf32>
    %slice3A_71 = vector.extract_strided_slice %add3A_27 {offsets = [0, 1408], sizes = [64, 128], strides = [1, 1]} : vector<64x8192xf32> to vector<64x128xf32>
    %reduce_min3A_72 = arith.constant dense<0x7F800000> : vector<64xf32>
    %reduce_min3A_73 = vector.multi_reduction <minimumf>, %slice3A_71, %reduce_min3A_72 [1] : vector<64x128xf32> to vector<64xf32>
    %broadcast_in_dim3A_74 = vector.shape_cast %reduce_min3A_73 : vector<64xf32> to vector<64x1xf32>
    %slice3A_75 = vector.extract_strided_slice %add3A_27 {offsets = [0, 1536], sizes = [64, 128], strides = [1, 1]} : vector<64x8192xf32> to vector<64x128xf32>
    %reduce_min3A_76 = arith.constant dense<0x7F800000> : vector<64xf32>
    %reduce_min3A_77 = vector.multi_reduction <minimumf>, %slice3A_75, %reduce_min3A_76 [1] : vector<64x128xf32> to vector<64xf32>
    %broadcast_in_dim3A_78 = vector.shape_cast %reduce_min3A_77 : vector<64xf32> to vector<64x1xf32>
    %slice3A_79 = vector.extract_strided_slice %add3A_27 {offsets = [0, 1664], sizes = [64, 128], strides = [1, 1]} : vector<64x8192xf32> to vector<64x128xf32>
    %reduce_min3A_80 = arith.constant dense<0x7F800000> : vector<64xf32>
    %reduce_min3A_81 = vector.multi_reduction <minimumf>, %slice3A_79, %reduce_min3A_80 [1] : vector<64x128xf32> to vector<64xf32>
    %broadcast_in_dim3A_82 = vector.shape_cast %reduce_min3A_81 : vector<64xf32> to vector<64x1xf32>
    %slice3A_83 = vector.extract_strided_slice %add3A_27 {offsets = [0, 1792], sizes = [64, 128], strides = [1, 1]} : vector<64x8192xf32> to vector<64x128xf32>
    %reduce_min3A_84 = arith.constant dense<0x7F800000> : vector<64xf32>
    %reduce_min3A_85 = vector.multi_reduction <minimumf>, %slice3A_83, %reduce_min3A_84 [1] : vector<64x128xf32> to vector<64xf32>
    %broadcast_in_dim3A_86 = vector.shape_cast %reduce_min3A_85 : vector<64xf32> to vector<64x1xf32>
    %slice3A_87 = vector.extract_strided_slice %add3A_27 {offsets = [0, 1920], sizes = [64, 128], strides = [1, 1]} : vector<64x8192xf32> to vector<64x128xf32>
    %reduce_min3A_88 = arith.constant dense<0x7F800000> : vector<64xf32>
    %reduce_min3A_89 = vector.multi_reduction <minimumf>, %slice3A_87, %reduce_min3A_88 [1] : vector<64x128xf32> to vector<64xf32>
    %broadcast_in_dim3A_90 = vector.shape_cast %reduce_min3A_89 : vector<64xf32> to vector<64x1xf32>
    %slice3A_91 = vector.extract_strided_slice %add3A_27 {offsets = [0, 2048], sizes = [64, 128], strides = [1, 1]} : vector<64x8192xf32> to vector<64x128xf32>
    %reduce_min3A_92 = arith.constant dense<0x7F800000> : vector<64xf32>
    %reduce_min3A_93 = vector.multi_reduction <minimumf>, %slice3A_91, %reduce_min3A_92 [1] : vector<64x128xf32> to vector<64xf32>
    %broadcast_in_dim3A_94 = vector.shape_cast %reduce_min3A_93 : vector<64xf32> to vector<64x1xf32>
    %slice3A_95 = vector.extract_strided_slice %add3A_27 {offsets = [0, 2176], sizes = [64, 128], strides = [1, 1]} : vector<64x8192xf32> to vector<64x128xf32>
    %reduce_min3A_96 = arith.constant dense<0x7F800000> : vector<64xf32>
    %reduce_min3A_97 = vector.multi_reduction <minimumf>, %slice3A_95, %reduce_min3A_96 [1] : vector<64x128xf32> to vector<64xf32>
    %broadcast_in_dim3A_98 = vector.shape_cast %reduce_min3A_97 : vector<64xf32> to vector<64x1xf32>
    %slice3A_99 = vector.extract_strided_slice %add3A_27 {offsets = [0, 2304], sizes = [64, 128], strides = [1, 1]} : vector<64x8192xf32> to vector<64x128xf32>
    %reduce_min3A_100 = arith.constant dense<0x7F800000> : vector<64xf32>
    %reduce_min3A_101 = vector.multi_reduction <minimumf>, %slice3A_99, %reduce_min3A_100 [1] : vector<64x128xf32> to vector<64xf32>
    %broadcast_in_dim3A_102 = vector.shape_cast %reduce_min3A_101 : vector<64xf32> to vector<64x1xf32>
    %slice3A_103 = vector.extract_strided_slice %add3A_27 {offsets = [0, 2432], sizes = [64, 128], strides = [1, 1]} : vector<64x8192xf32> to vector<64x128xf32>
    %reduce_min3A_104 = arith.constant dense<0x7F800000> : vector<64xf32>
    %reduce_min3A_105 = vector.multi_reduction <minimumf>, %slice3A_103, %reduce_min3A_104 [1] : vector<64x128xf32> to vector<64xf32>
    %broadcast_in_dim3A_106 = vector.shape_cast %reduce_min3A_105 : vector<64xf32> to vector<64x1xf32>
    %slice3A_107 = vector.extract_strided_slice %add3A_27 {offsets = [0, 2560], sizes = [64, 128], strides = [1, 1]} : vector<64x8192xf32> to vector<64x128xf32>
    %reduce_min3A_108 = arith.constant dense<0x7F800000> : vector<64xf32>
    %reduce_min3A_109 = vector.multi_reduction <minimumf>, %slice3A_107, %reduce_min3A_108 [1] : vector<64x128xf32> to vector<64xf32>
    %broadcast_in_dim3A_110 = vector.shape_cast %reduce_min3A_109 : vector<64xf32> to vector<64x1xf32>
    %slice3A_111 = vector.extract_strided_slice %add3A_27 {offsets = [0, 2688], sizes = [64, 128], strides = [1, 1]} : vector<64x8192xf32> to vector<64x128xf32>
    %reduce_min3A_112 = arith.constant dense<0x7F800000> : vector<64xf32>
    %reduce_min3A_113 = vector.multi_reduction <minimumf>, %slice3A_111, %reduce_min3A_112 [1] : vector<64x128xf32> to vector<64xf32>
    %broadcast_in_dim3A_114 = vector.shape_cast %reduce_min3A_113 : vector<64xf32> to vector<64x1xf32>
    %slice3A_115 = vector.extract_strided_slice %add3A_27 {offsets = [0, 2816], sizes = [64, 128], strides = [1, 1]} : vector<64x8192xf32> to vector<64x128xf32>
    %reduce_min3A_116 = arith.constant dense<0x7F800000> : vector<64xf32>
    %reduce_min3A_117 = vector.multi_reduction <minimumf>, %slice3A_115, %reduce_min3A_116 [1] : vector<64x128xf32> to vector<64xf32>
    %broadcast_in_dim3A_118 = vector.shape_cast %reduce_min3A_117 : vector<64xf32> to vector<64x1xf32>
    %slice3A_119 = vector.extract_strided_slice %add3A_27 {offsets = [0, 2944], sizes = [64, 128], strides = [1, 1]} : vector<64x8192xf32> to vector<64x128xf32>
    %reduce_min3A_120 = arith.constant dense<0x7F800000> : vector<64xf32>
    %reduce_min3A_121 = vector.multi_reduction <minimumf>, %slice3A_119, %reduce_min3A_120 [1] : vector<64x128xf32> to vector<64xf32>
    %broadcast_in_dim3A_122 = vector.shape_cast %reduce_min3A_121 : vector<64xf32> to vector<64x1xf32>
    %slice3A_123 = vector.extract_strided_slice %add3A_27 {offsets = [0, 3072], sizes = [64, 128], strides = [1, 1]} : vector<64x8192xf32> to vector<64x128xf32>
    %reduce_min3A_124 = arith.constant dense<0x7F800000> : vector<64xf32>
    %reduce_min3A_125 = vector.multi_reduction <minimumf>, %slice3A_123, %reduce_min3A_124 [1] : vector<64x128xf32> to vector<64xf32>
    %broadcast_in_dim3A_126 = vector.shape_cast %reduce_min3A_125 : vector<64xf32> to vector<64x1xf32>
    %slice3A_127 = vector.extract_strided_slice %add3A_27 {offsets = [0, 3200], sizes = [64, 128], strides = [1, 1]} : vector<64x8192xf32> to vector<64x128xf32>
    %reduce_min3A_128 = arith.constant dense<0x7F800000> : vector<64xf32>
    %reduce_min3A_129 = vector.multi_reduction <minimumf>, %slice3A_127, %reduce_min3A_128 [1] : vector<64x128xf32> to vector<64xf32>
    %broadcast_in_dim3A_130 = vector.shape_cast %reduce_min3A_129 : vector<64xf32> to vector<64x1xf32>
    %slice3A_131 = vector.extract_strided_slice %add3A_27 {offsets = [0, 3328], sizes = [64, 128], strides = [1, 1]} : vector<64x8192xf32> to vector<64x128xf32>
    %reduce_min3A_132 = arith.constant dense<0x7F800000> : vector<64xf32>
    %reduce_min3A_133 = vector.multi_reduction <minimumf>, %slice3A_131, %reduce_min3A_132 [1] : vector<64x128xf32> to vector<64xf32>
    %broadcast_in_dim3A_134 = vector.shape_cast %reduce_min3A_133 : vector<64xf32> to vector<64x1xf32>
    %slice3A_135 = vector.extract_strided_slice %add3A_27 {offsets = [0, 3456], sizes = [64, 128], strides = [1, 1]} : vector<64x8192xf32> to vector<64x128xf32>
    %reduce_min3A_136 = arith.constant dense<0x7F800000> : vector<64xf32>
    %reduce_min3A_137 = vector.multi_reduction <minimumf>, %slice3A_135, %reduce_min3A_136 [1] : vector<64x128xf32> to vector<64xf32>
    %broadcast_in_dim3A_138 = vector.shape_cast %reduce_min3A_137 : vector<64xf32> to vector<64x1xf32>
    %slice3A_139 = vector.extract_strided_slice %add3A_27 {offsets = [0, 3584], sizes = [64, 128], strides = [1, 1]} : vector<64x8192xf32> to vector<64x128xf32>
    %reduce_min3A_140 = arith.constant dense<0x7F800000> : vector<64xf32>
    %reduce_min3A_141 = vector.multi_reduction <minimumf>, %slice3A_139, %reduce_min3A_140 [1] : vector<64x128xf32> to vector<64xf32>
    %broadcast_in_dim3A_142 = vector.shape_cast %reduce_min3A_141 : vector<64xf32> to vector<64x1xf32>
    %slice3A_143 = vector.extract_strided_slice %add3A_27 {offsets = [0, 3712], sizes = [64, 128], strides = [1, 1]} : vector<64x8192xf32> to vector<64x128xf32>
    %reduce_min3A_144 = arith.constant dense<0x7F800000> : vector<64xf32>
    %reduce_min3A_145 = vector.multi_reduction <minimumf>, %slice3A_143, %reduce_min3A_144 [1] : vector<64x128xf32> to vector<64xf32>
    %broadcast_in_dim3A_146 = vector.shape_cast %reduce_min3A_145 : vector<64xf32> to vector<64x1xf32>
    %slice3A_147 = vector.extract_strided_slice %add3A_27 {offsets = [0, 3840], sizes = [64, 128], strides = [1, 1]} : vector<64x8192xf32> to vector<64x128xf32>
    %reduce_min3A_148 = arith.constant dense<0x7F800000> : vector<64xf32>
    %reduce_min3A_149 = vector.multi_reduction <minimumf>, %slice3A_147, %reduce_min3A_148 [1] : vector<64x128xf32> to vector<64xf32>
    %broadcast_in_dim3A_150 = vector.shape_cast %reduce_min3A_149 : vector<64xf32> to vector<64x1xf32>
    %slice3A_151 = vector.extract_strided_slice %add3A_27 {offsets = [0, 3968], sizes = [64, 128], strides = [1, 1]} : vector<64x8192xf32> to vector<64x128xf32>
    %reduce_min3A_152 = arith.constant dense<0x7F800000> : vector<64xf32>
    %reduce_min3A_153 = vector.multi_reduction <minimumf>, %slice3A_151, %reduce_min3A_152 [1] : vector<64x128xf32> to vector<64xf32>
    %broadcast_in_dim3A_154 = vector.shape_cast %reduce_min3A_153 : vector<64xf32> to vector<64x1xf32>
    %slice3A_155 = vector.extract_strided_slice %add3A_27 {offsets = [0, 4096], sizes = [64, 128], strides = [1, 1]} : vector<64x8192xf32> to vector<64x128xf32>
    %reduce_min3A_156 = arith.constant dense<0x7F800000> : vector<64xf32>
    %reduce_min3A_157 = vector.multi_reduction <minimumf>, %slice3A_155, %reduce_min3A_156 [1] : vector<64x128xf32> to vector<64xf32>
    %broadcast_in_dim3A_158 = vector.shape_cast %reduce_min3A_157 : vector<64xf32> to vector<64x1xf32>
    %slice3A_159 = vector.extract_strided_slice %add3A_27 {offsets = [0, 4224], sizes = [64, 128], strides = [1, 1]} : vector<64x8192xf32> to vector<64x128xf32>
    %reduce_min3A_160 = arith.constant dense<0x7F800000> : vector<64xf32>
    %reduce_min3A_161 = vector.multi_reduction <minimumf>, %slice3A_159, %reduce_min3A_160 [1] : vector<64x128xf32> to vector<64xf32>
    %broadcast_in_dim3A_162 = vector.shape_cast %reduce_min3A_161 : vector<64xf32> to vector<64x1xf32>
    %slice3A_163 = vector.extract_strided_slice %add3A_27 {offsets = [0, 4352], sizes = [64, 128], strides = [1, 1]} : vector<64x8192xf32> to vector<64x128xf32>
    %reduce_min3A_164 = arith.constant dense<0x7F800000> : vector<64xf32>
    %reduce_min3A_165 = vector.multi_reduction <minimumf>, %slice3A_163, %reduce_min3A_164 [1] : vector<64x128xf32> to vector<64xf32>
    %broadcast_in_dim3A_166 = vector.shape_cast %reduce_min3A_165 : vector<64xf32> to vector<64x1xf32>
    %slice3A_167 = vector.extract_strided_slice %add3A_27 {offsets = [0, 4480], sizes = [64, 128], strides = [1, 1]} : vector<64x8192xf32> to vector<64x128xf32>
    %reduce_min3A_168 = arith.constant dense<0x7F800000> : vector<64xf32>
    %reduce_min3A_169 = vector.multi_reduction <minimumf>, %slice3A_167, %reduce_min3A_168 [1] : vector<64x128xf32> to vector<64xf32>
    %broadcast_in_dim3A_170 = vector.shape_cast %reduce_min3A_169 : vector<64xf32> to vector<64x1xf32>
    %slice3A_171 = vector.extract_strided_slice %add3A_27 {offsets = [0, 4608], sizes = [64, 128], strides = [1, 1]} : vector<64x8192xf32> to vector<64x128xf32>
    %reduce_min3A_172 = arith.constant dense<0x7F800000> : vector<64xf32>
    %reduce_min3A_173 = vector.multi_reduction <minimumf>, %slice3A_171, %reduce_min3A_172 [1] : vector<64x128xf32> to vector<64xf32>
    %broadcast_in_dim3A_174 = vector.shape_cast %reduce_min3A_173 : vector<64xf32> to vector<64x1xf32>
    %slice3A_175 = vector.extract_strided_slice %add3A_27 {offsets = [0, 4736], sizes = [64, 128], strides = [1, 1]} : vector<64x8192xf32> to vector<64x128xf32>
    %reduce_min3A_176 = arith.constant dense<0x7F800000> : vector<64xf32>
    %reduce_min3A_177 = vector.multi_reduction <minimumf>, %slice3A_175, %reduce_min3A_176 [1] : vector<64x128xf32> to vector<64xf32>
    %broadcast_in_dim3A_178 = vector.shape_cast %reduce_min3A_177 : vector<64xf32> to vector<64x1xf32>
    %slice3A_179 = vector.extract_strided_slice %add3A_27 {offsets = [0, 4864], sizes = [64, 128], strides = [1, 1]} : vector<64x8192xf32> to vector<64x128xf32>
    %reduce_min3A_180 = arith.constant dense<0x7F800000> : vector<64xf32>
    %reduce_min3A_181 = vector.multi_reduction <minimumf>, %slice3A_179, %reduce_min3A_180 [1] : vector<64x128xf32> to vector<64xf32>
    %broadcast_in_dim3A_182 = vector.shape_cast %reduce_min3A_181 : vector<64xf32> to vector<64x1xf32>
    %slice3A_183 = vector.extract_strided_slice %add3A_27 {offsets = [0, 4992], sizes = [64, 128], strides = [1, 1]} : vector<64x8192xf32> to vector<64x128xf32>
    %reduce_min3A_184 = arith.constant dense<0x7F800000> : vector<64xf32>
    %reduce_min3A_185 = vector.multi_reduction <minimumf>, %slice3A_183, %reduce_min3A_184 [1] : vector<64x128xf32> to vector<64xf32>
    %broadcast_in_dim3A_186 = vector.shape_cast %reduce_min3A_185 : vector<64xf32> to vector<64x1xf32>
    %slice3A_187 = vector.extract_strided_slice %add3A_27 {offsets = [0, 5120], sizes = [64, 128], strides = [1, 1]} : vector<64x8192xf32> to vector<64x128xf32>
    %reduce_min3A_188 = arith.constant dense<0x7F800000> : vector<64xf32>
    %reduce_min3A_189 = vector.multi_reduction <minimumf>, %slice3A_187, %reduce_min3A_188 [1] : vector<64x128xf32> to vector<64xf32>
    %broadcast_in_dim3A_190 = vector.shape_cast %reduce_min3A_189 : vector<64xf32> to vector<64x1xf32>
    %slice3A_191 = vector.extract_strided_slice %add3A_27 {offsets = [0, 5248], sizes = [64, 128], strides = [1, 1]} : vector<64x8192xf32> to vector<64x128xf32>
    %reduce_min3A_192 = arith.constant dense<0x7F800000> : vector<64xf32>
    %reduce_min3A_193 = vector.multi_reduction <minimumf>, %slice3A_191, %reduce_min3A_192 [1] : vector<64x128xf32> to vector<64xf32>
    %broadcast_in_dim3A_194 = vector.shape_cast %reduce_min3A_193 : vector<64xf32> to vector<64x1xf32>
    %slice3A_195 = vector.extract_strided_slice %add3A_27 {offsets = [0, 5376], sizes = [64, 128], strides = [1, 1]} : vector<64x8192xf32> to vector<64x128xf32>
    %reduce_min3A_196 = arith.constant dense<0x7F800000> : vector<64xf32>
    %reduce_min3A_197 = vector.multi_reduction <minimumf>, %slice3A_195, %reduce_min3A_196 [1] : vector<64x128xf32> to vector<64xf32>
    %broadcast_in_dim3A_198 = vector.shape_cast %reduce_min3A_197 : vector<64xf32> to vector<64x1xf32>
    %slice3A_199 = vector.extract_strided_slice %add3A_27 {offsets = [0, 5504], sizes = [64, 128], strides = [1, 1]} : vector<64x8192xf32> to vector<64x128xf32>
    %reduce_min3A_200 = arith.constant dense<0x7F800000> : vector<64xf32>
    %reduce_min3A_201 = vector.multi_reduction <minimumf>, %slice3A_199, %reduce_min3A_200 [1] : vector<64x128xf32> to vector<64xf32>
    %broadcast_in_dim3A_202 = vector.shape_cast %reduce_min3A_201 : vector<64xf32> to vector<64x1xf32>
    %slice3A_203 = vector.extract_strided_slice %add3A_27 {offsets = [0, 5632], sizes = [64, 128], strides = [1, 1]} : vector<64x8192xf32> to vector<64x128xf32>
    %reduce_min3A_204 = arith.constant dense<0x7F800000> : vector<64xf32>
    %reduce_min3A_205 = vector.multi_reduction <minimumf>, %slice3A_203, %reduce_min3A_204 [1] : vector<64x128xf32> to vector<64xf32>
    %broadcast_in_dim3A_206 = vector.shape_cast %reduce_min3A_205 : vector<64xf32> to vector<64x1xf32>
    %slice3A_207 = vector.extract_strided_slice %add3A_27 {offsets = [0, 5760], sizes = [64, 128], strides = [1, 1]} : vector<64x8192xf32> to vector<64x128xf32>
    %reduce_min3A_208 = arith.constant dense<0x7F800000> : vector<64xf32>
    %reduce_min3A_209 = vector.multi_reduction <minimumf>, %slice3A_207, %reduce_min3A_208 [1] : vector<64x128xf32> to vector<64xf32>
    %broadcast_in_dim3A_210 = vector.shape_cast %reduce_min3A_209 : vector<64xf32> to vector<64x1xf32>
    %slice3A_211 = vector.extract_strided_slice %add3A_27 {offsets = [0, 5888], sizes = [64, 128], strides = [1, 1]} : vector<64x8192xf32> to vector<64x128xf32>
    %reduce_min3A_212 = arith.constant dense<0x7F800000> : vector<64xf32>
    %reduce_min3A_213 = vector.multi_reduction <minimumf>, %slice3A_211, %reduce_min3A_212 [1] : vector<64x128xf32> to vector<64xf32>
    %broadcast_in_dim3A_214 = vector.shape_cast %reduce_min3A_213 : vector<64xf32> to vector<64x1xf32>
    %slice3A_215 = vector.extract_strided_slice %add3A_27 {offsets = [0, 6016], sizes = [64, 128], strides = [1, 1]} : vector<64x8192xf32> to vector<64x128xf32>
    %reduce_min3A_216 = arith.constant dense<0x7F800000> : vector<64xf32>
    %reduce_min3A_217 = vector.multi_reduction <minimumf>, %slice3A_215, %reduce_min3A_216 [1] : vector<64x128xf32> to vector<64xf32>
    %broadcast_in_dim3A_218 = vector.shape_cast %reduce_min3A_217 : vector<64xf32> to vector<64x1xf32>
    %slice3A_219 = vector.extract_strided_slice %add3A_27 {offsets = [0, 6144], sizes = [64, 128], strides = [1, 1]} : vector<64x8192xf32> to vector<64x128xf32>
    %reduce_min3A_220 = arith.constant dense<0x7F800000> : vector<64xf32>
    %reduce_min3A_221 = vector.multi_reduction <minimumf>, %slice3A_219, %reduce_min3A_220 [1] : vector<64x128xf32> to vector<64xf32>
    %broadcast_in_dim3A_222 = vector.shape_cast %reduce_min3A_221 : vector<64xf32> to vector<64x1xf32>
    %slice3A_223 = vector.extract_strided_slice %add3A_27 {offsets = [0, 6272], sizes = [64, 128], strides = [1, 1]} : vector<64x8192xf32> to vector<64x128xf32>
    %reduce_min3A_224 = arith.constant dense<0x7F800000> : vector<64xf32>
    %reduce_min3A_225 = vector.multi_reduction <minimumf>, %slice3A_223, %reduce_min3A_224 [1] : vector<64x128xf32> to vector<64xf32>
    %broadcast_in_dim3A_226 = vector.shape_cast %reduce_min3A_225 : vector<64xf32> to vector<64x1xf32>
    %slice3A_227 = vector.extract_strided_slice %add3A_27 {offsets = [0, 6400], sizes = [64, 128], strides = [1, 1]} : vector<64x8192xf32> to vector<64x128xf32>
    %reduce_min3A_228 = arith.constant dense<0x7F800000> : vector<64xf32>
    %reduce_min3A_229 = vector.multi_reduction <minimumf>, %slice3A_227, %reduce_min3A_228 [1] : vector<64x128xf32> to vector<64xf32>
    %broadcast_in_dim3A_230 = vector.shape_cast %reduce_min3A_229 : vector<64xf32> to vector<64x1xf32>
    %slice3A_231 = vector.extract_strided_slice %add3A_27 {offsets = [0, 6528], sizes = [64, 128], strides = [1, 1]} : vector<64x8192xf32> to vector<64x128xf32>
    %reduce_min3A_232 = arith.constant dense<0x7F800000> : vector<64xf32>
    %reduce_min3A_233 = vector.multi_reduction <minimumf>, %slice3A_231, %reduce_min3A_232 [1] : vector<64x128xf32> to vector<64xf32>
    %broadcast_in_dim3A_234 = vector.shape_cast %reduce_min3A_233 : vector<64xf32> to vector<64x1xf32>
    %slice3A_235 = vector.extract_strided_slice %add3A_27 {offsets = [0, 6656], sizes = [64, 128], strides = [1, 1]} : vector<64x8192xf32> to vector<64x128xf32>
    %reduce_min3A_236 = arith.constant dense<0x7F800000> : vector<64xf32>
    %reduce_min3A_237 = vector.multi_reduction <minimumf>, %slice3A_235, %reduce_min3A_236 [1] : vector<64x128xf32> to vector<64xf32>
    %broadcast_in_dim3A_238 = vector.shape_cast %reduce_min3A_237 : vector<64xf32> to vector<64x1xf32>
    %slice3A_239 = vector.extract_strided_slice %add3A_27 {offsets = [0, 6784], sizes = [64, 128], strides = [1, 1]} : vector<64x8192xf32> to vector<64x128xf32>
    %reduce_min3A_240 = arith.constant dense<0x7F800000> : vector<64xf32>
    %reduce_min3A_241 = vector.multi_reduction <minimumf>, %slice3A_239, %reduce_min3A_240 [1] : vector<64x128xf32> to vector<64xf32>
    %broadcast_in_dim3A_242 = vector.shape_cast %reduce_min3A_241 : vector<64xf32> to vector<64x1xf32>
    %slice3A_243 = vector.extract_strided_slice %add3A_27 {offsets = [0, 6912], sizes = [64, 128], strides = [1, 1]} : vector<64x8192xf32> to vector<64x128xf32>
    %reduce_min3A_244 = arith.constant dense<0x7F800000> : vector<64xf32>
    %reduce_min3A_245 = vector.multi_reduction <minimumf>, %slice3A_243, %reduce_min3A_244 [1] : vector<64x128xf32> to vector<64xf32>
    %broadcast_in_dim3A_246 = vector.shape_cast %reduce_min3A_245 : vector<64xf32> to vector<64x1xf32>
    %slice3A_247 = vector.extract_strided_slice %add3A_27 {offsets = [0, 7040], sizes = [64, 128], strides = [1, 1]} : vector<64x8192xf32> to vector<64x128xf32>
    %reduce_min3A_248 = arith.constant dense<0x7F800000> : vector<64xf32>
    %reduce_min3A_249 = vector.multi_reduction <minimumf>, %slice3A_247, %reduce_min3A_248 [1] : vector<64x128xf32> to vector<64xf32>
    %broadcast_in_dim3A_250 = vector.shape_cast %reduce_min3A_249 : vector<64xf32> to vector<64x1xf32>
    %slice3A_251 = vector.extract_strided_slice %add3A_27 {offsets = [0, 7168], sizes = [64, 128], strides = [1, 1]} : vector<64x8192xf32> to vector<64x128xf32>
    %reduce_min3A_252 = arith.constant dense<0x7F800000> : vector<64xf32>
    %reduce_min3A_253 = vector.multi_reduction <minimumf>, %slice3A_251, %reduce_min3A_252 [1] : vector<64x128xf32> to vector<64xf32>
    %broadcast_in_dim3A_254 = vector.shape_cast %reduce_min3A_253 : vector<64xf32> to vector<64x1xf32>
    %slice3A_255 = vector.extract_strided_slice %add3A_27 {offsets = [0, 7296], sizes = [64, 128], strides = [1, 1]} : vector<64x8192xf32> to vector<64x128xf32>
    %reduce_min3A_256 = arith.constant dense<0x7F800000> : vector<64xf32>
    %reduce_min3A_257 = vector.multi_reduction <minimumf>, %slice3A_255, %reduce_min3A_256 [1] : vector<64x128xf32> to vector<64xf32>
    %broadcast_in_dim3A_258 = vector.shape_cast %reduce_min3A_257 : vector<64xf32> to vector<64x1xf32>
    %slice3A_259 = vector.extract_strided_slice %add3A_27 {offsets = [0, 7424], sizes = [64, 128], strides = [1, 1]} : vector<64x8192xf32> to vector<64x128xf32>
    %reduce_min3A_260 = arith.constant dense<0x7F800000> : vector<64xf32>
    %reduce_min3A_261 = vector.multi_reduction <minimumf>, %slice3A_259, %reduce_min3A_260 [1] : vector<64x128xf32> to vector<64xf32>
    %broadcast_in_dim3A_262 = vector.shape_cast %reduce_min3A_261 : vector<64xf32> to vector<64x1xf32>
    %slice3A_263 = vector.extract_strided_slice %add3A_27 {offsets = [0, 7552], sizes = [64, 128], strides = [1, 1]} : vector<64x8192xf32> to vector<64x128xf32>
    %reduce_min3A_264 = arith.constant dense<0x7F800000> : vector<64xf32>
    %reduce_min3A_265 = vector.multi_reduction <minimumf>, %slice3A_263, %reduce_min3A_264 [1] : vector<64x128xf32> to vector<64xf32>
    %broadcast_in_dim3A_266 = vector.shape_cast %reduce_min3A_265 : vector<64xf32> to vector<64x1xf32>
    %slice3A_267 = vector.extract_strided_slice %add3A_27 {offsets = [0, 7680], sizes = [64, 128], strides = [1, 1]} : vector<64x8192xf32> to vector<64x128xf32>
    %reduce_min3A_268 = arith.constant dense<0x7F800000> : vector<64xf32>
    %reduce_min3A_269 = vector.multi_reduction <minimumf>, %slice3A_267, %reduce_min3A_268 [1] : vector<64x128xf32> to vector<64xf32>
    %broadcast_in_dim3A_270 = vector.shape_cast %reduce_min3A_269 : vector<64xf32> to vector<64x1xf32>
    %slice3A_271 = vector.extract_strided_slice %add3A_27 {offsets = [0, 7808], sizes = [64, 128], strides = [1, 1]} : vector<64x8192xf32> to vector<64x128xf32>
    %reduce_min3A_272 = arith.constant dense<0x7F800000> : vector<64xf32>
    %reduce_min3A_273 = vector.multi_reduction <minimumf>, %slice3A_271, %reduce_min3A_272 [1] : vector<64x128xf32> to vector<64xf32>
    %broadcast_in_dim3A_274 = vector.shape_cast %reduce_min3A_273 : vector<64xf32> to vector<64x1xf32>
    %slice3A_275 = vector.extract_strided_slice %add3A_27 {offsets = [0, 7936], sizes = [64, 128], strides = [1, 1]} : vector<64x8192xf32> to vector<64x128xf32>
    %reduce_min3A_276 = arith.constant dense<0x7F800000> : vector<64xf32>
    %reduce_min3A_277 = vector.multi_reduction <minimumf>, %slice3A_275, %reduce_min3A_276 [1] : vector<64x128xf32> to vector<64xf32>
    %broadcast_in_dim3A_278 = vector.shape_cast %reduce_min3A_277 : vector<64xf32> to vector<64x1xf32>
    %slice3A_279 = vector.extract_strided_slice %add3A_27 {offsets = [0, 8064], sizes = [64, 128], strides = [1, 1]} : vector<64x8192xf32> to vector<64x128xf32>
    %reduce_min3A_280 = arith.constant dense<0x7F800000> : vector<64xf32>
    %reduce_min3A_281 = vector.multi_reduction <minimumf>, %slice3A_279, %reduce_min3A_280 [1] : vector<64x128xf32> to vector<64xf32>
    %broadcast_in_dim3A_282 = vector.shape_cast %reduce_min3A_281 : vector<64xf32> to vector<64x1xf32>
    %concatenate3A = tpu.concatenate %broadcast_in_dim3A, %broadcast_in_dim3A_34, %broadcast_in_dim3A_38, %broadcast_in_dim3A_42, %broadcast_in_dim3A_46, %broadcast_in_dim3A_50, %broadcast_in_dim3A_54, %broadcast_in_dim3A_58, %broadcast_in_dim3A_62, %broadcast_in_dim3A_66, %broadcast_in_dim3A_70, %broadcast_in_dim3A_74, %broadcast_in_dim3A_78, %broadcast_in_dim3A_82, %broadcast_in_dim3A_86, %broadcast_in_dim3A_90, %broadcast_in_dim3A_94, %broadcast_in_dim3A_98, %broadcast_in_dim3A_102, %broadcast_in_dim3A_106, %broadcast_in_dim3A_110, %broadcast_in_dim3A_114, %broadcast_in_dim3A_118, %broadcast_in_dim3A_122, %broadcast_in_dim3A_126, %broadcast_in_dim3A_130, %broadcast_in_dim3A_134, %broadcast_in_dim3A_138, %broadcast_in_dim3A_142, %broadcast_in_dim3A_146, %broadcast_in_dim3A_150, %broadcast_in_dim3A_154, %broadcast_in_dim3A_158, %broadcast_in_dim3A_162, %broadcast_in_dim3A_166, %broadcast_in_dim3A_170, %broadcast_in_dim3A_174, %broadcast_in_dim3A_178, %broadcast_in_dim3A_182, %broadcast_in_dim3A_186, %broadcast_in_dim3A_190, %broadcast_in_dim3A_194, %broadcast_in_dim3A_198, %broadcast_in_dim3A_202, %broadcast_in_dim3A_206, %broadcast_in_dim3A_210, %broadcast_in_dim3A_214, %broadcast_in_dim3A_218, %broadcast_in_dim3A_222, %broadcast_in_dim3A_226, %broadcast_in_dim3A_230, %broadcast_in_dim3A_234, %broadcast_in_dim3A_238, %broadcast_in_dim3A_242, %broadcast_in_dim3A_246, %broadcast_in_dim3A_250, %broadcast_in_dim3A_254, %broadcast_in_dim3A_258, %broadcast_in_dim3A_262, %broadcast_in_dim3A_266, %broadcast_in_dim3A_270, %broadcast_in_dim3A_274, %broadcast_in_dim3A_278, %broadcast_in_dim3A_282 in 1 : vector<64x1xf32>, vector<64x1xf32>, vector<64x1xf32>, vector<64x1xf32>, vector<64x1xf32>, vector<64x1xf32>, vector<64x1xf32>, vector<64x1xf32>, vector<64x1xf32>, vector<64x1xf32>, vector<64x1xf32>, vector<64x1xf32>, vector<64x1xf32>, vector<64x1xf32>, vector<64x1xf32>, vector<64x1xf32>, vector<64x1xf32>, vector<64x1xf32>, vector<64x1xf32>, vector<64x1xf32>, vector<64x1xf32>, vector<64x1xf32>, vector<64x1xf32>, vector<64x1xf32>, vector<64x1xf32>, vector<64x1xf32>, vector<64x1xf32>, vector<64x1xf32>, vector<64x1xf32>, vector<64x1xf32>, vector<64x1xf32>, vector<64x1xf32>, vector<64x1xf32>, vector<64x1xf32>, vector<64x1xf32>, vector<64x1xf32>, vector<64x1xf32>, vector<64x1xf32>, vector<64x1xf32>, vector<64x1xf32>, vector<64x1xf32>, vector<64x1xf32>, vector<64x1xf32>, vector<64x1xf32>, vector<64x1xf32>, vector<64x1xf32>, vector<64x1xf32>, vector<64x1xf32>, vector<64x1xf32>, vector<64x1xf32>, vector<64x1xf32>, vector<64x1xf32>, vector<64x1xf32>, vector<64x1xf32>, vector<64x1xf32>, vector<64x1xf32>, vector<64x1xf32>, vector<64x1xf32>, vector<64x1xf32>, vector<64x1xf32>, vector<64x1xf32>, vector<64x1xf32>, vector<64x1xf32>, vector<64x1xf32> -> vector<64x64xf32>
    %iota3A = tpu.iota {dimensions = array<i32: 1>} : vector<64x64xi32>
    %mul3A_283 = arith.constant 64 : i32
    %mul3A_284 = arith.muli %arg0, %mul3A_283 : i32
    %iota3A_285 = tpu.iota {dimensions = array<i32: 0>} : vector<64x1xi32>
    %add3A_286 = vector.broadcast %mul3A_284 : i32 to vector<64x1xi32>
    %add3A_287 = arith.addi %add3A_286, %iota3A_285 : vector<64x1xi32>
    %reduce_min3A_288 = arith.constant dense<0x7F800000> : vector<64xf32>
    %reduce_min3A_289 = vector.multi_reduction <minimumf>, %concatenate3A, %reduce_min3A_288 [1] : vector<64x64xf32> to vector<64xf32>
    %broadcast_in_dim3A_290 = vector.shape_cast %reduce_min3A_289 : vector<64xf32> to vector<64x1xf32>
    %eq3A = vector.broadcast %broadcast_in_dim3A_290 : vector<64x1xf32> to vector<64x64xf32>
    %eq3A_291 = arith.cmpf oeq, %concatenate3A, %eq3A : vector<64x64xf32>
    %jit3A = arith.constant 1073741824 : i32
    %broadcast_in_dim3A_292 = vector.broadcast %jit3A : i32 to vector<64x64xi32>
    %select_n3A = arith.select %eq3A_291, %iota3A, %broadcast_in_dim3A_292 : vector<64x64xi1>, vector<64x64xi32>
    %reduce_min3A_293 = arith.constant dense<2147483647> : vector<64xi32>
    %reduce_min3A_294 = vector.multi_reduction <minsi>, %select_n3A, %reduce_min3A_293 [1] : vector<64x64xi32> to vector<64xi32>
    %broadcast_in_dim3A_295 = vector.shape_cast %reduce_min3A_294 : vector<64xi32> to vector<64x1xi32>
    %swap3A_296 = arith.constant 0 : index
    %swap3A_297 = arith.constant 0 : index
    %swap3A_298 = vector.load %arg5[%swap3A_296, %swap3A_297] : memref<64x16xi32, #tpu.memory_space<vmem>>, vector<64x1xi32>
    tpu.vector_store %arg5[%swap3A_296, %swap3A_297], %broadcast_in_dim3A_295 {strides = array<i32>} : memref<64x16xi32, #tpu.memory_space<vmem>>, vector<64x1xi32>,
    %mul3A_299 = arith.constant 64 : i32
    %mul3A_300 = vector.broadcast %mul3A_299 : i32 to vector<64x1xi32>
    %mul3A_301 = arith.muli %add3A_287, %mul3A_300 : vector<64x1xi32>
    %add3A_302 = arith.addi %mul3A_301, %broadcast_in_dim3A_295 : vector<64x1xi32>
    %swap3A_303 = arith.constant 0 : index
    %swap3A_304 = arith.constant 0 : index
    %swap3A_305 = vector.load %arg4[%swap3A_303, %swap3A_304] : memref<64x16xi32, #tpu.memory_space<vmem>>, vector<64x1xi32>
    tpu.vector_store %arg4[%swap3A_303, %swap3A_304], %add3A_302 {strides = array<i32>} : memref<64x16xi32, #tpu.memory_space<vmem>>, vector<64x1xi32>,
    %eq3A_306 = vector.broadcast %broadcast_in_dim3A_295 : vector<64x1xi32> to vector<64x64xi32>
    %eq3A_307 = arith.cmpi eq, %iota3A, %eq3A_306 : vector<64x64xi32>
    %jit3A_308 = arith.constant 0x7F800000 : f32
    %broadcast_in_dim3A_309 = vector.broadcast %jit3A_308 : f32 to vector<64x64xf32>
    %select_n3A_310 = arith.select %eq3A_307, %broadcast_in_dim3A_309, %concatenate3A : vector<64x64xi1>, vector<64x64xf32>
    %reduce_min3A_311 = arith.constant dense<0x7F800000> : vector<64xf32>
    %reduce_min3A_312 = vector.multi_reduction <minimumf>, %select_n3A_310, %reduce_min3A_311 [1] : vector<64x64xf32> to vector<64xf32>
    %broadcast_in_dim3A_313 = vector.shape_cast %reduce_min3A_312 : vector<64xf32> to vector<64x1xf32>
    %eq3A_314 = vector.broadcast %broadcast_in_dim3A_313 : vector<64x1xf32> to vector<64x64xf32>
    %eq3A_315 = arith.cmpf oeq, %select_n3A_310, %eq3A_314 : vector<64x64xf32>
    %jit3A_316 = arith.constant 1073741824 : i32
    %broadcast_in_dim3A_317 = vector.broadcast %jit3A_316 : i32 to vector<64x64xi32>
    %select_n3A_318 = arith.select %eq3A_315, %iota3A, %broadcast_in_dim3A_317 : vector<64x64xi1>, vector<64x64xi32>
    %reduce_min3A_319 = arith.constant dense<2147483647> : vector<64xi32>
    %reduce_min3A_320 = vector.multi_reduction <minsi>, %select_n3A_318, %reduce_min3A_319 [1] : vector<64x64xi32> to vector<64xi32>
    %broadcast_in_dim3A_321 = vector.shape_cast %reduce_min3A_320 : vector<64xi32> to vector<64x1xi32>
    %swap3A_322 = arith.constant 0 : index
    %swap3A_323 = arith.constant 1 : index
    %swap3A_324 = vector.load %arg5[%swap3A_322, %swap3A_323] : memref<64x16xi32, #tpu.memory_space<vmem>>, vector<64x1xi32>
    tpu.vector_store %arg5[%swap3A_322, %swap3A_323], %broadcast_in_dim3A_321 {strides = array<i32>} : memref<64x16xi32, #tpu.memory_space<vmem>>, vector<64x1xi32>,
    %mul3A_325 = arith.constant 64 : i32
    %mul3A_326 = vector.broadcast %mul3A_325 : i32 to vector<64x1xi32>
    %mul3A_327 = arith.muli %add3A_287, %mul3A_326 : vector<64x1xi32>
    %add3A_328 = arith.addi %mul3A_327, %broadcast_in_dim3A_321 : vector<64x1xi32>
    %swap3A_329 = arith.constant 0 : index
    %swap3A_330 = arith.constant 1 : index
    %swap3A_331 = vector.load %arg4[%swap3A_329, %swap3A_330] : memref<64x16xi32, #tpu.memory_space<vmem>>, vector<64x1xi32>
    tpu.vector_store %arg4[%swap3A_329, %swap3A_330], %add3A_328 {strides = array<i32>} : memref<64x16xi32, #tpu.memory_space<vmem>>, vector<64x1xi32>,
    %eq3A_332 = vector.broadcast %broadcast_in_dim3A_321 : vector<64x1xi32> to vector<64x64xi32>
    %eq3A_333 = arith.cmpi eq, %iota3A, %eq3A_332 : vector<64x64xi32>
    %jit3A_334 = arith.constant 0x7F800000 : f32
    %broadcast_in_dim3A_335 = vector.broadcast %jit3A_334 : f32 to vector<64x64xf32>
    %select_n3A_336 = arith.select %eq3A_333, %broadcast_in_dim3A_335, %select_n3A_310 : vector<64x64xi1>, vector<64x64xf32>
    %reduce_min3A_337 = arith.constant dense<0x7F800000> : vector<64xf32>
    %reduce_min3A_338 = vector.multi_reduction <minimumf>, %select_n3A_336, %reduce_min3A_337 [1] : vector<64x64xf32> to vector<64xf32>
    %broadcast_in_dim3A_339 = vector.shape_cast %reduce_min3A_338 : vector<64xf32> to vector<64x1xf32>
    %eq3A_340 = vector.broadcast %broadcast_in_dim3A_339 : vector<64x1xf32> to vector<64x64xf32>
    %eq3A_341 = arith.cmpf oeq, %select_n3A_336, %eq3A_340 : vector<64x64xf32>
    %jit3A_342 = arith.constant 1073741824 : i32
    %broadcast_in_dim3A_343 = vector.broadcast %jit3A_342 : i32 to vector<64x64xi32>
    %select_n3A_344 = arith.select %eq3A_341, %iota3A, %broadcast_in_dim3A_343 : vector<64x64xi1>, vector<64x64xi32>
    %reduce_min3A_345 = arith.constant dense<2147483647> : vector<64xi32>
    %reduce_min3A_346 = vector.multi_reduction <minsi>, %select_n3A_344, %reduce_min3A_345 [1] : vector<64x64xi32> to vector<64xi32>
    %broadcast_in_dim3A_347 = vector.shape_cast %reduce_min3A_346 : vector<64xi32> to vector<64x1xi32>
    %swap3A_348 = arith.constant 0 : index
    %swap3A_349 = arith.constant 2 : index
    %swap3A_350 = vector.load %arg5[%swap3A_348, %swap3A_349] : memref<64x16xi32, #tpu.memory_space<vmem>>, vector<64x1xi32>
    tpu.vector_store %arg5[%swap3A_348, %swap3A_349], %broadcast_in_dim3A_347 {strides = array<i32>} : memref<64x16xi32, #tpu.memory_space<vmem>>, vector<64x1xi32>,
    %mul3A_351 = arith.constant 64 : i32
    %mul3A_352 = vector.broadcast %mul3A_351 : i32 to vector<64x1xi32>
    %mul3A_353 = arith.muli %add3A_287, %mul3A_352 : vector<64x1xi32>
    %add3A_354 = arith.addi %mul3A_353, %broadcast_in_dim3A_347 : vector<64x1xi32>
    %swap3A_355 = arith.constant 0 : index
    %swap3A_356 = arith.constant 2 : index
    %swap3A_357 = vector.load %arg4[%swap3A_355, %swap3A_356] : memref<64x16xi32, #tpu.memory_space<vmem>>, vector<64x1xi32>
    tpu.vector_store %arg4[%swap3A_355, %swap3A_356], %add3A_354 {strides = array<i32>} : memref<64x16xi32, #tpu.memory_space<vmem>>, vector<64x1xi32>,
    %eq3A_358 = vector.broadcast %broadcast_in_dim3A_347 : vector<64x1xi32> to vector<64x64xi32>
    %eq3A_359 = arith.cmpi eq, %iota3A, %eq3A_358 : vector<64x64xi32>
    %jit3A_360 = arith.constant 0x7F800000 : f32
    %broadcast_in_dim3A_361 = vector.broadcast %jit3A_360 : f32 to vector<64x64xf32>
    %select_n3A_362 = arith.select %eq3A_359, %broadcast_in_dim3A_361, %select_n3A_336 : vector<64x64xi1>, vector<64x64xf32>
    %reduce_min3A_363 = arith.constant dense<0x7F800000> : vector<64xf32>
    %reduce_min3A_364 = vector.multi_reduction <minimumf>, %select_n3A_362, %reduce_min3A_363 [1] : vector<64x64xf32> to vector<64xf32>
    %broadcast_in_dim3A_365 = vector.shape_cast %reduce_min3A_364 : vector<64xf32> to vector<64x1xf32>
    %eq3A_366 = vector.broadcast %broadcast_in_dim3A_365 : vector<64x1xf32> to vector<64x64xf32>
    %eq3A_367 = arith.cmpf oeq, %select_n3A_362, %eq3A_366 : vector<64x64xf32>
    %jit3A_368 = arith.constant 1073741824 : i32
    %broadcast_in_dim3A_369 = vector.broadcast %jit3A_368 : i32 to vector<64x64xi32>
    %select_n3A_370 = arith.select %eq3A_367, %iota3A, %broadcast_in_dim3A_369 : vector<64x64xi1>, vector<64x64xi32>
    %reduce_min3A_371 = arith.constant dense<2147483647> : vector<64xi32>
    %reduce_min3A_372 = vector.multi_reduction <minsi>, %select_n3A_370, %reduce_min3A_371 [1] : vector<64x64xi32> to vector<64xi32>
    %broadcast_in_dim3A_373 = vector.shape_cast %reduce_min3A_372 : vector<64xi32> to vector<64x1xi32>
    %swap3A_374 = arith.constant 0 : index
    %swap3A_375 = arith.constant 3 : index
    %swap3A_376 = vector.load %arg5[%swap3A_374, %swap3A_375] : memref<64x16xi32, #tpu.memory_space<vmem>>, vector<64x1xi32>
    tpu.vector_store %arg5[%swap3A_374, %swap3A_375], %broadcast_in_dim3A_373 {strides = array<i32>} : memref<64x16xi32, #tpu.memory_space<vmem>>, vector<64x1xi32>,
    %mul3A_377 = arith.constant 64 : i32
    %mul3A_378 = vector.broadcast %mul3A_377 : i32 to vector<64x1xi32>
    %mul3A_379 = arith.muli %add3A_287, %mul3A_378 : vector<64x1xi32>
    %add3A_380 = arith.addi %mul3A_379, %broadcast_in_dim3A_373 : vector<64x1xi32>
    %swap3A_381 = arith.constant 0 : index
    %swap3A_382 = arith.constant 3 : index
    %swap3A_383 = vector.load %arg4[%swap3A_381, %swap3A_382] : memref<64x16xi32, #tpu.memory_space<vmem>>, vector<64x1xi32>
    tpu.vector_store %arg4[%swap3A_381, %swap3A_382], %add3A_380 {strides = array<i32>} : memref<64x16xi32, #tpu.memory_space<vmem>>, vector<64x1xi32>,
    %eq3A_384 = vector.broadcast %broadcast_in_dim3A_373 : vector<64x1xi32> to vector<64x64xi32>
    %eq3A_385 = arith.cmpi eq, %iota3A, %eq3A_384 : vector<64x64xi32>
    %jit3A_386 = arith.constant 0x7F800000 : f32
    %broadcast_in_dim3A_387 = vector.broadcast %jit3A_386 : f32 to vector<64x64xf32>
    %select_n3A_388 = arith.select %eq3A_385, %broadcast_in_dim3A_387, %select_n3A_362 : vector<64x64xi1>, vector<64x64xf32>
    %reduce_min3A_389 = arith.constant dense<0x7F800000> : vector<64xf32>
    %reduce_min3A_390 = vector.multi_reduction <minimumf>, %select_n3A_388, %reduce_min3A_389 [1] : vector<64x64xf32> to vector<64xf32>
    %broadcast_in_dim3A_391 = vector.shape_cast %reduce_min3A_390 : vector<64xf32> to vector<64x1xf32>
    %eq3A_392 = vector.broadcast %broadcast_in_dim3A_391 : vector<64x1xf32> to vector<64x64xf32>
    %eq3A_393 = arith.cmpf oeq, %select_n3A_388, %eq3A_392 : vector<64x64xf32>
    %jit3A_394 = arith.constant 1073741824 : i32
    %broadcast_in_dim3A_395 = vector.broadcast %jit3A_394 : i32 to vector<64x64xi32>
    %select_n3A_396 = arith.select %eq3A_393, %iota3A, %broadcast_in_dim3A_395 : vector<64x64xi1>, vector<64x64xi32>
    %reduce_min3A_397 = arith.constant dense<2147483647> : vector<64xi32>
    %reduce_min3A_398 = vector.multi_reduction <minsi>, %select_n3A_396, %reduce_min3A_397 [1] : vector<64x64xi32> to vector<64xi32>
    %broadcast_in_dim3A_399 = vector.shape_cast %reduce_min3A_398 : vector<64xi32> to vector<64x1xi32>
    %swap3A_400 = arith.constant 0 : index
    %swap3A_401 = arith.constant 4 : index
    %swap3A_402 = vector.load %arg5[%swap3A_400, %swap3A_401] : memref<64x16xi32, #tpu.memory_space<vmem>>, vector<64x1xi32>
    tpu.vector_store %arg5[%swap3A_400, %swap3A_401], %broadcast_in_dim3A_399 {strides = array<i32>} : memref<64x16xi32, #tpu.memory_space<vmem>>, vector<64x1xi32>,
    %mul3A_403 = arith.constant 64 : i32
    %mul3A_404 = vector.broadcast %mul3A_403 : i32 to vector<64x1xi32>
    %mul3A_405 = arith.muli %add3A_287, %mul3A_404 : vector<64x1xi32>
    %add3A_406 = arith.addi %mul3A_405, %broadcast_in_dim3A_399 : vector<64x1xi32>
    %swap3A_407 = arith.constant 0 : index
    %swap3A_408 = arith.constant 4 : index
    %swap3A_409 = vector.load %arg4[%swap3A_407, %swap3A_408] : memref<64x16xi32, #tpu.memory_space<vmem>>, vector<64x1xi32>
    tpu.vector_store %arg4[%swap3A_407, %swap3A_408], %add3A_406 {strides = array<i32>} : memref<64x16xi32, #tpu.memory_space<vmem>>, vector<64x1xi32>,
    %eq3A_410 = vector.broadcast %broadcast_in_dim3A_399 : vector<64x1xi32> to vector<64x64xi32>
    %eq3A_411 = arith.cmpi eq, %iota3A, %eq3A_410 : vector<64x64xi32>
    %jit3A_412 = arith.constant 0x7F800000 : f32
    %broadcast_in_dim3A_413 = vector.broadcast %jit3A_412 : f32 to vector<64x64xf32>
    %select_n3A_414 = arith.select %eq3A_411, %broadcast_in_dim3A_413, %select_n3A_388 : vector<64x64xi1>, vector<64x64xf32>
    %reduce_min3A_415 = arith.constant dense<0x7F800000> : vector<64xf32>
    %reduce_min3A_416 = vector.multi_reduction <minimumf>, %select_n3A_414, %reduce_min3A_415 [1] : vector<64x64xf32> to vector<64xf32>
    %broadcast_in_dim3A_417 = vector.shape_cast %reduce_min3A_416 : vector<64xf32> to vector<64x1xf32>
    %eq3A_418 = vector.broadcast %broadcast_in_dim3A_417 : vector<64x1xf32> to vector<64x64xf32>
    %eq3A_419 = arith.cmpf oeq, %select_n3A_414, %eq3A_418 : vector<64x64xf32>
    %jit3A_420 = arith.constant 1073741824 : i32
    %broadcast_in_dim3A_421 = vector.broadcast %jit3A_420 : i32 to vector<64x64xi32>
    %select_n3A_422 = arith.select %eq3A_419, %iota3A, %broadcast_in_dim3A_421 : vector<64x64xi1>, vector<64x64xi32>
    %reduce_min3A_423 = arith.constant dense<2147483647> : vector<64xi32>
    %reduce_min3A_424 = vector.multi_reduction <minsi>, %select_n3A_422, %reduce_min3A_423 [1] : vector<64x64xi32> to vector<64xi32>
    %broadcast_in_dim3A_425 = vector.shape_cast %reduce_min3A_424 : vector<64xi32> to vector<64x1xi32>
    %swap3A_426 = arith.constant 0 : index
    %swap3A_427 = arith.constant 5 : index
    %swap3A_428 = vector.load %arg5[%swap3A_426, %swap3A_427] : memref<64x16xi32, #tpu.memory_space<vmem>>, vector<64x1xi32>
    tpu.vector_store %arg5[%swap3A_426, %swap3A_427], %broadcast_in_dim3A_425 {strides = array<i32>} : memref<64x16xi32, #tpu.memory_space<vmem>>, vector<64x1xi32>,
    %mul3A_429 = arith.constant 64 : i32
    %mul3A_430 = vector.broadcast %mul3A_429 : i32 to vector<64x1xi32>
    %mul3A_431 = arith.muli %add3A_287, %mul3A_430 : vector<64x1xi32>
    %add3A_432 = arith.addi %mul3A_431, %broadcast_in_dim3A_425 : vector<64x1xi32>
    %swap3A_433 = arith.constant 0 : index
    %swap3A_434 = arith.constant 5 : index
    %swap3A_435 = vector.load %arg4[%swap3A_433, %swap3A_434] : memref<64x16xi32, #tpu.memory_space<vmem>>, vector<64x1xi32>
    tpu.vector_store %arg4[%swap3A_433, %swap3A_434], %add3A_432 {strides = array<i32>} : memref<64x16xi32, #tpu.memory_space<vmem>>, vector<64x1xi32>,
    %eq3A_436 = vector.broadcast %broadcast_in_dim3A_425 : vector<64x1xi32> to vector<64x64xi32>
    %eq3A_437 = arith.cmpi eq, %iota3A, %eq3A_436 : vector<64x64xi32>
    %jit3A_438 = arith.constant 0x7F800000 : f32
    %broadcast_in_dim3A_439 = vector.broadcast %jit3A_438 : f32 to vector<64x64xf32>
    %select_n3A_440 = arith.select %eq3A_437, %broadcast_in_dim3A_439, %select_n3A_414 : vector<64x64xi1>, vector<64x64xf32>
    %reduce_min3A_441 = arith.constant dense<0x7F800000> : vector<64xf32>
    %reduce_min3A_442 = vector.multi_reduction <minimumf>, %select_n3A_440, %reduce_min3A_441 [1] : vector<64x64xf32> to vector<64xf32>
    %broadcast_in_dim3A_443 = vector.shape_cast %reduce_min3A_442 : vector<64xf32> to vector<64x1xf32>
    %eq3A_444 = vector.broadcast %broadcast_in_dim3A_443 : vector<64x1xf32> to vector<64x64xf32>
    %eq3A_445 = arith.cmpf oeq, %select_n3A_440, %eq3A_444 : vector<64x64xf32>
    %jit3A_446 = arith.constant 1073741824 : i32
    %broadcast_in_dim3A_447 = vector.broadcast %jit3A_446 : i32 to vector<64x64xi32>
    %select_n3A_448 = arith.select %eq3A_445, %iota3A, %broadcast_in_dim3A_447 : vector<64x64xi1>, vector<64x64xi32>
    %reduce_min3A_449 = arith.constant dense<2147483647> : vector<64xi32>
    %reduce_min3A_450 = vector.multi_reduction <minsi>, %select_n3A_448, %reduce_min3A_449 [1] : vector<64x64xi32> to vector<64xi32>
    %broadcast_in_dim3A_451 = vector.shape_cast %reduce_min3A_450 : vector<64xi32> to vector<64x1xi32>
    %swap3A_452 = arith.constant 0 : index
    %swap3A_453 = arith.constant 6 : index
    %swap3A_454 = vector.load %arg5[%swap3A_452, %swap3A_453] : memref<64x16xi32, #tpu.memory_space<vmem>>, vector<64x1xi32>
    tpu.vector_store %arg5[%swap3A_452, %swap3A_453], %broadcast_in_dim3A_451 {strides = array<i32>} : memref<64x16xi32, #tpu.memory_space<vmem>>, vector<64x1xi32>,
    %mul3A_455 = arith.constant 64 : i32
    %mul3A_456 = vector.broadcast %mul3A_455 : i32 to vector<64x1xi32>
    %mul3A_457 = arith.muli %add3A_287, %mul3A_456 : vector<64x1xi32>
    %add3A_458 = arith.addi %mul3A_457, %broadcast_in_dim3A_451 : vector<64x1xi32>
    %swap3A_459 = arith.constant 0 : index
    %swap3A_460 = arith.constant 6 : index
    %swap3A_461 = vector.load %arg4[%swap3A_459, %swap3A_460] : memref<64x16xi32, #tpu.memory_space<vmem>>, vector<64x1xi32>
    tpu.vector_store %arg4[%swap3A_459, %swap3A_460], %add3A_458 {strides = array<i32>} : memref<64x16xi32, #tpu.memory_space<vmem>>, vector<64x1xi32>,
    %eq3A_462 = vector.broadcast %broadcast_in_dim3A_451 : vector<64x1xi32> to vector<64x64xi32>
    %eq3A_463 = arith.cmpi eq, %iota3A, %eq3A_462 : vector<64x64xi32>
    %jit3A_464 = arith.constant 0x7F800000 : f32
    %broadcast_in_dim3A_465 = vector.broadcast %jit3A_464 : f32 to vector<64x64xf32>
    %select_n3A_466 = arith.select %eq3A_463, %broadcast_in_dim3A_465, %select_n3A_440 : vector<64x64xi1>, vector<64x64xf32>
    %reduce_min3A_467 = arith.constant dense<0x7F800000> : vector<64xf32>
    %reduce_min3A_468 = vector.multi_reduction <minimumf>, %select_n3A_466, %reduce_min3A_467 [1] : vector<64x64xf32> to vector<64xf32>
    %broadcast_in_dim3A_469 = vector.shape_cast %reduce_min3A_468 : vector<64xf32> to vector<64x1xf32>
    %eq3A_470 = vector.broadcast %broadcast_in_dim3A_469 : vector<64x1xf32> to vector<64x64xf32>
    %eq3A_471 = arith.cmpf oeq, %select_n3A_466, %eq3A_470 : vector<64x64xf32>
    %jit3A_472 = arith.constant 1073741824 : i32
    %broadcast_in_dim3A_473 = vector.broadcast %jit3A_472 : i32 to vector<64x64xi32>
    %select_n3A_474 = arith.select %eq3A_471, %iota3A, %broadcast_in_dim3A_473 : vector<64x64xi1>, vector<64x64xi32>
    %reduce_min3A_475 = arith.constant dense<2147483647> : vector<64xi32>
    %reduce_min3A_476 = vector.multi_reduction <minsi>, %select_n3A_474, %reduce_min3A_475 [1] : vector<64x64xi32> to vector<64xi32>
    %broadcast_in_dim3A_477 = vector.shape_cast %reduce_min3A_476 : vector<64xi32> to vector<64x1xi32>
    %swap3A_478 = arith.constant 0 : index
    %swap3A_479 = arith.constant 7 : index
    %swap3A_480 = vector.load %arg5[%swap3A_478, %swap3A_479] : memref<64x16xi32, #tpu.memory_space<vmem>>, vector<64x1xi32>
    tpu.vector_store %arg5[%swap3A_478, %swap3A_479], %broadcast_in_dim3A_477 {strides = array<i32>} : memref<64x16xi32, #tpu.memory_space<vmem>>, vector<64x1xi32>,
    %mul3A_481 = arith.constant 64 : i32
    %mul3A_482 = vector.broadcast %mul3A_481 : i32 to vector<64x1xi32>
    %mul3A_483 = arith.muli %add3A_287, %mul3A_482 : vector<64x1xi32>
    %add3A_484 = arith.addi %mul3A_483, %broadcast_in_dim3A_477 : vector<64x1xi32>
    %swap3A_485 = arith.constant 0 : index
    %swap3A_486 = arith.constant 7 : index
    %swap3A_487 = vector.load %arg4[%swap3A_485, %swap3A_486] : memref<64x16xi32, #tpu.memory_space<vmem>>, vector<64x1xi32>
    tpu.vector_store %arg4[%swap3A_485, %swap3A_486], %add3A_484 {strides = array<i32>} : memref<64x16xi32, #tpu.memory_space<vmem>>, vector<64x1xi32>,
    %eq3A_488 = vector.broadcast %broadcast_in_dim3A_477 : vector<64x1xi32> to vector<64x64xi32>
    %eq3A_489 = arith.cmpi eq, %iota3A, %eq3A_488 : vector<64x64xi32>
    %jit3A_490 = arith.constant 0x7F800000 : f32
    %broadcast_in_dim3A_491 = vector.broadcast %jit3A_490 : f32 to vector<64x64xf32>
    %select_n3A_492 = arith.select %eq3A_489, %broadcast_in_dim3A_491, %select_n3A_466 : vector<64x64xi1>, vector<64x64xf32>
    %reduce_min3A_493 = arith.constant dense<0x7F800000> : vector<64xf32>
    %reduce_min3A_494 = vector.multi_reduction <minimumf>, %select_n3A_492, %reduce_min3A_493 [1] : vector<64x64xf32> to vector<64xf32>
    %broadcast_in_dim3A_495 = vector.shape_cast %reduce_min3A_494 : vector<64xf32> to vector<64x1xf32>
    %eq3A_496 = vector.broadcast %broadcast_in_dim3A_495 : vector<64x1xf32> to vector<64x64xf32>
    %eq3A_497 = arith.cmpf oeq, %select_n3A_492, %eq3A_496 : vector<64x64xf32>
    %jit3A_498 = arith.constant 1073741824 : i32
    %broadcast_in_dim3A_499 = vector.broadcast %jit3A_498 : i32 to vector<64x64xi32>
    %select_n3A_500 = arith.select %eq3A_497, %iota3A, %broadcast_in_dim3A_499 : vector<64x64xi1>, vector<64x64xi32>
    %reduce_min3A_501 = arith.constant dense<2147483647> : vector<64xi32>
    %reduce_min3A_502 = vector.multi_reduction <minsi>, %select_n3A_500, %reduce_min3A_501 [1] : vector<64x64xi32> to vector<64xi32>
    %broadcast_in_dim3A_503 = vector.shape_cast %reduce_min3A_502 : vector<64xi32> to vector<64x1xi32>
    %swap3A_504 = arith.constant 0 : index
    %swap3A_505 = arith.constant 8 : index
    %swap3A_506 = vector.load %arg5[%swap3A_504, %swap3A_505] : memref<64x16xi32, #tpu.memory_space<vmem>>, vector<64x1xi32>
    tpu.vector_store %arg5[%swap3A_504, %swap3A_505], %broadcast_in_dim3A_503 {strides = array<i32>} : memref<64x16xi32, #tpu.memory_space<vmem>>, vector<64x1xi32>,
    %mul3A_507 = arith.constant 64 : i32
    %mul3A_508 = vector.broadcast %mul3A_507 : i32 to vector<64x1xi32>
    %mul3A_509 = arith.muli %add3A_287, %mul3A_508 : vector<64x1xi32>
    %add3A_510 = arith.addi %mul3A_509, %broadcast_in_dim3A_503 : vector<64x1xi32>
    %swap3A_511 = arith.constant 0 : index
    %swap3A_512 = arith.constant 8 : index
    %swap3A_513 = vector.load %arg4[%swap3A_511, %swap3A_512] : memref<64x16xi32, #tpu.memory_space<vmem>>, vector<64x1xi32>
    tpu.vector_store %arg4[%swap3A_511, %swap3A_512], %add3A_510 {strides = array<i32>} : memref<64x16xi32, #tpu.memory_space<vmem>>, vector<64x1xi32>,
    %eq3A_514 = vector.broadcast %broadcast_in_dim3A_503 : vector<64x1xi32> to vector<64x64xi32>
    %eq3A_515 = arith.cmpi eq, %iota3A, %eq3A_514 : vector<64x64xi32>
    %jit3A_516 = arith.constant 0x7F800000 : f32
    %broadcast_in_dim3A_517 = vector.broadcast %jit3A_516 : f32 to vector<64x64xf32>
    %select_n3A_518 = arith.select %eq3A_515, %broadcast_in_dim3A_517, %select_n3A_492 : vector<64x64xi1>, vector<64x64xf32>
    %reduce_min3A_519 = arith.constant dense<0x7F800000> : vector<64xf32>
    %reduce_min3A_520 = vector.multi_reduction <minimumf>, %select_n3A_518, %reduce_min3A_519 [1] : vector<64x64xf32> to vector<64xf32>
    %broadcast_in_dim3A_521 = vector.shape_cast %reduce_min3A_520 : vector<64xf32> to vector<64x1xf32>
    %eq3A_522 = vector.broadcast %broadcast_in_dim3A_521 : vector<64x1xf32> to vector<64x64xf32>
    %eq3A_523 = arith.cmpf oeq, %select_n3A_518, %eq3A_522 : vector<64x64xf32>
    %jit3A_524 = arith.constant 1073741824 : i32
    %broadcast_in_dim3A_525 = vector.broadcast %jit3A_524 : i32 to vector<64x64xi32>
    %select_n3A_526 = arith.select %eq3A_523, %iota3A, %broadcast_in_dim3A_525 : vector<64x64xi1>, vector<64x64xi32>
    %reduce_min3A_527 = arith.constant dense<2147483647> : vector<64xi32>
    %reduce_min3A_528 = vector.multi_reduction <minsi>, %select_n3A_526, %reduce_min3A_527 [1] : vector<64x64xi32> to vector<64xi32>
    %broadcast_in_dim3A_529 = vector.shape_cast %reduce_min3A_528 : vector<64xi32> to vector<64x1xi32>
    %swap3A_530 = arith.constant 0 : index
    %swap3A_531 = arith.constant 9 : index
    %swap3A_532 = vector.load %arg5[%swap3A_530, %swap3A_531] : memref<64x16xi32, #tpu.memory_space<vmem>>, vector<64x1xi32>
    tpu.vector_store %arg5[%swap3A_530, %swap3A_531], %broadcast_in_dim3A_529 {strides = array<i32>} : memref<64x16xi32, #tpu.memory_space<vmem>>, vector<64x1xi32>,
    %mul3A_533 = arith.constant 64 : i32
    %mul3A_534 = vector.broadcast %mul3A_533 : i32 to vector<64x1xi32>
    %mul3A_535 = arith.muli %add3A_287, %mul3A_534 : vector<64x1xi32>
    %add3A_536 = arith.addi %mul3A_535, %broadcast_in_dim3A_529 : vector<64x1xi32>
    %swap3A_537 = arith.constant 0 : index
    %swap3A_538 = arith.constant 9 : index
    %swap3A_539 = vector.load %arg4[%swap3A_537, %swap3A_538] : memref<64x16xi32, #tpu.memory_space<vmem>>, vector<64x1xi32>
    tpu.vector_store %arg4[%swap3A_537, %swap3A_538], %add3A_536 {strides = array<i32>} : memref<64x16xi32, #tpu.memory_space<vmem>>, vector<64x1xi32>,
    %eq3A_540 = vector.broadcast %broadcast_in_dim3A_529 : vector<64x1xi32> to vector<64x64xi32>
    %eq3A_541 = arith.cmpi eq, %iota3A, %eq3A_540 : vector<64x64xi32>
    %jit3A_542 = arith.constant 0x7F800000 : f32
    %broadcast_in_dim3A_543 = vector.broadcast %jit3A_542 : f32 to vector<64x64xf32>
    %select_n3A_544 = arith.select %eq3A_541, %broadcast_in_dim3A_543, %select_n3A_518 : vector<64x64xi1>, vector<64x64xf32>
    %reduce_min3A_545 = arith.constant dense<0x7F800000> : vector<64xf32>
    %reduce_min3A_546 = vector.multi_reduction <minimumf>, %select_n3A_544, %reduce_min3A_545 [1] : vector<64x64xf32> to vector<64xf32>
    %broadcast_in_dim3A_547 = vector.shape_cast %reduce_min3A_546 : vector<64xf32> to vector<64x1xf32>
    %eq3A_548 = vector.broadcast %broadcast_in_dim3A_547 : vector<64x1xf32> to vector<64x64xf32>
    %eq3A_549 = arith.cmpf oeq, %select_n3A_544, %eq3A_548 : vector<64x64xf32>
    %jit3A_550 = arith.constant 1073741824 : i32
    %broadcast_in_dim3A_551 = vector.broadcast %jit3A_550 : i32 to vector<64x64xi32>
    %select_n3A_552 = arith.select %eq3A_549, %iota3A, %broadcast_in_dim3A_551 : vector<64x64xi1>, vector<64x64xi32>
    %reduce_min3A_553 = arith.constant dense<2147483647> : vector<64xi32>
    %reduce_min3A_554 = vector.multi_reduction <minsi>, %select_n3A_552, %reduce_min3A_553 [1] : vector<64x64xi32> to vector<64xi32>
    %broadcast_in_dim3A_555 = vector.shape_cast %reduce_min3A_554 : vector<64xi32> to vector<64x1xi32>
    %swap3A_556 = arith.constant 0 : index
    %swap3A_557 = arith.constant 10 : index
    %swap3A_558 = vector.load %arg5[%swap3A_556, %swap3A_557] : memref<64x16xi32, #tpu.memory_space<vmem>>, vector<64x1xi32>
    tpu.vector_store %arg5[%swap3A_556, %swap3A_557], %broadcast_in_dim3A_555 {strides = array<i32>} : memref<64x16xi32, #tpu.memory_space<vmem>>, vector<64x1xi32>,
    %mul3A_559 = arith.constant 64 : i32
    %mul3A_560 = vector.broadcast %mul3A_559 : i32 to vector<64x1xi32>
    %mul3A_561 = arith.muli %add3A_287, %mul3A_560 : vector<64x1xi32>
    %add3A_562 = arith.addi %mul3A_561, %broadcast_in_dim3A_555 : vector<64x1xi32>
    %swap3A_563 = arith.constant 0 : index
    %swap3A_564 = arith.constant 10 : index
    %swap3A_565 = vector.load %arg4[%swap3A_563, %swap3A_564] : memref<64x16xi32, #tpu.memory_space<vmem>>, vector<64x1xi32>
    tpu.vector_store %arg4[%swap3A_563, %swap3A_564], %add3A_562 {strides = array<i32>} : memref<64x16xi32, #tpu.memory_space<vmem>>, vector<64x1xi32>,
    %eq3A_566 = vector.broadcast %broadcast_in_dim3A_555 : vector<64x1xi32> to vector<64x64xi32>
    %eq3A_567 = arith.cmpi eq, %iota3A, %eq3A_566 : vector<64x64xi32>
    %jit3A_568 = arith.constant 0x7F800000 : f32
    %broadcast_in_dim3A_569 = vector.broadcast %jit3A_568 : f32 to vector<64x64xf32>
    %select_n3A_570 = arith.select %eq3A_567, %broadcast_in_dim3A_569, %select_n3A_544 : vector<64x64xi1>, vector<64x64xf32>
    %reduce_min3A_571 = arith.constant dense<0x7F800000> : vector<64xf32>
    %reduce_min3A_572 = vector.multi_reduction <minimumf>, %select_n3A_570, %reduce_min3A_571 [1] : vector<64x64xf32> to vector<64xf32>
    %broadcast_in_dim3A_573 = vector.shape_cast %reduce_min3A_572 : vector<64xf32> to vector<64x1xf32>
    %eq3A_574 = vector.broadcast %broadcast_in_dim3A_573 : vector<64x1xf32> to vector<64x64xf32>
    %eq3A_575 = arith.cmpf oeq, %select_n3A_570, %eq3A_574 : vector<64x64xf32>
    %jit3A_576 = arith.constant 1073741824 : i32
    %broadcast_in_dim3A_577 = vector.broadcast %jit3A_576 : i32 to vector<64x64xi32>
    %select_n3A_578 = arith.select %eq3A_575, %iota3A, %broadcast_in_dim3A_577 : vector<64x64xi1>, vector<64x64xi32>
    %reduce_min3A_579 = arith.constant dense<2147483647> : vector<64xi32>
    %reduce_min3A_580 = vector.multi_reduction <minsi>, %select_n3A_578, %reduce_min3A_579 [1] : vector<64x64xi32> to vector<64xi32>
    %broadcast_in_dim3A_581 = vector.shape_cast %reduce_min3A_580 : vector<64xi32> to vector<64x1xi32>
    %swap3A_582 = arith.constant 0 : index
    %swap3A_583 = arith.constant 11 : index
    %swap3A_584 = vector.load %arg5[%swap3A_582, %swap3A_583] : memref<64x16xi32, #tpu.memory_space<vmem>>, vector<64x1xi32>
    tpu.vector_store %arg5[%swap3A_582, %swap3A_583], %broadcast_in_dim3A_581 {strides = array<i32>} : memref<64x16xi32, #tpu.memory_space<vmem>>, vector<64x1xi32>,
    %mul3A_585 = arith.constant 64 : i32
    %mul3A_586 = vector.broadcast %mul3A_585 : i32 to vector<64x1xi32>
    %mul3A_587 = arith.muli %add3A_287, %mul3A_586 : vector<64x1xi32>
    %add3A_588 = arith.addi %mul3A_587, %broadcast_in_dim3A_581 : vector<64x1xi32>
    %swap3A_589 = arith.constant 0 : index
    %swap3A_590 = arith.constant 11 : index
    %swap3A_591 = vector.load %arg4[%swap3A_589, %swap3A_590] : memref<64x16xi32, #tpu.memory_space<vmem>>, vector<64x1xi32>
    tpu.vector_store %arg4[%swap3A_589, %swap3A_590], %add3A_588 {strides = array<i32>} : memref<64x16xi32, #tpu.memory_space<vmem>>, vector<64x1xi32>,
    %eq3A_592 = vector.broadcast %broadcast_in_dim3A_581 : vector<64x1xi32> to vector<64x64xi32>
    %eq3A_593 = arith.cmpi eq, %iota3A, %eq3A_592 : vector<64x64xi32>
    %jit3A_594 = arith.constant 0x7F800000 : f32
    %broadcast_in_dim3A_595 = vector.broadcast %jit3A_594 : f32 to vector<64x64xf32>
    %select_n3A_596 = arith.select %eq3A_593, %broadcast_in_dim3A_595, %select_n3A_570 : vector<64x64xi1>, vector<64x64xf32>
    %reduce_min3A_597 = arith.constant dense<0x7F800000> : vector<64xf32>
    %reduce_min3A_598 = vector.multi_reduction <minimumf>, %select_n3A_596, %reduce_min3A_597 [1] : vector<64x64xf32> to vector<64xf32>
    %broadcast_in_dim3A_599 = vector.shape_cast %reduce_min3A_598 : vector<64xf32> to vector<64x1xf32>
    %eq3A_600 = vector.broadcast %broadcast_in_dim3A_599 : vector<64x1xf32> to vector<64x64xf32>
    %eq3A_601 = arith.cmpf oeq, %select_n3A_596, %eq3A_600 : vector<64x64xf32>
    %jit3A_602 = arith.constant 1073741824 : i32
    %broadcast_in_dim3A_603 = vector.broadcast %jit3A_602 : i32 to vector<64x64xi32>
    %select_n3A_604 = arith.select %eq3A_601, %iota3A, %broadcast_in_dim3A_603 : vector<64x64xi1>, vector<64x64xi32>
    %reduce_min3A_605 = arith.constant dense<2147483647> : vector<64xi32>
    %reduce_min3A_606 = vector.multi_reduction <minsi>, %select_n3A_604, %reduce_min3A_605 [1] : vector<64x64xi32> to vector<64xi32>
    %broadcast_in_dim3A_607 = vector.shape_cast %reduce_min3A_606 : vector<64xi32> to vector<64x1xi32>
    %swap3A_608 = arith.constant 0 : index
    %swap3A_609 = arith.constant 12 : index
    %swap3A_610 = vector.load %arg5[%swap3A_608, %swap3A_609] : memref<64x16xi32, #tpu.memory_space<vmem>>, vector<64x1xi32>
    tpu.vector_store %arg5[%swap3A_608, %swap3A_609], %broadcast_in_dim3A_607 {strides = array<i32>} : memref<64x16xi32, #tpu.memory_space<vmem>>, vector<64x1xi32>,
    %mul3A_611 = arith.constant 64 : i32
    %mul3A_612 = vector.broadcast %mul3A_611 : i32 to vector<64x1xi32>
    %mul3A_613 = arith.muli %add3A_287, %mul3A_612 : vector<64x1xi32>
    %add3A_614 = arith.addi %mul3A_613, %broadcast_in_dim3A_607 : vector<64x1xi32>
    %swap3A_615 = arith.constant 0 : index
    %swap3A_616 = arith.constant 12 : index
    %swap3A_617 = vector.load %arg4[%swap3A_615, %swap3A_616] : memref<64x16xi32, #tpu.memory_space<vmem>>, vector<64x1xi32>
    tpu.vector_store %arg4[%swap3A_615, %swap3A_616], %add3A_614 {strides = array<i32>} : memref<64x16xi32, #tpu.memory_space<vmem>>, vector<64x1xi32>,
    %eq3A_618 = vector.broadcast %broadcast_in_dim3A_607 : vector<64x1xi32> to vector<64x64xi32>
    %eq3A_619 = arith.cmpi eq, %iota3A, %eq3A_618 : vector<64x64xi32>
    %jit3A_620 = arith.constant 0x7F800000 : f32
    %broadcast_in_dim3A_621 = vector.broadcast %jit3A_620 : f32 to vector<64x64xf32>
    %select_n3A_622 = arith.select %eq3A_619, %broadcast_in_dim3A_621, %select_n3A_596 : vector<64x64xi1>, vector<64x64xf32>
    %reduce_min3A_623 = arith.constant dense<0x7F800000> : vector<64xf32>
    %reduce_min3A_624 = vector.multi_reduction <minimumf>, %select_n3A_622, %reduce_min3A_623 [1] : vector<64x64xf32> to vector<64xf32>
    %broadcast_in_dim3A_625 = vector.shape_cast %reduce_min3A_624 : vector<64xf32> to vector<64x1xf32>
    %eq3A_626 = vector.broadcast %broadcast_in_dim3A_625 : vector<64x1xf32> to vector<64x64xf32>
    %eq3A_627 = arith.cmpf oeq, %select_n3A_622, %eq3A_626 : vector<64x64xf32>
    %jit3A_628 = arith.constant 1073741824 : i32
    %broadcast_in_dim3A_629 = vector.broadcast %jit3A_628 : i32 to vector<64x64xi32>
    %select_n3A_630 = arith.select %eq3A_627, %iota3A, %broadcast_in_dim3A_629 : vector<64x64xi1>, vector<64x64xi32>
    %reduce_min3A_631 = arith.constant dense<2147483647> : vector<64xi32>
    %reduce_min3A_632 = vector.multi_reduction <minsi>, %select_n3A_630, %reduce_min3A_631 [1] : vector<64x64xi32> to vector<64xi32>
    %broadcast_in_dim3A_633 = vector.shape_cast %reduce_min3A_632 : vector<64xi32> to vector<64x1xi32>
    %swap3A_634 = arith.constant 0 : index
    %swap3A_635 = arith.constant 13 : index
    %swap3A_636 = vector.load %arg5[%swap3A_634, %swap3A_635] : memref<64x16xi32, #tpu.memory_space<vmem>>, vector<64x1xi32>
    tpu.vector_store %arg5[%swap3A_634, %swap3A_635], %broadcast_in_dim3A_633 {strides = array<i32>} : memref<64x16xi32, #tpu.memory_space<vmem>>, vector<64x1xi32>,
    %mul3A_637 = arith.constant 64 : i32
    %mul3A_638 = vector.broadcast %mul3A_637 : i32 to vector<64x1xi32>
    %mul3A_639 = arith.muli %add3A_287, %mul3A_638 : vector<64x1xi32>
    %add3A_640 = arith.addi %mul3A_639, %broadcast_in_dim3A_633 : vector<64x1xi32>
    %swap3A_641 = arith.constant 0 : index
    %swap3A_642 = arith.constant 13 : index
    %swap3A_643 = vector.load %arg4[%swap3A_641, %swap3A_642] : memref<64x16xi32, #tpu.memory_space<vmem>>, vector<64x1xi32>
    tpu.vector_store %arg4[%swap3A_641, %swap3A_642], %add3A_640 {strides = array<i32>} : memref<64x16xi32, #tpu.memory_space<vmem>>, vector<64x1xi32>,
    %eq3A_644 = vector.broadcast %broadcast_in_dim3A_633 : vector<64x1xi32> to vector<64x64xi32>
    %eq3A_645 = arith.cmpi eq, %iota3A, %eq3A_644 : vector<64x64xi32>
    %jit3A_646 = arith.constant 0x7F800000 : f32
    %broadcast_in_dim3A_647 = vector.broadcast %jit3A_646 : f32 to vector<64x64xf32>
    %select_n3A_648 = arith.select %eq3A_645, %broadcast_in_dim3A_647, %select_n3A_622 : vector<64x64xi1>, vector<64x64xf32>
    %reduce_min3A_649 = arith.constant dense<0x7F800000> : vector<64xf32>
    %reduce_min3A_650 = vector.multi_reduction <minimumf>, %select_n3A_648, %reduce_min3A_649 [1] : vector<64x64xf32> to vector<64xf32>
    %broadcast_in_dim3A_651 = vector.shape_cast %reduce_min3A_650 : vector<64xf32> to vector<64x1xf32>
    %eq3A_652 = vector.broadcast %broadcast_in_dim3A_651 : vector<64x1xf32> to vector<64x64xf32>
    %eq3A_653 = arith.cmpf oeq, %select_n3A_648, %eq3A_652 : vector<64x64xf32>
    %jit3A_654 = arith.constant 1073741824 : i32
    %broadcast_in_dim3A_655 = vector.broadcast %jit3A_654 : i32 to vector<64x64xi32>
    %select_n3A_656 = arith.select %eq3A_653, %iota3A, %broadcast_in_dim3A_655 : vector<64x64xi1>, vector<64x64xi32>
    %reduce_min3A_657 = arith.constant dense<2147483647> : vector<64xi32>
    %reduce_min3A_658 = vector.multi_reduction <minsi>, %select_n3A_656, %reduce_min3A_657 [1] : vector<64x64xi32> to vector<64xi32>
    %broadcast_in_dim3A_659 = vector.shape_cast %reduce_min3A_658 : vector<64xi32> to vector<64x1xi32>
    %swap3A_660 = arith.constant 0 : index
    %swap3A_661 = arith.constant 14 : index
    %swap3A_662 = vector.load %arg5[%swap3A_660, %swap3A_661] : memref<64x16xi32, #tpu.memory_space<vmem>>, vector<64x1xi32>
    tpu.vector_store %arg5[%swap3A_660, %swap3A_661], %broadcast_in_dim3A_659 {strides = array<i32>} : memref<64x16xi32, #tpu.memory_space<vmem>>, vector<64x1xi32>,
    %mul3A_663 = arith.constant 64 : i32
    %mul3A_664 = vector.broadcast %mul3A_663 : i32 to vector<64x1xi32>
    %mul3A_665 = arith.muli %add3A_287, %mul3A_664 : vector<64x1xi32>
    %add3A_666 = arith.addi %mul3A_665, %broadcast_in_dim3A_659 : vector<64x1xi32>
    %swap3A_667 = arith.constant 0 : index
    %swap3A_668 = arith.constant 14 : index
    %swap3A_669 = vector.load %arg4[%swap3A_667, %swap3A_668] : memref<64x16xi32, #tpu.memory_space<vmem>>, vector<64x1xi32>
    tpu.vector_store %arg4[%swap3A_667, %swap3A_668], %add3A_666 {strides = array<i32>} : memref<64x16xi32, #tpu.memory_space<vmem>>, vector<64x1xi32>,
    %eq3A_670 = vector.broadcast %broadcast_in_dim3A_659 : vector<64x1xi32> to vector<64x64xi32>
    %eq3A_671 = arith.cmpi eq, %iota3A, %eq3A_670 : vector<64x64xi32>
    %jit3A_672 = arith.constant 0x7F800000 : f32
    %broadcast_in_dim3A_673 = vector.broadcast %jit3A_672 : f32 to vector<64x64xf32>
    %select_n3A_674 = arith.select %eq3A_671, %broadcast_in_dim3A_673, %select_n3A_648 : vector<64x64xi1>, vector<64x64xf32>
    %reduce_min3A_675 = arith.constant dense<0x7F800000> : vector<64xf32>
    %reduce_min3A_676 = vector.multi_reduction <minimumf>, %select_n3A_674, %reduce_min3A_675 [1] : vector<64x64xf32> to vector<64xf32>
    %broadcast_in_dim3A_677 = vector.shape_cast %reduce_min3A_676 : vector<64xf32> to vector<64x1xf32>
    %eq3A_678 = vector.broadcast %broadcast_in_dim3A_677 : vector<64x1xf32> to vector<64x64xf32>
    %eq3A_679 = arith.cmpf oeq, %select_n3A_674, %eq3A_678 : vector<64x64xf32>
    %jit3A_680 = arith.constant 1073741824 : i32
    %broadcast_in_dim3A_681 = vector.broadcast %jit3A_680 : i32 to vector<64x64xi32>
    %select_n3A_682 = arith.select %eq3A_679, %iota3A, %broadcast_in_dim3A_681 : vector<64x64xi1>, vector<64x64xi32>
    %reduce_min3A_683 = arith.constant dense<2147483647> : vector<64xi32>
    %reduce_min3A_684 = vector.multi_reduction <minsi>, %select_n3A_682, %reduce_min3A_683 [1] : vector<64x64xi32> to vector<64xi32>
    %broadcast_in_dim3A_685 = vector.shape_cast %reduce_min3A_684 : vector<64xi32> to vector<64x1xi32>
    %swap3A_686 = arith.constant 0 : index
    %swap3A_687 = arith.constant 15 : index
    %swap3A_688 = vector.load %arg5[%swap3A_686, %swap3A_687] : memref<64x16xi32, #tpu.memory_space<vmem>>, vector<64x1xi32>
    tpu.vector_store %arg5[%swap3A_686, %swap3A_687], %broadcast_in_dim3A_685 {strides = array<i32>} : memref<64x16xi32, #tpu.memory_space<vmem>>, vector<64x1xi32>,
    %mul3A_689 = arith.constant 64 : i32
    %mul3A_690 = vector.broadcast %mul3A_689 : i32 to vector<64x1xi32>
    %mul3A_691 = arith.muli %add3A_287, %mul3A_690 : vector<64x1xi32>
    %add3A_692 = arith.addi %mul3A_691, %broadcast_in_dim3A_685 : vector<64x1xi32>
    %swap3A_693 = arith.constant 0 : index
    %swap3A_694 = arith.constant 15 : index
    %swap3A_695 = vector.load %arg4[%swap3A_693, %swap3A_694] : memref<64x16xi32, #tpu.memory_space<vmem>>, vector<64x1xi32>
    tpu.vector_store %arg4[%swap3A_693, %swap3A_694], %add3A_692 {strides = array<i32>} : memref<64x16xi32, #tpu.memory_space<vmem>>, vector<64x1xi32>,
    return
  }
  func.func @transform_0(%arg0: i32) -> (i32, i32) {
    %c0_i32 = arith.constant 0 : i32
    %c0_i32_0 = arith.constant 0 : i32
    return %arg0, %c0_i32 : i32, i32
  }
  func.func @transform_1(%arg0: i32) -> (i32, i32) {
    %c0_i32 = arith.constant 0 : i32
    %c0_i32_0 = arith.constant 0 : i32
    %c0_i32_1 = arith.constant 0 : i32
    return %c0_i32, %c0_i32_0 : i32, i32
  }
  func.func @transform_2(%arg0: i32) -> (i32, i32) {
    %c0_i32 = arith.constant 0 : i32
    %c0_i32_0 = arith.constant 0 : i32
    return %arg0, %c0_i32 : i32, i32
  }
  func.func @transform_3(%arg0: i32) -> (i32, i32) {
    %c0_i32 = arith.constant 0 : i32
    %c0_i32_0 = arith.constant 0 : i32
    return %arg0, %c0_i32 : i32, i32
  }
  func.func @transform_4(%arg0: i32) -> (i32, i32) {
    %c0_i32 = arith.constant 0 : i32
    %c0_i32_0 = arith.constant 0 : i32
    return %arg0, %c0_i32 : i32, i32
  }
}

module attributes {stable_mosaic.version = 14 : i64} {
  func.func @_stage2_body(%arg0: i32, %arg1: memref<2048x128xf32, #tpu.memory_space<vmem>>, %arg2: memref<128x16xi32, #tpu.memory_space<vmem>>, %arg3: memref<128x16xi32, #tpu.memory_space<vmem>>, %arg4: memref<128x16xf32, #tpu.memory_space<vmem>>, %arg5: memref<128x16x128xf32, #tpu.memory_space<vmem>>) attributes {dimension_semantics = [#tpu.dimension_semantics<arbitrary>], iteration_bounds = array<i64: 64>, scalar_prefetch = 0 : i64, scratch_operands = 1 : i64, tpu.core_type = #tpu.core_type<tc>, window_params = [{transform_indices = @transform_0, window_bounds = array<i64: 2048, 128>}, {transform_indices = @transform_1, window_bounds = array<i64: 128, 16>}, {transform_indices = @transform_2, window_bounds = array<i64: 128, 16>}, {transform_indices = @transform_3, window_bounds = array<i64: 128, 16>}]} {
    %get3A = arith.constant 0 : index
    %get3A_0 = arith.constant 0 : index
    %get3A_1 = vector.load %arg1[%get3A, %get3A_0] : memref<2048x128xf32, #tpu.memory_space<vmem>>, vector<2048x128xf32>
    %reshape3A = vector.shape_cast %get3A_1 : vector<2048x128xf32> to vector<128x16x128xf32>
    %swap3A = arith.constant 0 : index
    %swap3A_2 = arith.constant 0 : index
    %swap3A_3 = arith.constant 0 : index
    %swap3A_4 = vector.load %arg5[%swap3A, %swap3A_2, %swap3A_3] : memref<128x16x128xf32, #tpu.memory_space<vmem>>, vector<128x16x128xf32>
    tpu.vector_store %arg5[%swap3A, %swap3A_2, %swap3A_3], %reshape3A {strides = array<i32>} : memref<128x16x128xf32, #tpu.memory_space<vmem>>, vector<128x16x128xf32>,
    %get3A_5 = arith.constant 0 : index
    %get3A_6 = arith.constant 0 : index
    %get3A_7 = vector.load %arg2[%get3A_5, %get3A_6] : memref<128x16xi32, #tpu.memory_space<vmem>>, vector<128x16xi32>
    %reshape3A_8 = vector.shape_cast %get3A_7 : vector<128x16xi32> to vector<128x16x1xi32>
    %iota3A = tpu.iota {dimensions = array<i32: 2>} : vector<128x16x128xi32>
    %mul3A = arith.constant 128 : i32
    %mul3A_9 = vector.broadcast %mul3A : i32 to vector<128x16x1xi32>
    %mul3A_10 = arith.muli %reshape3A_8, %mul3A_9 : vector<128x16x1xi32>
    %add3A = vector.broadcast %mul3A_10 : vector<128x16x1xi32> to vector<128x16x128xi32>
    %add3A_11 = arith.addi %add3A, %iota3A : vector<128x16x128xi32>
    %iota3A_12 = tpu.iota {dimensions = array<i32: 1>} : vector<128x16xi32>
    %broadcast_in_dim3A = arith.constant 0.000000e+00 : f32
    %broadcast_in_dim3A_13 = vector.broadcast %broadcast_in_dim3A : f32 to vector<128x16xf32>
    %broadcast_in_dim3A_14 = arith.constant 0 : i32
    %broadcast_in_dim3A_15 = vector.broadcast %broadcast_in_dim3A_14 : i32 to vector<128x16xi32>
    %scan3A = arith.constant 1073741824 : i32
    %scan3A_16 = arith.constant 0 : i32
    %scan3A_17 = arith.constant 16 : i32
    %scan3A_18 = arith.addi %scan3A_16, %scan3A_17 : i32
    %scan3A_19 = arith.constant 1 : i32
    %scan3A_20:2 = scf.for %scan3A_28 = %scan3A_16 to %scan3A_18 step %scan3A_19 iter_args(%scan3A_29 = %broadcast_in_dim3A_13, %scan3A_30 = %broadcast_in_dim3A_15) -> (vector<128x16xf32>, vector<128x16xi32>)  : i32 {
      %get3A_31 = arith.constant 0 : index
      %get3A_32 = arith.constant 0 : index
      %get3A_33 = arith.constant 0 : index
      %get3A_34 = vector.load %arg5[%get3A_31, %get3A_32, %get3A_33] : memref<128x16x128xf32, #tpu.memory_space<vmem>>, vector<128x16x128xf32>
      %reduce_min3A = arith.constant dense<0x7F800000> : vector<128x16xf32>
      %reduce_min3A_35 = vector.multi_reduction <minimumf>, %get3A_34, %reduce_min3A [2] : vector<128x16x128xf32> to vector<128x16xf32>
      %reduce_min3A_36 = arith.constant dense<0x7F800000> : vector<128xf32>
      %reduce_min3A_37 = vector.multi_reduction <minimumf>, %reduce_min3A_35, %reduce_min3A_36 [1] : vector<128x16xf32> to vector<128xf32>
      %broadcast_in_dim3A_38 = vector.shape_cast %reduce_min3A_37 : vector<128xf32> to vector<128x1xf32>
      %reshape3A_39 = vector.shape_cast %broadcast_in_dim3A_38 : vector<128x1xf32> to vector<128x1x1xf32>
      %eq3A = vector.broadcast %reshape3A_39 : vector<128x1x1xf32> to vector<128x16x128xf32>
      %eq3A_40 = arith.cmpf oeq, %get3A_34, %eq3A : vector<128x16x128xf32>
      %broadcast_in_dim3A_41 = vector.broadcast %scan3A : i32 to vector<128x16x128xi32>
      %select_n3A = arith.select %eq3A_40, %add3A_11, %broadcast_in_dim3A_41 : vector<128x16x128xi1>, vector<128x16x128xi32>
      %reduce_min3A_42 = arith.constant dense<2147483647> : vector<128x16xi32>
      %reduce_min3A_43 = vector.multi_reduction <minsi>, %select_n3A, %reduce_min3A_42 [2] : vector<128x16x128xi32> to vector<128x16xi32>
      %reduce_min3A_44 = arith.constant dense<2147483647> : vector<128xi32>
      %reduce_min3A_45 = vector.multi_reduction <minsi>, %reduce_min3A_43, %reduce_min3A_44 [1] : vector<128x16xi32> to vector<128xi32>
      %broadcast_in_dim3A_46 = vector.shape_cast %reduce_min3A_45 : vector<128xi32> to vector<128x1xi32>
      %reshape3A_47 = vector.shape_cast %broadcast_in_dim3A_46 : vector<128x1xi32> to vector<128x1x1xi32>
      %eq3A_48 = vector.broadcast %reshape3A_47 : vector<128x1x1xi32> to vector<128x16x128xi32>
      %eq3A_49 = arith.cmpi eq, %add3A_11, %eq3A_48 : vector<128x16x128xi32>
      %jit3A = arith.constant 0x7F800000 : f32
      %broadcast_in_dim3A_50 = vector.broadcast %jit3A : f32 to vector<128x16x128xf32>
      %select_n3A_51 = arith.select %eq3A_49, %broadcast_in_dim3A_50, %get3A_34 : vector<128x16x128xi1>, vector<128x16x128xf32>
      %swap3A_52 = arith.constant 0 : index
      %swap3A_53 = arith.constant 0 : index
      %swap3A_54 = arith.constant 0 : index
      %swap3A_55 = vector.load %arg5[%swap3A_52, %swap3A_53, %swap3A_54] : memref<128x16x128xf32, #tpu.memory_space<vmem>>, vector<128x16x128xf32>
      tpu.vector_store %arg5[%swap3A_52, %swap3A_53, %swap3A_54], %select_n3A_51 {strides = array<i32>} : memref<128x16x128xf32, #tpu.memory_space<vmem>>, vector<128x16x128xf32>,
      %eq3A_56 = vector.broadcast %scan3A_28 : i32 to vector<128x16xi32>
      %eq3A_57 = arith.cmpi eq, %iota3A_12, %eq3A_56 : vector<128x16xi32>
      %broadcast_in_dim3A_58 = vector.shape_cast %broadcast_in_dim3A_38 : vector<128x1xf32> to vector<128x1xf32>
      %broadcast_in_dim3A_59 = vector.broadcast %broadcast_in_dim3A_58 : vector<128x1xf32> to vector<128x16xf32>
      %select_n3A_60 = arith.select %eq3A_57, %broadcast_in_dim3A_59, %scan3A_29 : vector<128x16xi1>, vector<128x16xf32>
      %eq3A_61 = vector.broadcast %scan3A_28 : i32 to vector<128x16xi32>
      %eq3A_62 = arith.cmpi eq, %iota3A_12, %eq3A_61 : vector<128x16xi32>
      %broadcast_in_dim3A_63 = vector.shape_cast %broadcast_in_dim3A_46 : vector<128x1xi32> to vector<128x1xi32>
      %broadcast_in_dim3A_64 = vector.broadcast %broadcast_in_dim3A_63 : vector<128x1xi32> to vector<128x16xi32>
      %select_n3A_65 = arith.select %eq3A_62, %broadcast_in_dim3A_64, %scan3A_30 : vector<128x16xi1>, vector<128x16xi32>
      scf.yield %select_n3A_60, %select_n3A_65 : vector<128x16xf32>, vector<128x16xi32>
    }
    %scan3A_21 = arith.constant 16 : i32
    %swap3A_22 = arith.constant 0 : index
    %swap3A_23 = arith.constant 0 : index
    %swap3A_24 = vector.load %arg3[%swap3A_22, %swap3A_23] : memref<128x16xi32, #tpu.memory_space<vmem>>, vector<128x16xi32>
    tpu.vector_store %arg3[%swap3A_22, %swap3A_23], %scan3A_20#1 {strides = array<i32>} : memref<128x16xi32, #tpu.memory_space<vmem>>, vector<128x16xi32>,
    %swap3A_25 = arith.constant 0 : index
    %swap3A_26 = arith.constant 0 : index
    %swap3A_27 = vector.load %arg4[%swap3A_25, %swap3A_26] : memref<128x16xf32, #tpu.memory_space<vmem>>, vector<128x16xf32>
    tpu.vector_store %arg4[%swap3A_25, %swap3A_26], %scan3A_20#0 {strides = array<i32>} : memref<128x16xf32, #tpu.memory_space<vmem>>, vector<128x16xf32>,
    return
  }
  func.func @transform_0(%arg0: i32) -> (i32, i32) {
    %c0_i32 = arith.constant 0 : i32
    %c0_i32_0 = arith.constant 0 : i32
    return %arg0, %c0_i32 : i32, i32
  }
  func.func @transform_1(%arg0: i32) -> (i32, i32) {
    %c0_i32 = arith.constant 0 : i32
    %c0_i32_0 = arith.constant 0 : i32
    return %arg0, %c0_i32 : i32, i32
  }
  func.func @transform_2(%arg0: i32) -> (i32, i32) {
    %c0_i32 = arith.constant 0 : i32
    %c0_i32_0 = arith.constant 0 : i32
    return %arg0, %c0_i32 : i32, i32
  }
  func.func @transform_3(%arg0: i32) -> (i32, i32) {
    %c0_i32 = arith.constant 0 : i32
    %c0_i32_0 = arith.constant 0 : i32
    return %arg0, %c0_i32 : i32, i32
  }
}

module attributes {stable_mosaic.version = 14 : i64} {
  func.func @_wprep_body(%arg0: memref<256x256xf32, #tpu.memory_space<vmem>>, %arg1: memref<256x32xf32, #tpu.memory_space<vmem>>, %arg2: memref<32x256xf32, #tpu.memory_space<vmem>>, %arg3: memref<256x256xf32, #tpu.memory_space<vmem>>, %arg4: memref<256x256xf32, #tpu.memory_space<vmem>>, %arg5: memref<256x256xf32, #tpu.memory_space<vmem>>, %arg6: memref<1x256xf32, #tpu.memory_space<vmem>>, %arg7: memref<1x256xf32, #tpu.memory_space<vmem>>, %arg8: memref<1x256xf32, #tpu.memory_space<vmem>>, %arg9: memref<1x256xf32, #tpu.memory_space<vmem>>, %arg10: memref<1x256xf32, #tpu.memory_space<vmem>>, %arg11: memref<2048x256xf32, #tpu.memory_space<vmem>>, %arg12: memref<256x32xf32, #tpu.memory_space<vmem>>, %arg13: memref<32x256xf32, #tpu.memory_space<vmem>>, %arg14: memref<1x256xf32, #tpu.memory_space<vmem>>, %arg15: memref<1x256xf32, #tpu.memory_space<vmem>>, %arg16: memref<1x256xf32, #tpu.memory_space<vmem>>) attributes {dimension_semantics = [], scalar_prefetch = 0 : i64, scratch_operands = 0 : i64, tpu.core_type = #tpu.core_type<tc>} {
    %get3A = arith.constant 0 : index
    %get3A_0 = arith.constant 0 : index
    %get3A_1 = vector.load %arg0[%get3A, %get3A_0] : memref<256x256xf32, #tpu.memory_space<vmem>>, vector<256x256xf32>
    %get3A_2 = arith.constant 0 : index
    %get3A_3 = arith.constant 0 : index
    %get3A_4 = vector.load %arg1[%get3A_2, %get3A_3] : memref<256x32xf32, #tpu.memory_space<vmem>>, vector<256x32xf32>
    %dot_general3A = arith.constant dense<0.000000e+00> : vector<256x32xf32>
    %dot_general3A_5 = tpu.matmul %get3A_1, %get3A_4, %dot_general3A {dimension_numbers = #tpu.dot_dimension_numbers<[1], [0], [0], [1], [0, 0, 1, 1], [], []>, transpose_lhs_hint = false} : vector<256x256xf32>, vector<256x32xf32>, vector<256x32xf32> -> vector<256x32xf32>
    %swap3A = arith.constant 0 : index
    %swap3A_6 = arith.constant 0 : index
    %swap3A_7 = vector.load %arg12[%swap3A, %swap3A_6] : memref<256x32xf32, #tpu.memory_space<vmem>>, vector<256x32xf32>
    tpu.vector_store %arg12[%swap3A, %swap3A_6], %dot_general3A_5 {strides = array<i32>} : memref<256x32xf32, #tpu.memory_space<vmem>>, vector<256x32xf32>,
    %get3A_8 = arith.constant 0 : index
    %get3A_9 = arith.constant 0 : index
    %get3A_10 = vector.load %arg2[%get3A_8, %get3A_9] : memref<32x256xf32, #tpu.memory_space<vmem>>, vector<32x256xf32>
    %get3A_11 = arith.constant 0 : index
    %get3A_12 = arith.constant 0 : index
    %get3A_13 = vector.load %arg3[%get3A_11, %get3A_12] : memref<256x256xf32, #tpu.memory_space<vmem>>, vector<256x256xf32>
    %dot_general3A_14 = arith.constant dense<0.000000e+00> : vector<32x256xf32>
    %dot_general3A_15 = tpu.matmul %get3A_10, %get3A_13, %dot_general3A_14 {dimension_numbers = #tpu.dot_dimension_numbers<[1], [0], [0], [1], [0, 0, 1, 1], [], []>, transpose_lhs_hint = false} : vector<32x256xf32>, vector<256x256xf32>, vector<32x256xf32> -> vector<32x256xf32>
    %swap3A_16 = arith.constant 0 : index
    %swap3A_17 = arith.constant 0 : index
    %swap3A_18 = vector.load %arg13[%swap3A_16, %swap3A_17] : memref<32x256xf32, #tpu.memory_space<vmem>>, vector<32x256xf32>
    tpu.vector_store %arg13[%swap3A_16, %swap3A_17], %dot_general3A_15 {strides = array<i32>} : memref<32x256xf32, #tpu.memory_space<vmem>>, vector<32x256xf32>,
    %get3A_19 = arith.constant 0 : index
    %get3A_20 = arith.constant 0 : index
    %get3A_21 = vector.load %arg6[%get3A_19, %get3A_20] : memref<1x256xf32, #tpu.memory_space<vmem>>, vector<1x256xf32>
    %get3A_22 = arith.constant 0 : index
    %get3A_23 = arith.constant 0 : index
    %get3A_24 = vector.load %arg3[%get3A_22, %get3A_23] : memref<256x256xf32, #tpu.memory_space<vmem>>, vector<256x256xf32>
    %dot_general3A_25 = arith.constant dense<0.000000e+00> : vector<1x256xf32>
    %dot_general3A_26 = tpu.matmul %get3A_21, %get3A_24, %dot_general3A_25 {dimension_numbers = #tpu.dot_dimension_numbers<[1], [0], [0], [1], [0, 0, 1, 1], [], []>, transpose_lhs_hint = false} : vector<1x256xf32>, vector<256x256xf32>, vector<1x256xf32> -> vector<1x256xf32>
    %get3A_27 = arith.constant 0 : index
    %get3A_28 = arith.constant 0 : index
    %get3A_29 = vector.load %arg7[%get3A_27, %get3A_28] : memref<1x256xf32, #tpu.memory_space<vmem>>, vector<1x256xf32>
    %add3A = arith.addf %dot_general3A_26, %get3A_29 : vector<1x256xf32>
    %swap3A_30 = arith.constant 0 : index
    %swap3A_31 = arith.constant 0 : index
    %swap3A_32 = vector.load %arg14[%swap3A_30, %swap3A_31] : memref<1x256xf32, #tpu.memory_space<vmem>>, vector<1x256xf32>
    tpu.vector_store %arg14[%swap3A_30, %swap3A_31], %add3A {strides = array<i32>} : memref<1x256xf32, #tpu.memory_space<vmem>>, vector<1x256xf32>,
    %get3A_33 = arith.constant 0 : index
    %get3A_34 = arith.constant 0 : index
    %get3A_35 = vector.load %arg0[%get3A_33, %get3A_34] : memref<256x256xf32, #tpu.memory_space<vmem>>, vector<256x256xf32>
    %transpose3A = tpu.transpose %get3A_35, [1, 0] : vector<256x256xf32> -> vector<256x256xf32>
    %dot_general3A_36 = arith.constant dense<0.000000e+00> : vector<1x256xf32>
    %dot_general3A_37 = tpu.matmul %get3A_21, %transpose3A, %dot_general3A_36 {dimension_numbers = #tpu.dot_dimension_numbers<[1], [0], [0], [1], [0, 0, 1, 1], [], []>, transpose_lhs_hint = false} : vector<1x256xf32>, vector<256x256xf32>, vector<1x256xf32> -> vector<1x256xf32>
    %get3A_38 = arith.constant 0 : index
    %get3A_39 = arith.constant 0 : index
    %get3A_40 = vector.load %arg8[%get3A_38, %get3A_39] : memref<1x256xf32, #tpu.memory_space<vmem>>, vector<1x256xf32>
    %add3A_41 = arith.addf %dot_general3A_37, %get3A_40 : vector<1x256xf32>
    %swap3A_42 = arith.constant 0 : index
    %swap3A_43 = arith.constant 0 : index
    %swap3A_44 = vector.load %arg15[%swap3A_42, %swap3A_43] : memref<1x256xf32, #tpu.memory_space<vmem>>, vector<1x256xf32>
    tpu.vector_store %arg15[%swap3A_42, %swap3A_43], %add3A_41 {strides = array<i32>} : memref<1x256xf32, #tpu.memory_space<vmem>>, vector<1x256xf32>,
    %get3A_45 = arith.constant 0 : index
    %get3A_46 = arith.constant 0 : index
    %get3A_47 = vector.load %arg9[%get3A_45, %get3A_46] : memref<1x256xf32, #tpu.memory_space<vmem>>, vector<1x256xf32>
    %get3A_48 = arith.constant 0 : index
    %get3A_49 = arith.constant 0 : index
    %get3A_50 = vector.load %arg5[%get3A_48, %get3A_49] : memref<256x256xf32, #tpu.memory_space<vmem>>, vector<256x256xf32>
    %dot_general3A_51 = arith.constant dense<0.000000e+00> : vector<1x256xf32>
    %dot_general3A_52 = tpu.matmul %get3A_47, %get3A_50, %dot_general3A_51 {dimension_numbers = #tpu.dot_dimension_numbers<[1], [0], [0], [1], [0, 0, 1, 1], [], []>, transpose_lhs_hint = false} : vector<1x256xf32>, vector<256x256xf32>, vector<1x256xf32> -> vector<1x256xf32>
    %get3A_53 = arith.constant 0 : index
    %get3A_54 = arith.constant 0 : index
    %get3A_55 = vector.load %arg10[%get3A_53, %get3A_54] : memref<1x256xf32, #tpu.memory_space<vmem>>, vector<1x256xf32>
    %add3A_56 = arith.addf %dot_general3A_52, %get3A_55 : vector<1x256xf32>
    %swap3A_57 = arith.constant 0 : index
    %swap3A_58 = arith.constant 0 : index
    %swap3A_59 = vector.load %arg16[%swap3A_57, %swap3A_58] : memref<1x256xf32, #tpu.memory_space<vmem>>, vector<1x256xf32>
    tpu.vector_store %arg16[%swap3A_57, %swap3A_58], %add3A_56 {strides = array<i32>} : memref<1x256xf32, #tpu.memory_space<vmem>>, vector<1x256xf32>,
    %get3A_60 = arith.constant 0 : index
    %get3A_61 = arith.constant 0 : index
    %get3A_62 = vector.load %arg4[%get3A_60, %get3A_61] : memref<256x256xf32, #tpu.memory_space<vmem>>, vector<256x256xf32>
    %get3A_63 = arith.constant 0 : index
    %get3A_64 = arith.constant 0 : index
    %get3A_65 = vector.load %arg5[%get3A_63, %get3A_64] : memref<256x256xf32, #tpu.memory_space<vmem>>, vector<256x256xf32>
    %slice3A = vector.extract_strided_slice %get3A_62 {offsets = [0, 0], sizes = [256, 32], strides = [1, 1]} : vector<256x256xf32> to vector<256x32xf32>
    %slice3A_66 = vector.extract_strided_slice %get3A_65 {offsets = [0, 0], sizes = [32, 256], strides = [1, 1]} : vector<256x256xf32> to vector<32x256xf32>
    %dot_general3A_67 = arith.constant dense<0.000000e+00> : vector<256x256xf32>
    %dot_general3A_68 = tpu.matmul %slice3A, %slice3A_66, %dot_general3A_67 {dimension_numbers = #tpu.dot_dimension_numbers<[1], [0], [0], [1], [0, 0, 1, 1], [], []>, transpose_lhs_hint = false} : vector<256x32xf32>, vector<32x256xf32>, vector<256x256xf32> -> vector<256x256xf32>
    %swap3A_69 = arith.constant 0 : index
    %swap3A_70 = arith.constant 0 : index
    %swap3A_71 = vector.load %arg11[%swap3A_69, %swap3A_70] : memref<2048x256xf32, #tpu.memory_space<vmem>>, vector<256x256xf32>
    tpu.vector_store %arg11[%swap3A_69, %swap3A_70], %dot_general3A_68 {strides = array<i32>} : memref<2048x256xf32, #tpu.memory_space<vmem>>, vector<256x256xf32>,
    %slice3A_72 = vector.extract_strided_slice %get3A_62 {offsets = [0, 32], sizes = [256, 32], strides = [1, 1]} : vector<256x256xf32> to vector<256x32xf32>
    %slice3A_73 = vector.extract_strided_slice %get3A_65 {offsets = [32, 0], sizes = [32, 256], strides = [1, 1]} : vector<256x256xf32> to vector<32x256xf32>
    %dot_general3A_74 = arith.constant dense<0.000000e+00> : vector<256x256xf32>
    %dot_general3A_75 = tpu.matmul %slice3A_72, %slice3A_73, %dot_general3A_74 {dimension_numbers = #tpu.dot_dimension_numbers<[1], [0], [0], [1], [0, 0, 1, 1], [], []>, transpose_lhs_hint = false} : vector<256x32xf32>, vector<32x256xf32>, vector<256x256xf32> -> vector<256x256xf32>
    %swap3A_76 = arith.constant 256 : index
    %swap3A_77 = arith.constant 0 : index
    %swap3A_78 = vector.load %arg11[%swap3A_76, %swap3A_77] : memref<2048x256xf32, #tpu.memory_space<vmem>>, vector<256x256xf32>
    tpu.vector_store %arg11[%swap3A_76, %swap3A_77], %dot_general3A_75 {strides = array<i32>} : memref<2048x256xf32, #tpu.memory_space<vmem>>, vector<256x256xf32>,
    %slice3A_79 = vector.extract_strided_slice %get3A_62 {offsets = [0, 64], sizes = [256, 32], strides = [1, 1]} : vector<256x256xf32> to vector<256x32xf32>
    %slice3A_80 = vector.extract_strided_slice %get3A_65 {offsets = [64, 0], sizes = [32, 256], strides = [1, 1]} : vector<256x256xf32> to vector<32x256xf32>
    %dot_general3A_81 = arith.constant dense<0.000000e+00> : vector<256x256xf32>
    %dot_general3A_82 = tpu.matmul %slice3A_79, %slice3A_80, %dot_general3A_81 {dimension_numbers = #tpu.dot_dimension_numbers<[1], [0], [0], [1], [0, 0, 1, 1], [], []>, transpose_lhs_hint = false} : vector<256x32xf32>, vector<32x256xf32>, vector<256x256xf32> -> vector<256x256xf32>
    %swap3A_83 = arith.constant 512 : index
    %swap3A_84 = arith.constant 0 : index
    %swap3A_85 = vector.load %arg11[%swap3A_83, %swap3A_84] : memref<2048x256xf32, #tpu.memory_space<vmem>>, vector<256x256xf32>
    tpu.vector_store %arg11[%swap3A_83, %swap3A_84], %dot_general3A_82 {strides = array<i32>} : memref<2048x256xf32, #tpu.memory_space<vmem>>, vector<256x256xf32>,
    %slice3A_86 = vector.extract_strided_slice %get3A_62 {offsets = [0, 96], sizes = [256, 32], strides = [1, 1]} : vector<256x256xf32> to vector<256x32xf32>
    %slice3A_87 = vector.extract_strided_slice %get3A_65 {offsets = [96, 0], sizes = [32, 256], strides = [1, 1]} : vector<256x256xf32> to vector<32x256xf32>
    %dot_general3A_88 = arith.constant dense<0.000000e+00> : vector<256x256xf32>
    %dot_general3A_89 = tpu.matmul %slice3A_86, %slice3A_87, %dot_general3A_88 {dimension_numbers = #tpu.dot_dimension_numbers<[1], [0], [0], [1], [0, 0, 1, 1], [], []>, transpose_lhs_hint = false} : vector<256x32xf32>, vector<32x256xf32>, vector<256x256xf32> -> vector<256x256xf32>
    %swap3A_90 = arith.constant 768 : index
    %swap3A_91 = arith.constant 0 : index
    %swap3A_92 = vector.load %arg11[%swap3A_90, %swap3A_91] : memref<2048x256xf32, #tpu.memory_space<vmem>>, vector<256x256xf32>
    tpu.vector_store %arg11[%swap3A_90, %swap3A_91], %dot_general3A_89 {strides = array<i32>} : memref<2048x256xf32, #tpu.memory_space<vmem>>, vector<256x256xf32>,
    %slice3A_93 = vector.extract_strided_slice %get3A_62 {offsets = [0, 128], sizes = [256, 32], strides = [1, 1]} : vector<256x256xf32> to vector<256x32xf32>
    %slice3A_94 = vector.extract_strided_slice %get3A_65 {offsets = [128, 0], sizes = [32, 256], strides = [1, 1]} : vector<256x256xf32> to vector<32x256xf32>
    %dot_general3A_95 = arith.constant dense<0.000000e+00> : vector<256x256xf32>
    %dot_general3A_96 = tpu.matmul %slice3A_93, %slice3A_94, %dot_general3A_95 {dimension_numbers = #tpu.dot_dimension_numbers<[1], [0], [0], [1], [0, 0, 1, 1], [], []>, transpose_lhs_hint = false} : vector<256x32xf32>, vector<32x256xf32>, vector<256x256xf32> -> vector<256x256xf32>
    %swap3A_97 = arith.constant 1024 : index
    %swap3A_98 = arith.constant 0 : index
    %swap3A_99 = vector.load %arg11[%swap3A_97, %swap3A_98] : memref<2048x256xf32, #tpu.memory_space<vmem>>, vector<256x256xf32>
    tpu.vector_store %arg11[%swap3A_97, %swap3A_98], %dot_general3A_96 {strides = array<i32>} : memref<2048x256xf32, #tpu.memory_space<vmem>>, vector<256x256xf32>,
    %slice3A_100 = vector.extract_strided_slice %get3A_62 {offsets = [0, 160], sizes = [256, 32], strides = [1, 1]} : vector<256x256xf32> to vector<256x32xf32>
    %slice3A_101 = vector.extract_strided_slice %get3A_65 {offsets = [160, 0], sizes = [32, 256], strides = [1, 1]} : vector<256x256xf32> to vector<32x256xf32>
    %dot_general3A_102 = arith.constant dense<0.000000e+00> : vector<256x256xf32>
    %dot_general3A_103 = tpu.matmul %slice3A_100, %slice3A_101, %dot_general3A_102 {dimension_numbers = #tpu.dot_dimension_numbers<[1], [0], [0], [1], [0, 0, 1, 1], [], []>, transpose_lhs_hint = false} : vector<256x32xf32>, vector<32x256xf32>, vector<256x256xf32> -> vector<256x256xf32>
    %swap3A_104 = arith.constant 1280 : index
    %swap3A_105 = arith.constant 0 : index
    %swap3A_106 = vector.load %arg11[%swap3A_104, %swap3A_105] : memref<2048x256xf32, #tpu.memory_space<vmem>>, vector<256x256xf32>
    tpu.vector_store %arg11[%swap3A_104, %swap3A_105], %dot_general3A_103 {strides = array<i32>} : memref<2048x256xf32, #tpu.memory_space<vmem>>, vector<256x256xf32>,
    %slice3A_107 = vector.extract_strided_slice %get3A_62 {offsets = [0, 192], sizes = [256, 32], strides = [1, 1]} : vector<256x256xf32> to vector<256x32xf32>
    %slice3A_108 = vector.extract_strided_slice %get3A_65 {offsets = [192, 0], sizes = [32, 256], strides = [1, 1]} : vector<256x256xf32> to vector<32x256xf32>
    %dot_general3A_109 = arith.constant dense<0.000000e+00> : vector<256x256xf32>
    %dot_general3A_110 = tpu.matmul %slice3A_107, %slice3A_108, %dot_general3A_109 {dimension_numbers = #tpu.dot_dimension_numbers<[1], [0], [0], [1], [0, 0, 1, 1], [], []>, transpose_lhs_hint = false} : vector<256x32xf32>, vector<32x256xf32>, vector<256x256xf32> -> vector<256x256xf32>
    %swap3A_111 = arith.constant 1536 : index
    %swap3A_112 = arith.constant 0 : index
    %swap3A_113 = vector.load %arg11[%swap3A_111, %swap3A_112] : memref<2048x256xf32, #tpu.memory_space<vmem>>, vector<256x256xf32>
    tpu.vector_store %arg11[%swap3A_111, %swap3A_112], %dot_general3A_110 {strides = array<i32>} : memref<2048x256xf32, #tpu.memory_space<vmem>>, vector<256x256xf32>,
    %slice3A_114 = vector.extract_strided_slice %get3A_62 {offsets = [0, 224], sizes = [256, 32], strides = [1, 1]} : vector<256x256xf32> to vector<256x32xf32>
    %slice3A_115 = vector.extract_strided_slice %get3A_65 {offsets = [224, 0], sizes = [32, 256], strides = [1, 1]} : vector<256x256xf32> to vector<32x256xf32>
    %dot_general3A_116 = arith.constant dense<0.000000e+00> : vector<256x256xf32>
    %dot_general3A_117 = tpu.matmul %slice3A_114, %slice3A_115, %dot_general3A_116 {dimension_numbers = #tpu.dot_dimension_numbers<[1], [0], [0], [1], [0, 0, 1, 1], [], []>, transpose_lhs_hint = false} : vector<256x32xf32>, vector<32x256xf32>, vector<256x256xf32> -> vector<256x256xf32>
    %swap3A_118 = arith.constant 1792 : index
    %swap3A_119 = arith.constant 0 : index
    %swap3A_120 = vector.load %arg11[%swap3A_118, %swap3A_119] : memref<2048x256xf32, #tpu.memory_space<vmem>>, vector<256x256xf32>
    tpu.vector_store %arg11[%swap3A_118, %swap3A_119], %dot_general3A_117 {strides = array<i32>} : memref<2048x256xf32, #tpu.memory_space<vmem>>, vector<256x256xf32>,
    return
  }
}

module attributes {stable_mosaic.version = 14 : i64} {
  func.func @_attn_body(%arg0: i32, %arg1: memref<128x256xf32, #tpu.memory_space<vmem>>, %arg2: memref<128x8xf32, #tpu.memory_space<vmem>>, %arg3: memref<2048x384xf32, #tpu.memory_space<vmem>>, %arg4: memref<128x16xf32, #tpu.memory_space<vmem>>, %arg5: memref<256x256xf32, #tpu.memory_space<vmem>>, %arg6: memref<8x32x256xf32, #tpu.memory_space<vmem>>, %arg7: memref<8x32x32xf32, #tpu.memory_space<vmem>>, %arg8: memref<32x256xf32, #tpu.memory_space<vmem>>, %arg9: memref<1x256xf32, #tpu.memory_space<vmem>>, %arg10: memref<8x1x32xf32, #tpu.memory_space<vmem>>, %arg11: memref<8x256x256xf32, #tpu.memory_space<vmem>>, %arg12: memref<1x256xf32, #tpu.memory_space<vmem>>, %arg13: memref<3x32xf32, #tpu.memory_space<vmem>>, %arg14: memref<1x32xf32, #tpu.memory_space<vmem>>, %arg15: memref<1x32xf32, #tpu.memory_space<vmem>>, %arg16: memref<1x32xf32, #tpu.memory_space<vmem>>, %arg17: memref<256x1024xf32, #tpu.memory_space<vmem>>, %arg18: memref<1x1024xf32, #tpu.memory_space<vmem>>, %arg19: memref<1024x256xf32, #tpu.memory_space<vmem>>, %arg20: memref<1x256xf32, #tpu.memory_space<vmem>>, %arg21: memref<1x256xf32, #tpu.memory_space<vmem>>, %arg22: memref<1x256xf32, #tpu.memory_space<vmem>>, %arg23: memref<1x256xf32, #tpu.memory_space<vmem>>, %arg24: memref<1x256xf32, #tpu.memory_space<vmem>>, %arg25: memref<128x256xf32, #tpu.memory_space<vmem>>, %arg26: memref<8x128x32xf32, #tpu.memory_space<vmem>>, %arg27: memref<128x16x32xf32, #tpu.memory_space<vmem>>) attributes {dimension_semantics = [#tpu.dimension_semantics<arbitrary>], iteration_bounds = array<i64: 64>, scalar_prefetch = 0 : i64, scratch_operands = 2 : i64, tpu.core_type = #tpu.core_type<tc>, window_params = [{transform_indices = @transform_0, window_bounds = array<i64: 128, 256>}, {transform_indices = @transform_1, window_bounds = array<i64: 128, 8>}, {transform_indices = @transform_2, window_bounds = array<i64: 2048, 384>}, {transform_indices = @transform_3, window_bounds = array<i64: 128, 16>}, {pipeline_mode = #tpu.pipeline_mode<synchronous>, transform_indices = @transform_4, window_bounds = array<i64: 256, 256>}, {pipeline_mode = #tpu.pipeline_mode<synchronous>, transform_indices = @transform_5, window_bounds = array<i64: 8, 32, 256>}, {pipeline_mode = #tpu.pipeline_mode<synchronous>, transform_indices = @transform_6, window_bounds = array<i64: 8, 32, 32>}, {pipeline_mode = #tpu.pipeline_mode<synchronous>, transform_indices = @transform_7, window_bounds = array<i64: 32, 256>}, {pipeline_mode = #tpu.pipeline_mode<synchronous>, transform_indices = @transform_8, window_bounds = array<i64: 1, 256>}, {pipeline_mode = #tpu.pipeline_mode<synchronous>, transform_indices = @transform_9, window_bounds = array<i64: 8, 1, 32>}, {pipeline_mode = #tpu.pipeline_mode<synchronous>, transform_indices = @transform_10, window_bounds = array<i64: 8, 256, 256>}, {pipeline_mode = #tpu.pipeline_mode<synchronous>, transform_indices = @transform_11, window_bounds = array<i64: 1, 256>}, {pipeline_mode = #tpu.pipeline_mode<synchronous>, transform_indices = @transform_12, window_bounds = array<i64: 3, 32>}, {pipeline_mode = #tpu.pipeline_mode<synchronous>, transform_indices = @transform_13, window_bounds = array<i64: 1, 32>}, {pipeline_mode = #tpu.pipeline_mode<synchronous>, transform_indices = @transform_14, window_bounds = array<i64: 1, 32>}, {pipeline_mode = #tpu.pipeline_mode<synchronous>, transform_indices = @transform_15, window_bounds = array<i64: 1, 32>}, {pipeline_mode = #tpu.pipeline_mode<synchronous>, transform_indices = @transform_16, window_bounds = array<i64: 256, 1024>}, {pipeline_mode = #tpu.pipeline_mode<synchronous>, transform_indices = @transform_17, window_bounds = array<i64: 1, 1024>}, {pipeline_mode = #tpu.pipeline_mode<synchronous>, transform_indices = @transform_18, window_bounds = array<i64: 1024, 256>}, {pipeline_mode = #tpu.pipeline_mode<synchronous>, transform_indices = @transform_19, window_bounds = array<i64: 1, 256>}, {pipeline_mode = #tpu.pipeline_mode<synchronous>, transform_indices = @transform_20, window_bounds = array<i64: 1, 256>}, {pipeline_mode = #tpu.pipeline_mode<synchronous>, transform_indices = @transform_21, window_bounds = array<i64: 1, 256>}, {pipeline_mode = #tpu.pipeline_mode<synchronous>, transform_indices = @transform_22, window_bounds = array<i64: 1, 256>}, {pipeline_mode = #tpu.pipeline_mode<synchronous>, transform_indices = @transform_23, window_bounds = array<i64: 1, 256>}, {transform_indices = @transform_24, window_bounds = array<i64: 128, 256>}]} {
    %get3A = arith.constant 0 : index
    %get3A_0 = arith.constant 0 : index
    %get3A_1 = vector.load %arg1[%get3A, %get3A_0] : memref<128x256xf32, #tpu.memory_space<vmem>>, vector<128x256xf32>
    %get3A_2 = arith.constant 0 : index
    %get3A_3 = arith.constant 256 : index
    %get3A_4 = vector.load %arg3[%get3A_2, %get3A_3] : memref<2048x384xf32, #tpu.memory_space<vmem>>, vector<2048x128xf32>
    %reshape3A = vector.shape_cast %get3A_4 : vector<2048x128xf32> to vector<128x16x128xf32>
    %slice3A = vector.extract_strided_slice %reshape3A {offsets = [0, 0, 0], sizes = [128, 16, 1], strides = [1, 1, 1]} : vector<128x16x128xf32> to vector<128x16x1xf32>
    %get3A_5 = arith.constant 0 : index
    %get3A_6 = arith.constant 0 : index
    %get3A_7 = vector.load %arg2[%get3A_5, %get3A_6] : memref<128x8xf32, #tpu.memory_space<vmem>>, vector<128x1xf32>
    %reshape3A_8 = vector.shape_cast %get3A_7 : vector<128x1xf32> to vector<128x1x1xf32>
    %sub3A = vector.broadcast %reshape3A_8 : vector<128x1x1xf32> to vector<128x16x1xf32>
    %sub3A_9 = arith.subf %slice3A, %sub3A : vector<128x16x1xf32>
    %get3A_10 = arith.constant 0 : index
    %get3A_11 = arith.constant 0 : index
    %get3A_12 = vector.load %arg13[%get3A_10, %get3A_11] : memref<3x32xf32, #tpu.memory_space<vmem>>, vector<1x32xf32>
    %reshape3A_13 = vector.shape_cast %get3A_12 : vector<1x32xf32> to vector<1x1x32xf32>
    %mul3A = arith.constant 1.000000e-01 : f32
    %mul3A_14 = vector.broadcast %mul3A : f32 to vector<128x16x1xf32>
    %mul3A_15 = arith.mulf %sub3A_9, %mul3A_14 : vector<128x16x1xf32>
    %mul3A_16 = vector.broadcast %mul3A_15 : vector<128x16x1xf32> to vector<128x16x32xf32>
    %mul3A_17 = vector.broadcast %reshape3A_13 : vector<1x1x32xf32> to vector<128x16x32xf32>
    %mul3A_18 = arith.mulf %mul3A_16, %mul3A_17 : vector<128x16x32xf32>
    %slice3A_19 = vector.extract_strided_slice %reshape3A {offsets = [0, 0, 1], sizes = [128, 16, 1], strides = [1, 1, 1]} : vector<128x16x128xf32> to vector<128x16x1xf32>
    %get3A_20 = arith.constant 0 : index
    %get3A_21 = arith.constant 1 : index
    %get3A_22 = vector.load %arg2[%get3A_20, %get3A_21] : memref<128x8xf32, #tpu.memory_space<vmem>>, vector<128x1xf32>
    %reshape3A_23 = vector.shape_cast %get3A_22 : vector<128x1xf32> to vector<128x1x1xf32>
    %sub3A_24 = vector.broadcast %reshape3A_23 : vector<128x1x1xf32> to vector<128x16x1xf32>
    %sub3A_25 = arith.subf %slice3A_19, %sub3A_24 : vector<128x16x1xf32>
    %get3A_26 = arith.constant 1 : index
    %get3A_27 = arith.constant 0 : index
    %get3A_28 = vector.load %arg13[%get3A_26, %get3A_27] : memref<3x32xf32, #tpu.memory_space<vmem>>, vector<1x32xf32>
    %reshape3A_29 = vector.shape_cast %get3A_28 : vector<1x32xf32> to vector<1x1x32xf32>
    %mul3A_30 = arith.constant 1.000000e-01 : f32
    %mul3A_31 = vector.broadcast %mul3A_30 : f32 to vector<128x16x1xf32>
    %mul3A_32 = arith.mulf %sub3A_25, %mul3A_31 : vector<128x16x1xf32>
    %mul3A_33 = vector.broadcast %mul3A_32 : vector<128x16x1xf32> to vector<128x16x32xf32>
    %mul3A_34 = vector.broadcast %reshape3A_29 : vector<1x1x32xf32> to vector<128x16x32xf32>
    %mul3A_35 = arith.mulf %mul3A_33, %mul3A_34 : vector<128x16x32xf32>
    %add3A = arith.addf %mul3A_18, %mul3A_35 : vector<128x16x32xf32>
    %slice3A_36 = vector.extract_strided_slice %reshape3A {offsets = [0, 0, 2], sizes = [128, 16, 1], strides = [1, 1, 1]} : vector<128x16x128xf32> to vector<128x16x1xf32>
    %get3A_37 = arith.constant 0 : index
    %get3A_38 = arith.constant 2 : index
    %get3A_39 = vector.load %arg2[%get3A_37, %get3A_38] : memref<128x8xf32, #tpu.memory_space<vmem>>, vector<128x1xf32>
    %reshape3A_40 = vector.shape_cast %get3A_39 : vector<128x1xf32> to vector<128x1x1xf32>
    %sub3A_41 = vector.broadcast %reshape3A_40 : vector<128x1x1xf32> to vector<128x16x1xf32>
    %sub3A_42 = arith.subf %slice3A_36, %sub3A_41 : vector<128x16x1xf32>
    %get3A_43 = arith.constant 2 : index
    %get3A_44 = arith.constant 0 : index
    %get3A_45 = vector.load %arg13[%get3A_43, %get3A_44] : memref<3x32xf32, #tpu.memory_space<vmem>>, vector<1x32xf32>
    %reshape3A_46 = vector.shape_cast %get3A_45 : vector<1x32xf32> to vector<1x1x32xf32>
    %mul3A_47 = arith.constant 1.000000e-01 : f32
    %mul3A_48 = vector.broadcast %mul3A_47 : f32 to vector<128x16x1xf32>
    %mul3A_49 = arith.mulf %sub3A_42, %mul3A_48 : vector<128x16x1xf32>
    %mul3A_50 = vector.broadcast %mul3A_49 : vector<128x16x1xf32> to vector<128x16x32xf32>
    %mul3A_51 = vector.broadcast %reshape3A_46 : vector<1x1x32xf32> to vector<128x16x32xf32>
    %mul3A_52 = arith.mulf %mul3A_50, %mul3A_51 : vector<128x16x32xf32>
    %add3A_53 = arith.addf %add3A, %mul3A_52 : vector<128x16x32xf32>
    %get3A_54 = arith.constant 0 : index
    %get3A_55 = arith.constant 0 : index
    %get3A_56 = vector.load %arg14[%get3A_54, %get3A_55] : memref<1x32xf32, #tpu.memory_space<vmem>>, vector<1x32xf32>
    %reshape3A_57 = vector.shape_cast %get3A_56 : vector<1x32xf32> to vector<1x1x32xf32>
    %add3A_58 = vector.broadcast %reshape3A_57 : vector<1x1x32xf32> to vector<128x16x32xf32>
    %add3A_59 = arith.addf %add3A_53, %add3A_58 : vector<128x16x32xf32>
    %reduce_sum3A = arith.constant dense<0.000000e+00> : vector<128x16xf32>
    %reduce_sum3A_60 = vector.multi_reduction <add>, %add3A_59, %reduce_sum3A [2] : vector<128x16x32xf32> to vector<128x16xf32>
    %broadcast_in_dim3A = vector.shape_cast %reduce_sum3A_60 : vector<128x16xf32> to vector<128x16x1xf32>
    %div3A = arith.constant 3.200000e+01 : f32
    %div3A_61 = vector.broadcast %div3A : f32 to vector<128x16x1xf32>
    %div3A_62 = arith.divf %broadcast_in_dim3A, %div3A_61 : vector<128x16x1xf32>
    %sub3A_63 = vector.broadcast %div3A_62 : vector<128x16x1xf32> to vector<128x16x32xf32>
    %sub3A_64 = arith.subf %add3A_59, %sub3A_63 : vector<128x16x32xf32>
    %mul3A_65 = arith.mulf %sub3A_64, %sub3A_64 : vector<128x16x32xf32>
    %reduce_sum3A_66 = arith.constant dense<0.000000e+00> : vector<128x16xf32>
    %reduce_sum3A_67 = vector.multi_reduction <add>, %mul3A_65, %reduce_sum3A_66 [2] : vector<128x16x32xf32> to vector<128x16xf32>
    %broadcast_in_dim3A_68 = vector.shape_cast %reduce_sum3A_67 : vector<128x16xf32> to vector<128x16x1xf32>
    %div3A_69 = arith.constant 3.200000e+01 : f32
    %div3A_70 = vector.broadcast %div3A_69 : f32 to vector<128x16x1xf32>
    %div3A_71 = arith.divf %broadcast_in_dim3A_68, %div3A_70 : vector<128x16x1xf32>
    %add3A_72 = arith.constant 9.99999974E-6 : f32
    %add3A_73 = vector.broadcast %add3A_72 : f32 to vector<128x16x1xf32>
    %add3A_74 = arith.addf %div3A_71, %add3A_73 : vector<128x16x1xf32>
    %rsqrt3A = math.rsqrt %add3A_74 : vector<128x16x1xf32>
    %mul3A_75 = vector.broadcast %rsqrt3A : vector<128x16x1xf32> to vector<128x16x32xf32>
    %mul3A_76 = arith.mulf %sub3A_64, %mul3A_75 : vector<128x16x32xf32>
    %get3A_77 = arith.constant 0 : index
    %get3A_78 = arith.constant 0 : index
    %get3A_79 = vector.load %arg15[%get3A_77, %get3A_78] : memref<1x32xf32, #tpu.memory_space<vmem>>, vector<1x32xf32>
    %reshape3A_80 = vector.shape_cast %get3A_79 : vector<1x32xf32> to vector<1x1x32xf32>
    %mul3A_81 = vector.broadcast %reshape3A_80 : vector<1x1x32xf32> to vector<128x16x32xf32>
    %mul3A_82 = arith.mulf %mul3A_76, %mul3A_81 : vector<128x16x32xf32>
    %get3A_83 = arith.constant 0 : index
    %get3A_84 = arith.constant 0 : index
    %get3A_85 = vector.load %arg16[%get3A_83, %get3A_84] : memref<1x32xf32, #tpu.memory_space<vmem>>, vector<1x32xf32>
    %reshape3A_86 = vector.shape_cast %get3A_85 : vector<1x32xf32> to vector<1x1x32xf32>
    %add3A_87 = vector.broadcast %reshape3A_86 : vector<1x1x32xf32> to vector<128x16x32xf32>
    %add3A_88 = arith.addf %mul3A_82, %add3A_87 : vector<128x16x32xf32>
    %max3A = arith.constant 0.000000e+00 : f32
    %max3A_89 = vector.broadcast %max3A : f32 to vector<128x16x32xf32>
    %max3A_90 = arith.maximumf %add3A_88, %max3A_89 : vector<128x16x32xf32>
    %swap3A = arith.constant 0 : index
    %swap3A_91 = arith.constant 0 : index
    %swap3A_92 = arith.constant 0 : index
    %swap3A_93 = vector.load %arg27[%swap3A, %swap3A_91, %swap3A_92] : memref<128x16x32xf32, #tpu.memory_space<vmem>>, vector<128x16x32xf32>
    tpu.vector_store %arg27[%swap3A, %swap3A_91, %swap3A_92], %max3A_90 {strides = array<i32>} : memref<128x16x32xf32, #tpu.memory_space<vmem>>, vector<128x16x32xf32>,
    %slice3A_94 = vector.extract_strided_slice %max3A_90 {offsets = [0, 0, 0], sizes = [128, 1, 32], strides = [1, 1, 1]} : vector<128x16x32xf32> to vector<128x1x32xf32>
    %squeeze3A = vector.shape_cast %slice3A_94 : vector<128x1x32xf32> to vector<128x32xf32>
    %get3A_95 = arith.constant 0 : index
    %get3A_96 = arith.constant 0 : index
    %get3A_97 = vector.load %arg5[%get3A_95, %get3A_96] : memref<256x256xf32, #tpu.memory_space<vmem>>, vector<256x256xf32>
    %dot_general3A = arith.constant dense<0.000000e+00> : vector<128x256xf32>
    %dot_general3A_98 = tpu.matmul %get3A_1, %get3A_97, %dot_general3A {dimension_numbers = #tpu.dot_dimension_numbers<[1], [0], [0], [1], [0, 0, 1, 1], [], []>, transpose_lhs_hint = false} : vector<128x256xf32>, vector<256x256xf32>, vector<128x256xf32> -> vector<128x256xf32>
    %get3A_99 = arith.constant 0 : index
    %get3A_100 = arith.constant 0 : index
    %get3A_101 = vector.load %arg8[%get3A_99, %get3A_100] : memref<32x256xf32, #tpu.memory_space<vmem>>, vector<32x256xf32>
    %dot_general3A_102 = arith.constant dense<0.000000e+00> : vector<128x256xf32>
    %dot_general3A_103 = tpu.matmul %squeeze3A, %get3A_101, %dot_general3A_102 {dimension_numbers = #tpu.dot_dimension_numbers<[1], [0], [0], [1], [0, 0, 1, 1], [], []>, transpose_lhs_hint = false} : vector<128x32xf32>, vector<32x256xf32>, vector<128x256xf32> -> vector<128x256xf32>
    %add3A_104 = arith.addf %dot_general3A_98, %dot_general3A_103 : vector<128x256xf32>
    %get3A_105 = arith.constant 0 : index
    %get3A_106 = arith.constant 0 : index
    %get3A_107 = vector.load %arg9[%get3A_105, %get3A_106] : memref<1x256xf32, #tpu.memory_space<vmem>>, vector<1x256xf32>
    %add3A_108 = vector.broadcast %get3A_107 : vector<1x256xf32> to vector<128x256xf32>
    %add3A_109 = arith.addf %add3A_104, %add3A_108 : vector<128x256xf32>
    %slice3A_110 = vector.extract_strided_slice %add3A_109 {offsets = [0, 0], sizes = [128, 32], strides = [1, 1]} : vector<128x256xf32> to vector<128x32xf32>
    %swap3A_111 = arith.constant 0 : index
    %swap3A_112 = arith.constant 0 : index
    %swap3A_113 = arith.constant 0 : index
    %swap3A_114 = vector.load %arg26[%swap3A_111, %swap3A_112, %swap3A_113] : memref<8x128x32xf32, #tpu.memory_space<vmem>>, vector<1x128x32xf32>
    %swap3A_115 = vector.shape_cast %swap3A_114 : vector<1x128x32xf32> to vector<128x32xf32>
    %swap3A_116 = vector.shape_cast %slice3A_110 : vector<128x32xf32> to vector<1x128x32xf32>
    tpu.vector_store %arg26[%swap3A_111, %swap3A_112, %swap3A_113], %swap3A_116 {strides = array<i32>} : memref<8x128x32xf32, #tpu.memory_space<vmem>>, vector<1x128x32xf32>,
    %slice3A_117 = vector.extract_strided_slice %add3A_109 {offsets = [0, 32], sizes = [128, 32], strides = [1, 1]} : vector<128x256xf32> to vector<128x32xf32>
    %swap3A_118 = arith.constant 1 : index
    %swap3A_119 = arith.constant 0 : index
    %swap3A_120 = arith.constant 0 : index
    %swap3A_121 = vector.load %arg26[%swap3A_118, %swap3A_119, %swap3A_120] : memref<8x128x32xf32, #tpu.memory_space<vmem>>, vector<1x128x32xf32>
    %swap3A_122 = vector.shape_cast %swap3A_121 : vector<1x128x32xf32> to vector<128x32xf32>
    %swap3A_123 = vector.shape_cast %slice3A_117 : vector<128x32xf32> to vector<1x128x32xf32>
    tpu.vector_store %arg26[%swap3A_118, %swap3A_119, %swap3A_120], %swap3A_123 {strides = array<i32>} : memref<8x128x32xf32, #tpu.memory_space<vmem>>, vector<1x128x32xf32>,
    %slice3A_124 = vector.extract_strided_slice %add3A_109 {offsets = [0, 64], sizes = [128, 32], strides = [1, 1]} : vector<128x256xf32> to vector<128x32xf32>
    %swap3A_125 = arith.constant 2 : index
    %swap3A_126 = arith.constant 0 : index
    %swap3A_127 = arith.constant 0 : index
    %swap3A_128 = vector.load %arg26[%swap3A_125, %swap3A_126, %swap3A_127] : memref<8x128x32xf32, #tpu.memory_space<vmem>>, vector<1x128x32xf32>
    %swap3A_129 = vector.shape_cast %swap3A_128 : vector<1x128x32xf32> to vector<128x32xf32>
    %swap3A_130 = vector.shape_cast %slice3A_124 : vector<128x32xf32> to vector<1x128x32xf32>
    tpu.vector_store %arg26[%swap3A_125, %swap3A_126, %swap3A_127], %swap3A_130 {strides = array<i32>} : memref<8x128x32xf32, #tpu.memory_space<vmem>>, vector<1x128x32xf32>,
    %slice3A_131 = vector.extract_strided_slice %add3A_109 {offsets = [0, 96], sizes = [128, 32], strides = [1, 1]} : vector<128x256xf32> to vector<128x32xf32>
    %swap3A_132 = arith.constant 3 : index
    %swap3A_133 = arith.constant 0 : index
    %swap3A_134 = arith.constant 0 : index
    %swap3A_135 = vector.load %arg26[%swap3A_132, %swap3A_133, %swap3A_134] : memref<8x128x32xf32, #tpu.memory_space<vmem>>, vector<1x128x32xf32>
    %swap3A_136 = vector.shape_cast %swap3A_135 : vector<1x128x32xf32> to vector<128x32xf32>
    %swap3A_137 = vector.shape_cast %slice3A_131 : vector<128x32xf32> to vector<1x128x32xf32>
    tpu.vector_store %arg26[%swap3A_132, %swap3A_133, %swap3A_134], %swap3A_137 {strides = array<i32>} : memref<8x128x32xf32, #tpu.memory_space<vmem>>, vector<1x128x32xf32>,
    %slice3A_138 = vector.extract_strided_slice %add3A_109 {offsets = [0, 128], sizes = [128, 32], strides = [1, 1]} : vector<128x256xf32> to vector<128x32xf32>
    %swap3A_139 = arith.constant 4 : index
    %swap3A_140 = arith.constant 0 : index
    %swap3A_141 = arith.constant 0 : index
    %swap3A_142 = vector.load %arg26[%swap3A_139, %swap3A_140, %swap3A_141] : memref<8x128x32xf32, #tpu.memory_space<vmem>>, vector<1x128x32xf32>
    %swap3A_143 = vector.shape_cast %swap3A_142 : vector<1x128x32xf32> to vector<128x32xf32>
    %swap3A_144 = vector.shape_cast %slice3A_138 : vector<128x32xf32> to vector<1x128x32xf32>
    tpu.vector_store %arg26[%swap3A_139, %swap3A_140, %swap3A_141], %swap3A_144 {strides = array<i32>} : memref<8x128x32xf32, #tpu.memory_space<vmem>>, vector<1x128x32xf32>,
    %slice3A_145 = vector.extract_strided_slice %add3A_109 {offsets = [0, 160], sizes = [128, 32], strides = [1, 1]} : vector<128x256xf32> to vector<128x32xf32>
    %swap3A_146 = arith.constant 5 : index
    %swap3A_147 = arith.constant 0 : index
    %swap3A_148 = arith.constant 0 : index
    %swap3A_149 = vector.load %arg26[%swap3A_146, %swap3A_147, %swap3A_148] : memref<8x128x32xf32, #tpu.memory_space<vmem>>, vector<1x128x32xf32>
    %swap3A_150 = vector.shape_cast %swap3A_149 : vector<1x128x32xf32> to vector<128x32xf32>
    %swap3A_151 = vector.shape_cast %slice3A_145 : vector<128x32xf32> to vector<1x128x32xf32>
    tpu.vector_store %arg26[%swap3A_146, %swap3A_147, %swap3A_148], %swap3A_151 {strides = array<i32>} : memref<8x128x32xf32, #tpu.memory_space<vmem>>, vector<1x128x32xf32>,
    %slice3A_152 = vector.extract_strided_slice %add3A_109 {offsets = [0, 192], sizes = [128, 32], strides = [1, 1]} : vector<128x256xf32> to vector<128x32xf32>
    %swap3A_153 = arith.constant 6 : index
    %swap3A_154 = arith.constant 0 : index
    %swap3A_155 = arith.constant 0 : index
    %swap3A_156 = vector.load %arg26[%swap3A_153, %swap3A_154, %swap3A_155] : memref<8x128x32xf32, #tpu.memory_space<vmem>>, vector<1x128x32xf32>
    %swap3A_157 = vector.shape_cast %swap3A_156 : vector<1x128x32xf32> to vector<128x32xf32>
    %swap3A_158 = vector.shape_cast %slice3A_152 : vector<128x32xf32> to vector<1x128x32xf32>
    tpu.vector_store %arg26[%swap3A_153, %swap3A_154, %swap3A_155], %swap3A_158 {strides = array<i32>} : memref<8x128x32xf32, #tpu.memory_space<vmem>>, vector<1x128x32xf32>,
    %slice3A_159 = vector.extract_strided_slice %add3A_109 {offsets = [0, 224], sizes = [128, 32], strides = [1, 1]} : vector<128x256xf32> to vector<128x32xf32>
    %swap3A_160 = arith.constant 7 : index
    %swap3A_161 = arith.constant 0 : index
    %swap3A_162 = arith.constant 0 : index
    %swap3A_163 = vector.load %arg26[%swap3A_160, %swap3A_161, %swap3A_162] : memref<8x128x32xf32, #tpu.memory_space<vmem>>, vector<1x128x32xf32>
    %swap3A_164 = vector.shape_cast %swap3A_163 : vector<1x128x32xf32> to vector<128x32xf32>
    %swap3A_165 = vector.shape_cast %slice3A_159 : vector<128x32xf32> to vector<1x128x32xf32>
    tpu.vector_store %arg26[%swap3A_160, %swap3A_161, %swap3A_162], %swap3A_165 {strides = array<i32>} : memref<8x128x32xf32, #tpu.memory_space<vmem>>, vector<1x128x32xf32>,
    %get3A_166 = arith.constant 0 : index
    %get3A_167 = arith.constant 0 : index
    %get3A_168 = vector.load %arg4[%get3A_166, %get3A_167] : memref<128x16xf32, #tpu.memory_space<vmem>>, vector<128x16xf32>
    %sqrt3A = math.sqrt %get3A_168 : vector<128x16xf32>
    %gt3A = arith.constant 5.000000e-01 : f32
    %gt3A_169 = vector.broadcast %gt3A : f32 to vector<128x16xf32>
    %gt3A_170 = arith.cmpf ogt, %sqrt3A, %gt3A_169 : vector<128x16xf32>
    %broadcast_in_dim3A_171 = arith.constant 0.000000e+00 : f32
    %broadcast_in_dim3A_172 = vector.broadcast %broadcast_in_dim3A_171 : f32 to vector<128x256xf32>
    %scan3A = arith.constant 0 : i32
    %scan3A_173 = arith.constant 8 : i32
    %scan3A_174 = arith.addi %scan3A, %scan3A_173 : i32
    %scan3A_175 = arith.constant 1 : i32
    %scan3A_176 = scf.for %scan3A_308 = %scan3A to %scan3A_174 step %scan3A_175 iter_args(%scan3A_309 = %broadcast_in_dim3A_172) -> (vector<128x256xf32>)  : i32 {
      %get3A_310 = arith.index_cast %scan3A_308 : i32 to index
      %get3A_311 = arith.constant 0 : index
      %get3A_312 = arith.constant 0 : index
      %get3A_313 = vector.load %arg26[%get3A_310, %get3A_311, %get3A_312] : memref<8x128x32xf32, #tpu.memory_space<vmem>>, vector<1x128x32xf32>
      %get3A_314 = vector.shape_cast %get3A_313 : vector<1x128x32xf32> to vector<128x32xf32>
      %get3A_315 = arith.index_cast %scan3A_308 : i32 to index
      %get3A_316 = arith.constant 0 : index
      %get3A_317 = arith.constant 0 : index
      %get3A_318 = vector.load %arg6[%get3A_315, %get3A_316, %get3A_317] : memref<8x32x256xf32, #tpu.memory_space<vmem>>, vector<1x32x256xf32>
      %get3A_319 = vector.shape_cast %get3A_318 : vector<1x32x256xf32> to vector<32x256xf32>
      %dot_general3A_320 = arith.constant dense<0.000000e+00> : vector<128x256xf32>
      %dot_general3A_321 = tpu.matmul %get3A_314, %get3A_319, %dot_general3A_320 {dimension_numbers = #tpu.dot_dimension_numbers<[1], [0], [0], [1], [0, 0, 1, 1], [], []>, transpose_lhs_hint = false} : vector<128x32xf32>, vector<32x256xf32>, vector<128x256xf32> -> vector<128x256xf32>
      %get3A_322 = arith.index_cast %scan3A_308 : i32 to index
      %get3A_323 = arith.constant 0 : index
      %get3A_324 = arith.constant 0 : index
      %get3A_325 = vector.load %arg7[%get3A_322, %get3A_323, %get3A_324] : memref<8x32x32xf32, #tpu.memory_space<vmem>>, vector<1x32x32xf32>
      %get3A_326 = vector.shape_cast %get3A_325 : vector<1x32x32xf32> to vector<32x32xf32>
      %dot_general3A_327 = arith.constant dense<0.000000e+00> : vector<128x32xf32>
      %dot_general3A_328 = tpu.matmul %get3A_314, %get3A_326, %dot_general3A_327 {dimension_numbers = #tpu.dot_dimension_numbers<[1], [0], [0], [1], [0, 0, 1, 1], [], []>, transpose_lhs_hint = false} : vector<128x32xf32>, vector<32x32xf32>, vector<128x32xf32> -> vector<128x32xf32>
      %get3A_329 = arith.index_cast %scan3A_308 : i32 to index
      %get3A_330 = arith.constant 0 : index
      %get3A_331 = arith.constant 0 : index
      %get3A_332 = vector.load %arg10[%get3A_329, %get3A_330, %get3A_331] : memref<8x1x32xf32, #tpu.memory_space<vmem>>, vector<1x1x32xf32>
      %get3A_333 = vector.shape_cast %get3A_332 : vector<1x1x32xf32> to vector<1x32xf32>
      %mul3A_334 = vector.broadcast %get3A_333 : vector<1x32xf32> to vector<128x32xf32>
      %mul3A_335 = arith.mulf %get3A_314, %mul3A_334 : vector<128x32xf32>
      %reduce_sum3A_336 = arith.constant dense<0.000000e+00> : vector<128xf32>
      %reduce_sum3A_337 = vector.multi_reduction <add>, %mul3A_335, %reduce_sum3A_336 [1] : vector<128x32xf32> to vector<128xf32>
      %broadcast_in_dim3A_338 = vector.shape_cast %reduce_sum3A_337 : vector<128xf32> to vector<128x1xf32>
      %get3A_339 = arith.constant 0 : index
      %get3A_340 = arith.constant 0 : index
      %get3A_341 = vector.load %arg3[%get3A_339, %get3A_340] : memref<2048x384xf32, #tpu.memory_space<vmem>>, vector<2048x256xf32>
      %reshape3A_342 = vector.shape_cast %get3A_341 : vector<2048x256xf32> to vector<128x16x256xf32>
      %broadcast_in_dim3A_343 = vector.shape_cast %dot_general3A_321 : vector<128x256xf32> to vector<128x1x256xf32>
      %mul3A_344 = vector.broadcast %broadcast_in_dim3A_343 : vector<128x1x256xf32> to vector<128x16x256xf32>
      %mul3A_345 = arith.mulf %mul3A_344, %reshape3A_342 : vector<128x16x256xf32>
      %reduce_sum3A_346 = arith.constant dense<0.000000e+00> : vector<128x16xf32>
      %reduce_sum3A_347 = vector.multi_reduction <add>, %mul3A_345, %reduce_sum3A_346 [2] : vector<128x16x256xf32> to vector<128x16xf32>
      %broadcast_in_dim3A_348 = vector.shape_cast %dot_general3A_328 : vector<128x32xf32> to vector<128x1x32xf32>
      %get3A_349 = arith.constant 0 : index
      %get3A_350 = arith.constant 0 : index
      %get3A_351 = arith.constant 0 : index
      %get3A_352 = vector.load %arg27[%get3A_349, %get3A_350, %get3A_351] : memref<128x16x32xf32, #tpu.memory_space<vmem>>, vector<128x16x32xf32>
      %mul3A_353 = vector.broadcast %broadcast_in_dim3A_348 : vector<128x1x32xf32> to vector<128x16x32xf32>
      %mul3A_354 = arith.mulf %mul3A_353, %get3A_352 : vector<128x16x32xf32>
      %reduce_sum3A_355 = arith.constant dense<0.000000e+00> : vector<128x16xf32>
      %reduce_sum3A_356 = vector.multi_reduction <add>, %mul3A_354, %reduce_sum3A_355 [2] : vector<128x16x32xf32> to vector<128x16xf32>
      %add3A_357 = arith.addf %reduce_sum3A_347, %reduce_sum3A_356 : vector<128x16xf32>
      %add3A_358 = vector.broadcast %broadcast_in_dim3A_338 : vector<128x1xf32> to vector<128x16xf32>
      %add3A_359 = arith.addf %add3A_357, %add3A_358 : vector<128x16xf32>
      %mul3A_360 = arith.constant 0.176776692 : f32
      %mul3A_361 = vector.broadcast %mul3A_360 : f32 to vector<128x16xf32>
      %mul3A_362 = arith.mulf %add3A_359, %mul3A_361 : vector<128x16xf32>
      %jit3A_363 = arith.constant -1.000000e+09 : f32
      %broadcast_in_dim3A_364 = vector.broadcast %jit3A_363 : f32 to vector<128x16xf32>
      %select_n3A_365 = arith.select %gt3A_170, %broadcast_in_dim3A_364, %mul3A_362 : vector<128x16xi1>, vector<128x16xf32>
      %reduce_max3A = arith.constant dense<0xFF800000> : vector<128xf32>
      %reduce_max3A_366 = vector.multi_reduction <maximumf>, %select_n3A_365, %reduce_max3A [1] : vector<128x16xf32> to vector<128xf32>
      %broadcast_in_dim3A_367 = vector.shape_cast %reduce_max3A_366 : vector<128xf32> to vector<128x1xf32>
      %sub3A_368 = vector.broadcast %broadcast_in_dim3A_367 : vector<128x1xf32> to vector<128x16xf32>
      %sub3A_369 = arith.subf %select_n3A_365, %sub3A_368 : vector<128x16xf32>
      %exp3A = math.exp %sub3A_369 : vector<128x16xf32>
      %reduce_sum3A_370 = arith.constant dense<0.000000e+00> : vector<128xf32>
      %reduce_sum3A_371 = vector.multi_reduction <add>, %exp3A, %reduce_sum3A_370 [1] : vector<128x16xf32> to vector<128xf32>
      %broadcast_in_dim3A_372 = vector.shape_cast %reduce_sum3A_371 : vector<128xf32> to vector<128x1xf32>
      %div3A_373 = vector.broadcast %broadcast_in_dim3A_372 : vector<128x1xf32> to vector<128x16xf32>
      %div3A_374 = arith.divf %exp3A, %div3A_373 : vector<128x16xf32>
      %broadcast_in_dim3A_375 = vector.shape_cast %div3A_374 : vector<128x16xf32> to vector<128x16x1xf32>
      %mul3A_376 = vector.broadcast %broadcast_in_dim3A_375 : vector<128x16x1xf32> to vector<128x16x256xf32>
      %mul3A_377 = arith.mulf %mul3A_376, %reshape3A_342 : vector<128x16x256xf32>
      %reduce_sum3A_378 = arith.constant dense<0.000000e+00> : vector<128x256xf32>
      %reduce_sum3A_379 = vector.multi_reduction <add>, %mul3A_377, %reduce_sum3A_378 [1] : vector<128x16x256xf32> to vector<128x256xf32>
      %get3A_380 = arith.index_cast %scan3A_308 : i32 to index
      %get3A_381 = arith.constant 0 : index
      %get3A_382 = arith.constant 0 : index
      %get3A_383 = vector.load %arg11[%get3A_380, %get3A_381, %get3A_382] : memref<8x256x256xf32, #tpu.memory_space<vmem>>, vector<1x256x256xf32>
      %get3A_384 = vector.shape_cast %get3A_383 : vector<1x256x256xf32> to vector<256x256xf32>
      %dot_general3A_385 = arith.constant dense<0.000000e+00> : vector<128x256xf32>
      %dot_general3A_386 = tpu.matmul %reduce_sum3A_379, %get3A_384, %dot_general3A_385 {dimension_numbers = #tpu.dot_dimension_numbers<[1], [0], [0], [1], [0, 0, 1, 1], [], []>, transpose_lhs_hint = false} : vector<128x256xf32>, vector<256x256xf32>, vector<128x256xf32> -> vector<128x256xf32>
      %add3A_387 = arith.addf %scan3A_309, %dot_general3A_386 : vector<128x256xf32>
      scf.yield %add3A_387 : vector<128x256xf32>
    }
    %scan3A_177 = arith.constant 8 : i32
    %get3A_178 = arith.constant 0 : index
    %get3A_179 = arith.constant 0 : index
    %get3A_180 = vector.load %arg12[%get3A_178, %get3A_179] : memref<1x256xf32, #tpu.memory_space<vmem>>, vector<1x256xf32>
    %add3A_181 = vector.broadcast %get3A_180 : vector<1x256xf32> to vector<128x256xf32>
    %add3A_182 = arith.addf %scan3A_176, %add3A_181 : vector<128x256xf32>
    %add3A_183 = arith.addf %get3A_1, %add3A_182 : vector<128x256xf32>
    %get3A_184 = arith.constant 0 : index
    %get3A_185 = arith.constant 0 : index
    %get3A_186 = vector.load %arg21[%get3A_184, %get3A_185] : memref<1x256xf32, #tpu.memory_space<vmem>>, vector<1x256xf32>
    %get3A_187 = arith.constant 0 : index
    %get3A_188 = arith.constant 0 : index
    %get3A_189 = vector.load %arg22[%get3A_187, %get3A_188] : memref<1x256xf32, #tpu.memory_space<vmem>>, vector<1x256xf32>
    %reduce_sum3A_190 = arith.constant dense<0.000000e+00> : vector<128xf32>
    %reduce_sum3A_191 = vector.multi_reduction <add>, %add3A_183, %reduce_sum3A_190 [1] : vector<128x256xf32> to vector<128xf32>
    %broadcast_in_dim3A_192 = vector.shape_cast %reduce_sum3A_191 : vector<128xf32> to vector<128x1xf32>
    %div3A_193 = arith.constant 2.560000e+02 : f32
    %div3A_194 = vector.broadcast %div3A_193 : f32 to vector<128x1xf32>
    %div3A_195 = arith.divf %broadcast_in_dim3A_192, %div3A_194 : vector<128x1xf32>
    %jit3A = arith.constant 0 : i32
    %reduce_sum3A_196 = arith.constant dense<0.000000e+00> : vector<128xf32>
    %reduce_sum3A_197 = vector.multi_reduction <add>, %add3A_183, %reduce_sum3A_196 [1] : vector<128x256xf32> to vector<128xf32>
    %broadcast_in_dim3A_198 = vector.shape_cast %reduce_sum3A_197 : vector<128xf32> to vector<128x1xf32>
    %div3A_199 = arith.constant 2.560000e+02 : f32
    %div3A_200 = vector.broadcast %div3A_199 : f32 to vector<128x1xf32>
    %div3A_201 = arith.divf %broadcast_in_dim3A_198, %div3A_200 : vector<128x1xf32>
    %sub3A_202 = vector.broadcast %div3A_201 : vector<128x1xf32> to vector<128x256xf32>
    %sub3A_203 = arith.subf %add3A_183, %sub3A_202 : vector<128x256xf32>
    %square3A = arith.mulf %sub3A_203, %sub3A_203 : vector<128x256xf32>
    %convert_element_type3A = arith.sitofp %jit3A : i32 to f32
    %sub3A_204 = arith.constant 2.560000e+02 : f32
    %sub3A_205 = arith.subf %sub3A_204, %convert_element_type3A : f32
    %reduce_sum3A_206 = arith.constant dense<0.000000e+00> : vector<128xf32>
    %reduce_sum3A_207 = vector.multi_reduction <add>, %square3A, %reduce_sum3A_206 [1] : vector<128x256xf32> to vector<128xf32>
    %broadcast_in_dim3A_208 = vector.shape_cast %reduce_sum3A_207 : vector<128xf32> to vector<128x1xf32>
    %div3A_209 = vector.broadcast %sub3A_205 : f32 to vector<128x1xf32>
    %div3A_210 = arith.divf %broadcast_in_dim3A_208, %div3A_209 : vector<128x1xf32>
    %gt3A_211 = arith.constant 0.000000e+00 : f32
    %gt3A_212 = arith.cmpf ogt, %sub3A_205, %gt3A_211 : f32
    %jit3A_213 = arith.constant 0x7FC00000 : f32
    %broadcast_in_dim3A_214 = vector.broadcast %jit3A_213 : f32 to vector<128x1xf32>
    %select_n3A = arith.select %gt3A_212, %div3A_210, %broadcast_in_dim3A_214 : vector<128x1xf32>
    %sub3A_215 = vector.broadcast %div3A_195 : vector<128x1xf32> to vector<128x256xf32>
    %sub3A_216 = arith.subf %add3A_183, %sub3A_215 : vector<128x256xf32>
    %add3A_217 = arith.constant 9.99999974E-6 : f32
    %add3A_218 = vector.broadcast %add3A_217 : f32 to vector<128x1xf32>
    %add3A_219 = arith.addf %select_n3A, %add3A_218 : vector<128x1xf32>
    %sqrt3A_220 = math.sqrt %add3A_219 : vector<128x1xf32>
    %div3A_221 = vector.broadcast %sqrt3A_220 : vector<128x1xf32> to vector<128x256xf32>
    %div3A_222 = arith.divf %sub3A_216, %div3A_221 : vector<128x256xf32>
    %mul3A_223 = vector.broadcast %get3A_186 : vector<1x256xf32> to vector<128x256xf32>
    %mul3A_224 = arith.mulf %div3A_222, %mul3A_223 : vector<128x256xf32>
    %add3A_225 = vector.broadcast %get3A_189 : vector<1x256xf32> to vector<128x256xf32>
    %add3A_226 = arith.addf %mul3A_224, %add3A_225 : vector<128x256xf32>
    %get3A_227 = arith.constant 0 : index
    %get3A_228 = arith.constant 0 : index
    %get3A_229 = vector.load %arg17[%get3A_227, %get3A_228] : memref<256x1024xf32, #tpu.memory_space<vmem>>, vector<256x1024xf32>
    %dot_general3A_230 = arith.constant dense<0.000000e+00> : vector<128x1024xf32>
    %dot_general3A_231 = tpu.matmul %add3A_226, %get3A_229, %dot_general3A_230 {dimension_numbers = #tpu.dot_dimension_numbers<[1], [0], [0], [1], [0, 0, 1, 1], [], []>, transpose_lhs_hint = false} : vector<128x256xf32>, vector<256x1024xf32>, vector<128x1024xf32> -> vector<128x1024xf32>
    %get3A_232 = arith.constant 0 : index
    %get3A_233 = arith.constant 0 : index
    %get3A_234 = vector.load %arg18[%get3A_232, %get3A_233] : memref<1x1024xf32, #tpu.memory_space<vmem>>, vector<1x1024xf32>
    %add3A_235 = vector.broadcast %get3A_234 : vector<1x1024xf32> to vector<128x1024xf32>
    %add3A_236 = arith.addf %dot_general3A_231, %add3A_235 : vector<128x1024xf32>
    %mul3A_237 = arith.constant 5.000000e-01 : f32
    %mul3A_238 = vector.broadcast %mul3A_237 : f32 to vector<128x1024xf32>
    %mul3A_239 = arith.mulf %add3A_236, %mul3A_238 : vector<128x1024xf32>
    %mul3A_240 = arith.constant 0.707106769 : f32
    %mul3A_241 = vector.broadcast %mul3A_240 : f32 to vector<128x1024xf32>
    %mul3A_242 = arith.mulf %add3A_236, %mul3A_241 : vector<128x1024xf32>
    %erf3A = math.erf %mul3A_242 : vector<128x1024xf32>
    %add3A_243 = arith.constant 1.000000e+00 : f32
    %add3A_244 = vector.broadcast %add3A_243 : f32 to vector<128x1024xf32>
    %add3A_245 = arith.addf %add3A_244, %erf3A : vector<128x1024xf32>
    %mul3A_246 = arith.mulf %mul3A_239, %add3A_245 : vector<128x1024xf32>
    %get3A_247 = arith.constant 0 : index
    %get3A_248 = arith.constant 0 : index
    %get3A_249 = vector.load %arg19[%get3A_247, %get3A_248] : memref<1024x256xf32, #tpu.memory_space<vmem>>, vector<1024x256xf32>
    %dot_general3A_250 = arith.constant dense<0.000000e+00> : vector<128x256xf32>
    %dot_general3A_251 = tpu.matmul %mul3A_246, %get3A_249, %dot_general3A_250 {dimension_numbers = #tpu.dot_dimension_numbers<[1], [0], [0], [1], [0, 0, 1, 1], [], []>, transpose_lhs_hint = false} : vector<128x1024xf32>, vector<1024x256xf32>, vector<128x256xf32> -> vector<128x256xf32>
    %get3A_252 = arith.constant 0 : index
    %get3A_253 = arith.constant 0 : index
    %get3A_254 = vector.load %arg20[%get3A_252, %get3A_253] : memref<1x256xf32, #tpu.memory_space<vmem>>, vector<1x256xf32>
    %add3A_255 = vector.broadcast %get3A_254 : vector<1x256xf32> to vector<128x256xf32>
    %add3A_256 = arith.addf %dot_general3A_251, %add3A_255 : vector<128x256xf32>
    %add3A_257 = arith.addf %add3A_226, %add3A_256 : vector<128x256xf32>
    %get3A_258 = arith.constant 0 : index
    %get3A_259 = arith.constant 0 : index
    %get3A_260 = vector.load %arg23[%get3A_258, %get3A_259] : memref<1x256xf32, #tpu.memory_space<vmem>>, vector<1x256xf32>
    %get3A_261 = arith.constant 0 : index
    %get3A_262 = arith.constant 0 : index
    %get3A_263 = vector.load %arg24[%get3A_261, %get3A_262] : memref<1x256xf32, #tpu.memory_space<vmem>>, vector<1x256xf32>
    %reduce_sum3A_264 = arith.constant dense<0.000000e+00> : vector<128xf32>
    %reduce_sum3A_265 = vector.multi_reduction <add>, %add3A_257, %reduce_sum3A_264 [1] : vector<128x256xf32> to vector<128xf32>
    %broadcast_in_dim3A_266 = vector.shape_cast %reduce_sum3A_265 : vector<128xf32> to vector<128x1xf32>
    %div3A_267 = arith.constant 2.560000e+02 : f32
    %div3A_268 = vector.broadcast %div3A_267 : f32 to vector<128x1xf32>
    %div3A_269 = arith.divf %broadcast_in_dim3A_266, %div3A_268 : vector<128x1xf32>
    %jit3A_270 = arith.constant 0 : i32
    %reduce_sum3A_271 = arith.constant dense<0.000000e+00> : vector<128xf32>
    %reduce_sum3A_272 = vector.multi_reduction <add>, %add3A_257, %reduce_sum3A_271 [1] : vector<128x256xf32> to vector<128xf32>
    %broadcast_in_dim3A_273 = vector.shape_cast %reduce_sum3A_272 : vector<128xf32> to vector<128x1xf32>
    %div3A_274 = arith.constant 2.560000e+02 : f32
    %div3A_275 = vector.broadcast %div3A_274 : f32 to vector<128x1xf32>
    %div3A_276 = arith.divf %broadcast_in_dim3A_273, %div3A_275 : vector<128x1xf32>
    %sub3A_277 = vector.broadcast %div3A_276 : vector<128x1xf32> to vector<128x256xf32>
    %sub3A_278 = arith.subf %add3A_257, %sub3A_277 : vector<128x256xf32>
    %square3A_279 = arith.mulf %sub3A_278, %sub3A_278 : vector<128x256xf32>
    %convert_element_type3A_280 = arith.sitofp %jit3A_270 : i32 to f32
    %sub3A_281 = arith.constant 2.560000e+02 : f32
    %sub3A_282 = arith.subf %sub3A_281, %convert_element_type3A_280 : f32
    %reduce_sum3A_283 = arith.constant dense<0.000000e+00> : vector<128xf32>
    %reduce_sum3A_284 = vector.multi_reduction <add>, %square3A_279, %reduce_sum3A_283 [1] : vector<128x256xf32> to vector<128xf32>
    %broadcast_in_dim3A_285 = vector.shape_cast %reduce_sum3A_284 : vector<128xf32> to vector<128x1xf32>
    %div3A_286 = vector.broadcast %sub3A_282 : f32 to vector<128x1xf32>
    %div3A_287 = arith.divf %broadcast_in_dim3A_285, %div3A_286 : vector<128x1xf32>
    %gt3A_288 = arith.constant 0.000000e+00 : f32
    %gt3A_289 = arith.cmpf ogt, %sub3A_282, %gt3A_288 : f32
    %jit3A_290 = arith.constant 0x7FC00000 : f32
    %broadcast_in_dim3A_291 = vector.broadcast %jit3A_290 : f32 to vector<128x1xf32>
    %select_n3A_292 = arith.select %gt3A_289, %div3A_287, %broadcast_in_dim3A_291 : vector<128x1xf32>
    %sub3A_293 = vector.broadcast %div3A_269 : vector<128x1xf32> to vector<128x256xf32>
    %sub3A_294 = arith.subf %add3A_257, %sub3A_293 : vector<128x256xf32>
    %add3A_295 = arith.constant 9.99999974E-6 : f32
    %add3A_296 = vector.broadcast %add3A_295 : f32 to vector<128x1xf32>
    %add3A_297 = arith.addf %select_n3A_292, %add3A_296 : vector<128x1xf32>
    %sqrt3A_298 = math.sqrt %add3A_297 : vector<128x1xf32>
    %div3A_299 = vector.broadcast %sqrt3A_298 : vector<128x1xf32> to vector<128x256xf32>
    %div3A_300 = arith.divf %sub3A_294, %div3A_299 : vector<128x256xf32>
    %mul3A_301 = vector.broadcast %get3A_260 : vector<1x256xf32> to vector<128x256xf32>
    %mul3A_302 = arith.mulf %div3A_300, %mul3A_301 : vector<128x256xf32>
    %add3A_303 = vector.broadcast %get3A_263 : vector<1x256xf32> to vector<128x256xf32>
    %add3A_304 = arith.addf %mul3A_302, %add3A_303 : vector<128x256xf32>
    %swap3A_305 = arith.constant 0 : index
    %swap3A_306 = arith.constant 0 : index
    %swap3A_307 = vector.load %arg25[%swap3A_305, %swap3A_306] : memref<128x256xf32, #tpu.memory_space<vmem>>, vector<128x256xf32>
    tpu.vector_store %arg25[%swap3A_305, %swap3A_306], %add3A_304 {strides = array<i32>} : memref<128x256xf32, #tpu.memory_space<vmem>>, vector<128x256xf32>,
    return
  }
  func.func @transform_0(%arg0: i32) -> (i32, i32) {
    %c0_i32 = arith.constant 0 : i32
    %c0_i32_0 = arith.constant 0 : i32
    return %arg0, %c0_i32 : i32, i32
  }
  func.func @transform_1(%arg0: i32) -> (i32, i32) {
    %c0_i32 = arith.constant 0 : i32
    %c0_i32_0 = arith.constant 0 : i32
    return %arg0, %c0_i32 : i32, i32
  }
  func.func @transform_2(%arg0: i32) -> (i32, i32) {
    %c0_i32 = arith.constant 0 : i32
    %c0_i32_0 = arith.constant 0 : i32
    return %arg0, %c0_i32 : i32, i32
  }
  func.func @transform_3(%arg0: i32) -> (i32, i32) {
    %c0_i32 = arith.constant 0 : i32
    %c0_i32_0 = arith.constant 0 : i32
    return %arg0, %c0_i32 : i32, i32
  }
  func.func @transform_4(%arg0: i32) -> (i32, i32) {
    %c0_i32 = arith.constant 0 : i32
    %c0_i32_0 = arith.constant 0 : i32
    %c0_i32_1 = arith.constant 0 : i32
    return %c0_i32, %c0_i32_0 : i32, i32
  }
  func.func @transform_5(%arg0: i32) -> (i32, i32, i32) {
    %c0_i32 = arith.constant 0 : i32
    %c0_i32_0 = arith.constant 0 : i32
    %c0_i32_1 = arith.constant 0 : i32
    %c0_i32_2 = arith.constant 0 : i32
    return %c0_i32, %c0_i32_0, %c0_i32_1 : i32, i32, i32
  }
  func.func @transform_6(%arg0: i32) -> (i32, i32, i32) {
    %c0_i32 = arith.constant 0 : i32
    %c0_i32_0 = arith.constant 0 : i32
    %c0_i32_1 = arith.constant 0 : i32
    %c0_i32_2 = arith.constant 0 : i32
    return %c0_i32, %c0_i32_0, %c0_i32_1 : i32, i32, i32
  }
  func.func @transform_7(%arg0: i32) -> (i32, i32) {
    %c0_i32 = arith.constant 0 : i32
    %c0_i32_0 = arith.constant 0 : i32
    %c0_i32_1 = arith.constant 0 : i32
    return %c0_i32, %c0_i32_0 : i32, i32
  }
  func.func @transform_8(%arg0: i32) -> (i32, i32) {
    %c0_i32 = arith.constant 0 : i32
    %c0_i32_0 = arith.constant 0 : i32
    %c0_i32_1 = arith.constant 0 : i32
    return %c0_i32, %c0_i32_0 : i32, i32
  }
  func.func @transform_9(%arg0: i32) -> (i32, i32, i32) {
    %c0_i32 = arith.constant 0 : i32
    %c0_i32_0 = arith.constant 0 : i32
    %c0_i32_1 = arith.constant 0 : i32
    %c0_i32_2 = arith.constant 0 : i32
    return %c0_i32, %c0_i32_0, %c0_i32_1 : i32, i32, i32
  }
  func.func @transform_10(%arg0: i32) -> (i32, i32, i32) {
    %c0_i32 = arith.constant 0 : i32
    %c0_i32_0 = arith.constant 0 : i32
    %c0_i32_1 = arith.constant 0 : i32
    %c0_i32_2 = arith.constant 0 : i32
    return %c0_i32, %c0_i32_0, %c0_i32_1 : i32, i32, i32
  }
  func.func @transform_11(%arg0: i32) -> (i32, i32) {
    %c0_i32 = arith.constant 0 : i32
    %c0_i32_0 = arith.constant 0 : i32
    %c0_i32_1 = arith.constant 0 : i32
    return %c0_i32, %c0_i32_0 : i32, i32
  }
  func.func @transform_12(%arg0: i32) -> (i32, i32) {
    %c0_i32 = arith.constant 0 : i32
    %c0_i32_0 = arith.constant 0 : i32
    %c0_i32_1 = arith.constant 0 : i32
    return %c0_i32, %c0_i32_0 : i32, i32
  }
  func.func @transform_13(%arg0: i32) -> (i32, i32) {
    %c0_i32 = arith.constant 0 : i32
    %c0_i32_0 = arith.constant 0 : i32
    %c0_i32_1 = arith.constant 0 : i32
    return %c0_i32, %c0_i32_0 : i32, i32
  }
  func.func @transform_14(%arg0: i32) -> (i32, i32) {
    %c0_i32 = arith.constant 0 : i32
    %c0_i32_0 = arith.constant 0 : i32
    %c0_i32_1 = arith.constant 0 : i32
    return %c0_i32, %c0_i32_0 : i32, i32
  }
  func.func @transform_15(%arg0: i32) -> (i32, i32) {
    %c0_i32 = arith.constant 0 : i32
    %c0_i32_0 = arith.constant 0 : i32
    %c0_i32_1 = arith.constant 0 : i32
    return %c0_i32, %c0_i32_0 : i32, i32
  }
  func.func @transform_16(%arg0: i32) -> (i32, i32) {
    %c0_i32 = arith.constant 0 : i32
    %c0_i32_0 = arith.constant 0 : i32
    %c0_i32_1 = arith.constant 0 : i32
    return %c0_i32, %c0_i32_0 : i32, i32
  }
  func.func @transform_17(%arg0: i32) -> (i32, i32) {
    %c0_i32 = arith.constant 0 : i32
    %c0_i32_0 = arith.constant 0 : i32
    %c0_i32_1 = arith.constant 0 : i32
    return %c0_i32, %c0_i32_0 : i32, i32
  }
  func.func @transform_18(%arg0: i32) -> (i32, i32) {
    %c0_i32 = arith.constant 0 : i32
    %c0_i32_0 = arith.constant 0 : i32
    %c0_i32_1 = arith.constant 0 : i32
    return %c0_i32, %c0_i32_0 : i32, i32
  }
  func.func @transform_19(%arg0: i32) -> (i32, i32) {
    %c0_i32 = arith.constant 0 : i32
    %c0_i32_0 = arith.constant 0 : i32
    %c0_i32_1 = arith.constant 0 : i32
    return %c0_i32, %c0_i32_0 : i32, i32
  }
  func.func @transform_20(%arg0: i32) -> (i32, i32) {
    %c0_i32 = arith.constant 0 : i32
    %c0_i32_0 = arith.constant 0 : i32
    %c0_i32_1 = arith.constant 0 : i32
    return %c0_i32, %c0_i32_0 : i32, i32
  }
  func.func @transform_21(%arg0: i32) -> (i32, i32) {
    %c0_i32 = arith.constant 0 : i32
    %c0_i32_0 = arith.constant 0 : i32
    %c0_i32_1 = arith.constant 0 : i32
    return %c0_i32, %c0_i32_0 : i32, i32
  }
  func.func @transform_22(%arg0: i32) -> (i32, i32) {
    %c0_i32 = arith.constant 0 : i32
    %c0_i32_0 = arith.constant 0 : i32
    %c0_i32_1 = arith.constant 0 : i32
    return %c0_i32, %c0_i32_0 : i32, i32
  }
  func.func @transform_23(%arg0: i32) -> (i32, i32) {
    %c0_i32 = arith.constant 0 : i32
    %c0_i32_0 = arith.constant 0 : i32
    %c0_i32_1 = arith.constant 0 : i32
    return %c0_i32, %c0_i32_0 : i32, i32
  }
  func.func @transform_24(%arg0: i32) -> (i32, i32) {
    %c0_i32 = arith.constant 0 : i32
    %c0_i32_0 = arith.constant 0 : i32
    return %arg0, %c0_i32 : i32, i32
  }
}

</mosaic_0001>

<sc_bundles>
// kernel: kernel.11.cloned.1.call-start
scs
__scs_entry_jumppad:
0x0: {  	(pc) =	sbr.rel $0x88, $3  }
0x1: {  	(tag) =	ssettag $0x0;
	lr =	simm.s32 $0x1  }
0x2: {  	[smem:$0x3F89] =	sst lr;
	_ =	strace $0xD0000000  }
0x3: {  	_ = 	snop  }
0x4: {  	_ = 	snop  }
0x5: {  	_ = 	snop  }
0x6: {  	_ = 	snop  }
0x7: {  	_ = 	snop  }
__scs_overlays_trampoline_lowered:
0x8: {  	[smem:$0x3F98] =	sst s0  }
0x9: {  	[smem:$0x3F99] =	sst s1  }
0xa: {  	[smem:$0x3F9A] =	sst s2  }
0xb: {  	[smem:$0x3F9B] =	sst s3  }
0xc: {  	[smem:$0x3F9C] =	sst s4  }
0xd: {  	[smem:$0x3F9D] =	sst s5  }
0xe: {  	[smem:$0x3F9E] =	sst s6  }
0xf: {  	[smem:$0x3F9F] =	sst s7  }
0x10: {  	[smem:$0x3FA0] =	sst s8  }
0x11: {  	[smem:$0x3FA1] =	sst s9;
	s0 =	simm.s32 @!p0 $0x0  }
0x12: {  	s1 =	sld [smem:$0x3F87];
	s0 =	simm.s32 @p0 $0x1  }
0x13: {  	[smem:$0x3FA2] =	sst s0;
	s0 =	simm.s32 @!p1 $0x0  }
0x14: {  	s2 =	sld [smem:$0x3F86];
	s0 =	simm.s32 @p1 $0x1  }
0x15: {  	[smem:$0x3FA3] =	sst s0;
	s0 =	simm.s32 @!p2 $0x0  }
0x16: {  	s3 =	sld [smem:$0x3FDB];
	s0 =	simm.s32 @p2 $0x1  }
0x17: {  	s4 =	simm.s32 $0x1BF5;
	[smem:$0x3FA5] =	sst s0  }
0x18: {  	s0 =	sld [smem:$0x3F88];
	_ =	swait.ge [sflag:s4], $0x0  }
0x19: {  	s7 =	sld [smem:$0x3F89]  }
0x1a: {  	s8 =	sadd.s32 $0xFFFFE003, lr  }
0x1b: {  	s9 =	sadd.s32 $0xFFFFFEF7, lr;
	s5 =	simm.s32 $0xFFFFFFFF;
	p2 =	slt.u32 s8, $0xFFFFF086  }
0x1c: {  	p1 =	slt.u32 s9, $0xF7A;
	s5 =	simm.s32 @!p2 $0x0  }
0x1d: {  	s5 =	simm.s32 @p1 $0x1;
	p0 =	seq.s32 s7, s2  }
0x1e: {  	s7 =	smul.u32 @!p0 $0xF7A, s2;
	p2 =	seq.s32 @!p0 s5, $0x0  }
0x1f: {  	s9 =	smul.u32 $0xF7A, s1;
	s8 =	simm.s32 @!p0 $0x1BF5;
	p2 =	por !p2, p0  }
0x20: {  	[sflag:s8] =	ssyncset.s32 @!p0 $0xFFFFF086;
	s6 =	sadd.s32 @!p0 s3, s7;
	s7 =	simm.s32 @!p0 $0x108  }
0x21: {  	s3 =	sadd.s32 s3, s9;
	s6 =	sadd.s32 @!p0 $0x88, s6;
	s7 =	simm.s32 @p2 $0x1082  }
0x22: {  	[simem:s7], [sflag:s8] =	dma.local @!p0 [hbm:s6], $0xF7A  }
0x23: {  	s9 =	sor.u32 $0xD0000000, s2;
	s6 =	simm.s32 $0x108;
	_ =	swait.ge @!p0 [sflag:s8], $0x0  }
0x24: {  	s3 =	sadd.s32 $0x88, s3;
	s6 =	simm.s32 @!p1 $0x1082;
	[sflag:s4] =	ssyncset.s32 $0xFFFFF086  }
0x25: {  	[simem:s6], [sflag:s4] =	dma.local [hbm:s3], $0xF7A  }
0x26: {  	[smem:$0x3F89] =	sst s1;
	(tag) =	ssettag s2;
	_ =	strace s9  }
0x27: {  	s1 =	sld [smem:$0x3F99]  }
0x28: {  	s2 =	sld [smem:$0x3F9A]  }
0x29: {  	s4 =	sld [smem:$0x3F9C]  }
0x2a: {  	p0 =	seq.s32 s5, $0x0;
	s5 =	sld [smem:$0x3F9D]  }
0x2b: {  	s6 =	sld [smem:$0x3F9E]  }
0x2c: {  	s7 =	sld [smem:$0x3F9F]  }
0x2d: {  	s3 =	simm.s32 $0x108;
	s8 =	sld [smem:$0x3FA0]  }
0x2e: {  	s3 =	simm.s32 @!p0 $0x1082;
	s9 =	sld [smem:$0x3FA1]  }
0x2f: {  	lr =	sadd.s32 s0, s3;
	s0 =	sld [smem:$0x3F98]  }
0x30: {  	s3 =	sld [smem:$0x3F9B]  }
0x31: {  	[smem:$0x3FA4] =	sst s10  }
0x32: {  	s10 =	sld [smem:$0x3FA2];
	_ =	sdelay $0x3  }
0x33: {  	p0 =	seq.s32 s10, $0x1;
	s10 =	sld [smem:$0x3FA4];
	_ =	sdelay $0x3  }
0x34: {  	[smem:$0x3FA4] =	sst s10  }
0x35: {  	s10 =	sld [smem:$0x3FA3];
	_ =	sdelay $0x3  }
0x36: {  	p1 =	seq.s32 s10, $0x1;
	s10 =	sld [smem:$0x3FA4];
	_ =	sdelay $0x3  }
0x37: {  	[smem:$0x3FA4] =	sst s10  }
0x38: {  	s10 =	sld [smem:$0x3FA5]  }
0x39: {  	_ = 	snop;
	(pc) =	sbr.ind lr, $3  }
0x3a: {  	_ = 	snop  }
0x3b: {  	_ = 	snop  }
0x3c: {  	p2 =	seq.s32 s10, $0x1;
	s10 =	sld [smem:$0x3FA4]  }
0x3d: {  	_ =	shalt  }
0x3e: {  	_ =	shalt  }
0x3f: {  	_ =	shalt  }
0x40: {  	_ =	shalt  }
0x41: {  	_ =	shalt  }
0x42: {  	_ =	shalt  }
0x43: {  	_ =	shalt  }
0x44: {  	_ =	shalt  }
0x45: {  	_ =	shalt  }
0x46: {  	_ =	shalt  }
0x47: {  	_ =	shalt  }
0x48: {  	_ =	shalt  }
0x49: {  	_ =	shalt  }
0x4a: {  	_ =	shalt  }
0x4b: {  	_ =	shalt  }
0x4c: {  	_ =	shalt  }
0x4d: {  	_ =	shalt  }
0x4e: {  	_ =	shalt  }
0x4f: {  	_ =	shalt  }
0x50: {  	_ =	shalt  }
0x51: {  	_ =	shalt  }
0x52: {  	_ =	shalt  }
0x53: {  	_ =	shalt  }
0x54: {  	_ =	shalt  }
0x55: {  	_ =	shalt  }
0x56: {  	_ =	shalt  }
0x57: {  	_ =	shalt  }
0x58: {  	_ =	shalt  }
0x59: {  	_ =	shalt  }
0x5a: {  	_ =	shalt  }
0x5b: {  	_ =	shalt  }
0x5c: {  	_ =	shalt  }
0x5d: {  	_ =	shalt  }
0x5e: {  	_ =	shalt  }
0x5f: {  	_ =	shalt  }
0x60: {  	_ =	shalt  }
0x61: {  	_ =	shalt  }
0x62: {  	_ =	shalt  }
0x63: {  	_ =	shalt  }
0x64: {  	_ =	shalt  }
0x65: {  	_ =	shalt  }
0x66: {  	_ =	shalt  }
0x67: {  	_ =	shalt  }
0x68: {  	_ =	shalt  }
0x69: {  	_ =	shalt  }
0x6a: {  	_ =	shalt  }
0x6b: {  	_ =	shalt  }
0x6c: {  	_ =	shalt  }
0x6d: {  	_ =	shalt  }
0x6e: {  	_ =	shalt  }
0x6f: {  	_ =	shalt  }
0x70: {  	_ =	shalt  }
0x71: {  	_ =	shalt  }
0x72: {  	_ =	shalt  }
0x73: {  	_ =	shalt  }
0x74: {  	_ =	shalt  }
0x75: {  	_ =	shalt  }
0x76: {  	_ =	shalt  }
0x77: {  	_ =	shalt  }
0x78: {  	_ =	shalt  }
0x79: {  	_ =	shalt  }
0x7a: {  	_ =	shalt  }
0x7b: {  	_ =	shalt  }
0x7c: {  	_ =	shalt  }
0x7d: {  	_ =	shalt  }
0x7e: {  	_ =	shalt  }
0x7f: {  	_ =	shalt  }
0x80: {  	_ =	shalt  }
0x81: {  	_ =	shalt  }
0x82: {  	_ =	shalt  }
0x83: {  	_ =	shalt  }
0x84: {  	_ =	shalt  }
0x85: {  	_ =	shalt  }
0x86: {  	_ =	shalt  }
0x87: {  	_ =	shalt  }
.Lfunc_end0:
.L_simem_size_0:
called_computation.1_lowered:
.L_overlay_start_0:
0x88: {  	s2 =	sld [smem:$0x3FD9]  }
0x89: {  	s3 =	sld [smem:$0x3FFE];
	_ =	sdelay $0x1  }
0x8a: {  	s1 =	srdreg.scid  }
0x8b: {  	s0 =	sand.u32 $0x1, s1  }
0x8c: {  	s16 =	sshll.u32 s0, $0xA;
	s2 =	sadd.s32 s3, s2  }
0x8d: {  	s2 =	sadd.s32 s2, s16  }
0x8e: {  	[smem:$0x3FB0] =	sst s2  }
0x8f: {  	_ = 	snop  }
0x90: {  	(tm) =	ssettm $0x1  }
0x91: {  	s17 =	sld [smem:$0x3FFB];
	_ =	sdelay $0x3  }
0x92: {  	_ =	strace s17  }
0x93: {  	s2 =	sld [smem:$0x3FFC];
	_ =	sdelay $0x3  }
0x94: {  	_ =	strace s2  }
0x95: {  	s2 =	sld [smem:$0x3FFD];
	_ =	sdelay $0x3  }
0x96: {  	_ =	strace s2  }
0x97: {  	_ =	strace $0x8FFFFFFF  }
0x98: {  	s18 =	sld [smem:$0x3FDB];
	_ =	sdelay $0x1  }
0x99: {  	s19 =	simm.s32 $_scs_section_size  }
0x9a: {  	s4 =	simm.s32 $_size__tile_overlayer_lowered;
	s5 =	simm.s32 $_tile_overlayer_lowered  }
0x9b: {  	s22 =	simm.s32 $0x1BFF;
	s21 =	sshll.u32 s5, $0x1;
	s2 =	sadd.s32 s19, s18  }
0x9c: {  	s6 =	simm.s32 $0x0;
	s20 =	sshll.u32 s4, $0x1;
	s4 =	sadd.s32 s21, s2  }
0x9d: {  	[timem:s6], [sflag:s22] =	dma.local [hbm:s4], s20  }
0x9e: {  	_ =	swait.ge [sflag:s22], s20  }
0x9f: {  	s3 =	ssub.s32 $0x0, s20;
	[sflag:s22] =	ssyncset.done $0x0  }
0xa0: {  	[sflag:s22] =	ssyncadd.s32 s3;
	_ =	sdelay $0x1  }
0xa1: {  	s23 =	simm.s32 $0x1B8B  }
0xa2: {  	_ =	swait.ge [sflag:s23], $0x1  }
0xa3: {  	[sflag:s23] =	ssyncset.done $0x0  }
0xa4: {  	s25 =	simm.s32 $0x1B8E;
	s24 =	sld [smem:$0x3FFE];
	[sflag:s23] =	ssyncadd.s32 $0xFFFFFFFF  }
0xa5: {  	s26 =	simm.s32 $execute0_lowered;
	[smem:$0x3FD2] =	sst s25  }
0xa6: {  	s4 =	sshll.u32 s26, $0x1;
	_ =	strace $0x80000049;
	[dreg:$0x1] =	wrdreg $0xFFFFFFFF  }
0xa7: {  	s28 =	simm.s32 $_size_execute0_lowered;
	s2 =	sadd.s32 s2, s4;
	[dreg:$0x0] =	wrdreg $0x0  }
0xa8: {  	s4 =	sshll.u32 s28, $0x1;
	[dreg:$0x2] =	wrdreg s2  }
0xa9: {  	[dreg:$0x3] =	wrdreg s4  }
0xaa: {  	[dreg:$0x4] =	wrdreg $0xC0  }
0xab: {  	_ =	task [dreg:s6], $0x5FFFF  }
0xac: {  	[dreg:$0x1] =	wrdreg $0xFFFFFFFF  }
0xad: {  	[dreg:$0x0] =	wrdreg $0x60  }
0xae: {  	[dreg:$0x2] =	wrdreg s24  }
0xaf: {  	[dreg:$0x3] =	wrdreg $0x9  }
0xb0: {  	_ =	task.clear_ibuf [dreg:s6], $0x4FFFF;
	_ =	strace $0x90000049  }
0xb1: {  	s29 =	simm.s32 $0x9;
	_ =	strace $0x8000004B  }
0xb2: {  	_ =	swait.ge [sflag:s29], $0x1  }
0xb3: {  	[sflag:s29] =	ssyncadd.s32 $0xFFFFFFFF  }
0xb4: {  	_ =	strace $0x9000004B  }
0xb5: {  	_ =	sfence  }
0xb6: {  	s30 =	sld [smem:$0x0];
	_ =	sdelay $0x2  }
0xb7: {  	s31 =	sshll.u32 s1, $0xD;
	s1 =	sshrl.u32 s1, $0x2  }
0xb8: {  	s3 =	sand.u32 $0x4000, s31;
	s1 =	sadd.s32 s1, s30  }
0xb9: {  	s0 =	sor.u32 s3, s0;
	s1 =	sshll.u32 s1, $0x11  }
0xba: {  	s0 =	sor.u32 s1, s0  }
0xbb: {  	s0 =	sadd.s32 $0x8F2B, s0  }
0xbc: {  	[sflag:s0] =	ssyncadd.remote.s32 $0x1  }
0xbd: {  	_ =	sfence.sel $0xFFFF  }
0xbe: {  	[dreg:$0x0] =	wrdreg $0xFFFFFFFF;
	(pc) =	sbr.abs _section_cstart, $3  }
0xbf: {  	[dreg:$0x1] =	wrdreg $0xFFFFFFFF  }
0xc0: {  	_ =	task.clear_ibuf [dreg:s6], $0x2FFFF;
	_ =	strace $0x9FFFFFFF  }
0xc1: {  	(tm) =	ssettm $0x7FFFFFFF  }
tec
execute0_lowered:
.L_overlay_start_1:
0x0: {  	(tag) =	ssettag $0x1  }
0x1: {  	s0 =	srdreg.scid;
	s1 =	stileid.u32  }
0x2: {  	s4 =	rddreg [dreg:$0x0];
	s8 =	simm.s32 $0x3;
	s9 =	simm.s32 $0x1000  }
0x3: {  	s16 =	simm.s32 $0xD000;
	s30 =	simm.s32 $0xD800;
	s31 =	simm.s32 $0x12400  }
0x4: {  	s10 =	simm.s32 $0x14400;
	s11 =	simm.s32 $0x14800;
	s12 =	simm.s32 $0x15000  }
0x5: {  	s13 =	simm.s32 $0x15400;
	s14 =	simm.s32 $0x15C00;
	s15 =	simm.s32 $0x16000  }
0x6: {  	s17 =	simm.s32 $0x16800;
	s18 =	simm.s32 $0x16C00;
	s19 =	simm.s32 $0x17400  }
0x7: {  	s20 =	simm.s32 $0x17800;
	s21 =	simm.s32 $0x18000;
	s22 =	simm.s32 $0x18400  }
0x8: {  	s23 =	simm.s32 $0x18C00;
	s24 =	simm.s32 $0x1;
	s0 =	sand.u32 $0x1, s0  }
0x9: {  	s25 =	simm.s32 $0x2;
	s1 =	sshll.u32 s1, $0xD;
	s2 =	sshll.u32 s0, $0xC  }
0xa: {  	s28 =	simm.s32 $0x0;
	s3 =	sadd.s32 $0x228E00, s4;
	s1 =	sor.u32 s2, s1  }
0xb: {  	s0 =	ssub.s32 $0x2, s0;
	s2 =	simm.s32 $0x0;
	s1 =	sshrl.u32 s1, $0x3  }
0xc: {  	s6 =	sshrl.u32 s0, $0x1;
	[smem:$0x7FF] =	sst s2;
	s5 =	smul.u32 $0x180, s1  }
.Ltmp0:
0xd: {  	s0 =	ssub.s32 s0, s6;
	s6 =	simm.s32 $0x13C00;
	(pc) =	sbr.rel .LBB2_1-.Ltmp0, $4  }
0xe: {  	_ =	strace $0x8000004A;
	s1 =	sadd.s32 s1, s4;
	s0 =	smax.u32 s0, $0x1  }
0xf: {  	v2 =	vlaneseq.u32;
	s1 =	sadd.s32 $0x24E00, s1;
	[dreg:$0x3] =	wrdreg s0;
	s0 =	simm.s32 $0x13000  }
0x10: {  	vm0 =	vmmov $0xffff;
	vm1 =	vmmov $0xff;
	v1 =	vshrl.u32 v2, $0x3;
	s7 =	sadd.s32 s5, s4;
	[dreg:$0x2] =	wrdreg s1;
	s5 =	sadd.s32 $0x228F00, s4  }
0x11: {  	v0 =	vand.u32 $0x7, v2;
	v2 =	vor.u32 $0x8, v2;
	v1 =	vmul.u32 $0x8, v1;
	s1 =	simm.s32 $0x12C00;
	s4 =	simm.s32 $0x13800;
	s7 =	sadd.s32 $0x288E00, s7  }
.LBB2_6:
0x12: {  	s28 =	rddreg [dreg:$0x4]  }
0x13: {  	s26 =	rddreg [dreg:$0x3];
	s28 =	sadd.s32 $0x1, s28  }
0x14: {  	p0 =	sne.s32 s28, s26  }
.Ltmp1:
0x15: {  	_ = 	snop;
	(pc) =	sbr.rel @!p0 .LBB2_7-.Ltmp1, $1  }
0x16: {  	_ =	sdelay $0x3  }
.LBB2_1:
0x17: {  	[dreg:$0x4] =	wrdreg s28  }
0x18: {  	s26 =	rddreg [dreg:$0x2]  }
0x19: {  	[tilespmem:s2], [sflag:$0x3] =	stream.linear.gather [hbm4b:s26+s2], $0x1000, $0x38;
	[tilespmem:$0x19000] =	vst v63  }
0x1a: {  	_ =	swait.ge [sflag:s8], $0x1000  }
0x1b: {  	[sflag:s8] =	ssyncset.done $0x0  }
0x1c: {  	[sflag:s8] =	ssyncadd.s32 $0xFFFFF000  }
0x1d: {  	v3 =	vld [tilespmem:$0x0];
	_ =	sdelay $0x4  }
0x1e: {  	v4 =	vshrl.u32 v3, $0x3  }
0x1f: {  	v4 =	vmul.u32 $0x18, v4  }
0x20: {  	v3 =	vand.u32 $0x7, v3  }
0x21: {  	v3 =	vor.u32 v3, v4  }
0x22: {  	v4 =	vperm.xlane v3, v0;
	_ =	sdelay $0x1  }
0x23: {  	v4 =	vadd.s32 v1, v4;
	_ =	sdelay $0x1  }
0x24: {  	v3 =	vperm.xlane v3, v2;
	_ =	sdelay $0x1  }
0x25: {  	v3 =	vadd.s32 v1, v3  }
0x26: {  	[tilespmem:s9], [sflag:$0x1] =	stream.indirect_vreg.gather [hbm4b:s3+s2], $0x80, v4, vm0, $0xb8;
	[tilespmem:$0x19000] =	vst v63  }
0x27: {  	s29 =	simm.s32 $0x1800  }
0x28: {  	[tilespmem:s29], [sflag:$0x1] =	stream.indirect_vreg.gather [hbm4b:s5+s2], $0x80, v4, vm1, $0xb8;
	[tilespmem:$0x19000] =	vst v63  }
0x29: {  	s29 =	simm.s32 $0x1C00  }
0x2a: {  	[tilespmem:s29], [sflag:$0x1] =	stream.indirect_vreg.gather [hbm4b:s3+s2], $0x80, v3, vm0, $0xb8;
	[tilespmem:$0x19000] =	vst v63  }
0x2b: {  	s29 =	simm.s32 $0x2400  }
0x2c: {  	[tilespmem:s29], [sflag:$0x1] =	stream.indirect_vreg.gather [hbm4b:s5+s2], $0x80, v3, vm1, $0xb8;
	[tilespmem:$0x19000] =	vst v63  }
0x2d: {  	v3 =	vld [tilespmem:$0x10];
	_ =	sdelay $0x4  }
0x2e: {  	v49 =	vshrl.u32 v3, $0x3  }
0x2f: {  	v4 =	vmul.u32 $0x18, v49  }
0x30: {  	v3 =	vand.u32 $0x7, v3  }
0x31: {  	v3 =	vor.u32 v3, v4  }
0x32: {  	v4 =	vperm.xlane v3, v0;
	_ =	sdelay $0x1  }
0x33: {  	v4 =	vadd.s32 v1, v4;
	_ =	sdelay $0x1  }
0x34: {  	v3 =	vperm.xlane v3, v2;
	_ =	sdelay $0x1  }
0x35: {  	s29 =	simm.s32 $0x2800;
	v3 =	vadd.s32 v1, v3  }
0x36: {  	[tilespmem:s29], [sflag:$0x1] =	stream.indirect_vreg.gather [hbm4b:s3+s2], $0x80, v4, vm0, $0xb8;
	[tilespmem:$0x19000] =	vst v63  }
0x37: {  	s29 =	simm.s32 $0x3000  }
0x38: {  	[tilespmem:s29], [sflag:$0x1] =	stream.indirect_vreg.gather [hbm4b:s5+s2], $0x80, v4, vm1, $0xb8;
	[tilespmem:$0x19000] =	vst v63  }
0x39: {  	s29 =	simm.s32 $0x3400  }
0x3a: {  	[tilespmem:s29], [sflag:$0x1] =	stream.indirect_vreg.gather [hbm4b:s3+s2], $0x80, v3, vm0, $0xb8;
	[tilespmem:$0x19000] =	vst v63  }
0x3b: {  	s29 =	simm.s32 $0x3C00  }
0x3c: {  	[tilespmem:s29], [sflag:$0x1] =	stream.indirect_vreg.gather [hbm4b:s5+s2], $0x80, v3, vm1, $0xb8;
	[tilespmem:$0x19000] =	vst v63  }
0x3d: {  	v3 =	vld [tilespmem:$0x20];
	_ =	sdelay $0x4  }
0x3e: {  	v50 =	vshrl.u32 v3, $0x3  }
0x3f: {  	v4 =	vmul.u32 $0x18, v50  }
0x40: {  	v3 =	vand.u32 $0x7, v3  }
0x41: {  	v3 =	vor.u32 v3, v4  }
0x42: {  	v4 =	vperm.xlane v3, v0;
	_ =	sdelay $0x1  }
0x43: {  	v4 =	vadd.s32 v1, v4;
	_ =	sdelay $0x1  }
0x44: {  	v3 =	vperm.xlane v3, v2;
	_ =	sdelay $0x1  }
0x45: {  	s29 =	simm.s32 $0x4000;
	v3 =	vadd.s32 v1, v3  }
0x46: {  	[tilespmem:s29], [sflag:$0x1] =	stream.indirect_vreg.gather [hbm4b:s3+s2], $0x80, v4, vm0, $0xb8;
	[tilespmem:$0x19000] =	vst v63  }
0x47: {  	s29 =	simm.s32 $0x4800  }
0x48: {  	[tilespmem:s29], [sflag:$0x1] =	stream.indirect_vreg.gather [hbm4b:s5+s2], $0x80, v4, vm1, $0xb8;
	[tilespmem:$0x19000] =	vst v63  }
0x49: {  	s29 =	simm.s32 $0x4C00  }
0x4a: {  	[tilespmem:s29], [sflag:$0x1] =	stream.indirect_vreg.gather [hbm4b:s3+s2], $0x80, v3, vm0, $0xb8;
	[tilespmem:$0x19000] =	vst v63  }
0x4b: {  	s29 =	simm.s32 $0x5400  }
0x4c: {  	[tilespmem:s29], [sflag:$0x1] =	stream.indirect_vreg.gather [hbm4b:s5+s2], $0x80, v3, vm1, $0xb8;
	[tilespmem:$0x19000] =	vst v63  }
0x4d: {  	v3 =	vld [tilespmem:$0x30];
	_ =	sdelay $0x4  }
0x4e: {  	v51 =	vshrl.u32 v3, $0x3  }
0x4f: {  	v4 =	vmul.u32 $0x18, v51  }
0x50: {  	v3 =	vand.u32 $0x7, v3  }
0x51: {  	v3 =	vor.u32 v3, v4  }
0x52: {  	v4 =	vperm.xlane v3, v0;
	_ =	sdelay $0x1  }
0x53: {  	v4 =	vadd.s32 v1, v4;
	_ =	sdelay $0x1  }
0x54: {  	v3 =	vperm.xlane v3, v2;
	_ =	sdelay $0x1  }
0x55: {  	s29 =	simm.s32 $0x5800;
	v3 =	vadd.s32 v1, v3  }
0x56: {  	[tilespmem:s29], [sflag:$0x1] =	stream.indirect_vreg.gather [hbm4b:s3+s2], $0x80, v4, vm0, $0xb8;
	[tilespmem:$0x19000] =	vst v63  }
0x57: {  	s29 =	simm.s32 $0x6000  }
0x58: {  	[tilespmem:s29], [sflag:$0x1] =	stream.indirect_vreg.gather [hbm4b:s5+s2], $0x80, v4, vm1, $0xb8;
	[tilespmem:$0x19000] =	vst v63  }
0x59: {  	s29 =	simm.s32 $0x6400  }
0x5a: {  	[tilespmem:s29], [sflag:$0x1] =	stream.indirect_vreg.gather [hbm4b:s3+s2], $0x80, v3, vm0, $0xb8;
	[tilespmem:$0x19000] =	vst v63  }
0x5b: {  	s29 =	simm.s32 $0x6C00  }
0x5c: {  	[tilespmem:s29], [sflag:$0x1] =	stream.indirect_vreg.gather [hbm4b:s5+s2], $0x80, v3, vm1, $0xb8;
	[tilespmem:$0x19000] =	vst v63  }
0x5d: {  	v3 =	vld [tilespmem:$0x40];
	_ =	sdelay $0x4  }
0x5e: {  	v52 =	vshrl.u32 v3, $0x3  }
0x5f: {  	v4 =	vmul.u32 $0x18, v52  }
0x60: {  	v3 =	vand.u32 $0x7, v3  }
0x61: {  	v3 =	vor.u32 v3, v4  }
0x62: {  	v4 =	vperm.xlane v3, v0;
	_ =	sdelay $0x1  }
0x63: {  	v4 =	vadd.s32 v1, v4;
	_ =	sdelay $0x1  }
0x64: {  	v3 =	vperm.xlane v3, v2;
	_ =	sdelay $0x1  }
0x65: {  	s29 =	simm.s32 $0x7000;
	v3 =	vadd.s32 v1, v3  }
0x66: {  	[tilespmem:s29], [sflag:$0x1] =	stream.indirect_vreg.gather [hbm4b:s3+s2], $0x80, v4, vm0, $0xb8;
	[tilespmem:$0x19000] =	vst v63  }
0x67: {  	s29 =	simm.s32 $0x7800  }
0x68: {  	[tilespmem:s29], [sflag:$0x1] =	stream.indirect_vreg.gather [hbm4b:s5+s2], $0x80, v4, vm1, $0xb8;
	[tilespmem:$0x19000] =	vst v63  }
0x69: {  	s29 =	simm.s32 $0x7C00  }
0x6a: {  	[tilespmem:s29], [sflag:$0x1] =	stream.indirect_vreg.gather [hbm4b:s3+s2], $0x80, v3, vm0, $0xb8;
	[tilespmem:$0x19000] =	vst v63  }
0x6b: {  	s29 =	simm.s32 $0x8400  }
0x6c: {  	[tilespmem:s29], [sflag:$0x1] =	stream.indirect_vreg.gather [hbm4b:s5+s2], $0x80, v3, vm1, $0xb8;
	[tilespmem:$0x19000] =	vst v63  }
0x6d: {  	v3 =	vld [tilespmem:$0x50];
	_ =	sdelay $0x4  }
0x6e: {  	v53 =	vshrl.u32 v3, $0x3  }
0x6f: {  	v4 =	vmul.u32 $0x18, v53  }
0x70: {  	v3 =	vand.u32 $0x7, v3  }
0x71: {  	v3 =	vor.u32 v3, v4  }
0x72: {  	v4 =	vperm.xlane v3, v0;
	_ =	sdelay $0x1  }
0x73: {  	v4 =	vadd.s32 v1, v4;
	_ =	sdelay $0x1  }
0x74: {  	v3 =	vperm.xlane v3, v2;
	_ =	sdelay $0x1  }
0x75: {  	s29 =	simm.s32 $0x8800;
	v3 =	vadd.s32 v1, v3  }
0x76: {  	[tilespmem:s29], [sflag:$0x1] =	stream.indirect_vreg.gather [hbm4b:s3+s2], $0x80, v4, vm0, $0xb8;
	[tilespmem:$0x19000] =	vst v63  }
0x77: {  	s29 =	simm.s32 $0x9000  }
0x78: {  	[tilespmem:s29], [sflag:$0x1] =	stream.indirect_vreg.gather [hbm4b:s5+s2], $0x80, v4, vm1, $0xb8;
	[tilespmem:$0x19000] =	vst v63  }
0x79: {  	s29 =	simm.s32 $0x9400  }
0x7a: {  	[tilespmem:s29], [sflag:$0x1] =	stream.indirect_vreg.gather [hbm4b:s3+s2], $0x80, v3, vm0, $0xb8;
	[tilespmem:$0x19000] =	vst v63  }
0x7b: {  	s29 =	simm.s32 $0x9C00  }
0x7c: {  	[tilespmem:s29], [sflag:$0x1] =	stream.indirect_vreg.gather [hbm4b:s5+s2], $0x80, v3, vm1, $0xb8;
	[tilespmem:$0x19000] =	vst v63  }
0x7d: {  	v3 =	vld [tilespmem:$0x60];
	_ =	sdelay $0x4  }
0x7e: {  	v54 =	vshrl.u32 v3, $0x3  }
0x7f: {  	v4 =	vmul.u32 $0x18, v54  }
0x80: {  	v3 =	vand.u32 $0x7, v3  }
0x81: {  	v3 =	vor.u32 v3, v4  }
0x82: {  	v4 =	vperm.xlane v3, v0;
	_ =	sdelay $0x1  }
0x83: {  	v4 =	vadd.s32 v1, v4;
	_ =	sdelay $0x1  }
0x84: {  	v3 =	vperm.xlane v3, v2;
	_ =	sdelay $0x1  }
0x85: {  	s29 =	simm.s32 $0xA000;
	v3 =	vadd.s32 v1, v3  }
0x86: {  	[tilespmem:s29], [sflag:$0x1] =	stream.indirect_vreg.gather [hbm4b:s3+s2], $0x80, v4, vm0, $0xb8;
	[tilespmem:$0x19000] =	vst v63  }
0x87: {  	s29 =	simm.s32 $0xA800  }
0x88: {  	[tilespmem:s29], [sflag:$0x1] =	stream.indirect_vreg.gather [hbm4b:s5+s2], $0x80, v4, vm1, $0xb8;
	[tilespmem:$0x19000] =	vst v63  }
0x89: {  	s29 =	simm.s32 $0xAC00  }
0x8a: {  	[tilespmem:s29], [sflag:$0x1] =	stream.indirect_vreg.gather [hbm4b:s3+s2], $0x80, v3, vm0, $0xb8;
	[tilespmem:$0x19000] =	vst v63  }
0x8b: {  	s29 =	simm.s32 $0xB400  }
0x8c: {  	[tilespmem:s29], [sflag:$0x1] =	stream.indirect_vreg.gather [hbm4b:s5+s2], $0x80, v3, vm1, $0xb8;
	[tilespmem:$0x19000] =	vst v63  }
0x8d: {  	v3 =	vld [tilespmem:$0x70];
	_ =	sdelay $0x4  }
0x8e: {  	v55 =	vshrl.u32 v3, $0x3  }
0x8f: {  	v4 =	vmul.u32 $0x18, v55  }
0x90: {  	v3 =	vand.u32 $0x7, v3  }
0x91: {  	v3 =	vor.u32 v3, v4  }
0x92: {  	v4 =	vperm.xlane v3, v0;
	_ =	sdelay $0x1  }
0x93: {  	v4 =	vadd.s32 v1, v4;
	_ =	sdelay $0x1  }
0x94: {  	v3 =	vperm.xlane v3, v2;
	_ =	sdelay $0x1  }
0x95: {  	s29 =	simm.s32 $0xB800;
	v3 =	vadd.s32 v1, v3  }
0x96: {  	[tilespmem:s29], [sflag:$0x1] =	stream.indirect_vreg.gather [hbm4b:s3+s2], $0x80, v4, vm0, $0xb8;
	[tilespmem:$0x19000] =	vst v63  }
0x97: {  	s29 =	simm.s32 $0xC000  }
0x98: {  	[tilespmem:s29], [sflag:$0x1] =	stream.indirect_vreg.gather [hbm4b:s5+s2], $0x80, v4, vm1, $0xb8;
	[tilespmem:$0x19000] =	vst v63  }
0x99: {  	s29 =	simm.s32 $0xC400  }
0x9a: {  	[tilespmem:s29], [sflag:$0x1] =	stream.indirect_vreg.gather [hbm4b:s3+s2], $0x80, v3, vm0, $0xb8;
	[tilespmem:$0x19000] =	vst v63  }
0x9b: {  	s29 =	simm.s32 $0xCC00  }
0x9c: {  	[tilespmem:s29], [sflag:$0x1] =	stream.indirect_vreg.gather [hbm4b:s5+s2], $0x80, v3, vm1, $0xb8;
	[tilespmem:$0x19000] =	vst v63  }
0x9d: {  	v3 =	vld [tilespmem:$0x80];
	_ =	sdelay $0x4  }
0x9e: {  	v56 =	vshrl.u32 v3, $0x3  }
0x9f: {  	v4 =	vmul.u32 $0x18, v56  }
0xa0: {  	v3 =	vand.u32 $0x7, v3  }
0xa1: {  	v3 =	vor.u32 v3, v4  }
0xa2: {  	v4 =	vperm.xlane v3, v0;
	_ =	sdelay $0x1  }
0xa3: {  	v4 =	vadd.s32 v1, v4;
	_ =	sdelay $0x1  }
0xa4: {  	v3 =	vperm.xlane v3, v2;
	_ =	sdelay $0x1  }
0xa5: {  	v3 =	vadd.s32 v1, v3  }
0xa6: {  	[tilespmem:s16], [sflag:$0x2] =	stream.indirect_vreg.gather [hbm4b:s3+s2], $0x80, v4, vm0, $0xb8;
	[tilespmem:$0x19000] =	vst v63  }
0xa7: {  	_ = 	snop  }
0xa8: {  	[tilespmem:s30], [sflag:$0x2] =	stream.indirect_vreg.gather [hbm4b:s5+s2], $0x80, v4, vm1, $0xb8;
	[tilespmem:$0x19000] =	vst v63  }
0xa9: {  	s29 =	simm.s32 $0xDC00  }
0xaa: {  	[tilespmem:s29], [sflag:$0x2] =	stream.indirect_vreg.gather [hbm4b:s3+s2], $0x80, v3, vm0, $0xb8;
	[tilespmem:$0x19000] =	vst v63  }
0xab: {  	s29 =	simm.s32 $0xE400  }
0xac: {  	[tilespmem:s29], [sflag:$0x2] =	stream.indirect_vreg.gather [hbm4b:s5+s2], $0x80, v3, vm1, $0xb8;
	[tilespmem:$0x19000] =	vst v63  }
0xad: {  	v3 =	vld [tilespmem:$0x90];
	_ =	sdelay $0x4  }
0xae: {  	v57 =	vshrl.u32 v3, $0x3  }
0xaf: {  	v4 =	vmul.u32 $0x18, v57  }
0xb0: {  	v3 =	vand.u32 $0x7, v3  }
0xb1: {  	v3 =	vor.u32 v3, v4  }
0xb2: {  	v4 =	vperm.xlane v3, v0;
	_ =	sdelay $0x1  }
0xb3: {  	v4 =	vadd.s32 v1, v4;
	_ =	sdelay $0x1  }
0xb4: {  	v3 =	vperm.xlane v3, v2;
	_ =	sdelay $0x1  }
0xb5: {  	s29 =	simm.s32 $0xE800;
	v3 =	vadd.s32 v1, v3  }
0xb6: {  	[tilespmem:s29], [sflag:$0x2] =	stream.indirect_vreg.gather [hbm4b:s3+s2], $0x80, v4, vm0, $0xb8;
	[tilespmem:$0x19000] =	vst v63  }
0xb7: {  	s29 =	simm.s32 $0xF000  }
0xb8: {  	[tilespmem:s29], [sflag:$0x2] =	stream.indirect_vreg.gather [hbm4b:s5+s2], $0x80, v4, vm1, $0xb8;
	[tilespmem:$0x19000] =	vst v63  }
0xb9: {  	s29 =	simm.s32 $0xF400  }
0xba: {  	[tilespmem:s29], [sflag:$0x2] =	stream.indirect_vreg.gather [hbm4b:s3+s2], $0x80, v3, vm0, $0xb8;
	[tilespmem:$0x19000] =	vst v63  }
0xbb: {  	s29 =	simm.s32 $0xFC00  }
0xbc: {  	[tilespmem:s29], [sflag:$0x2] =	stream.indirect_vreg.gather [hbm4b:s5+s2], $0x80, v3, vm1, $0xb8;
	[tilespmem:$0x19000] =	vst v63  }
0xbd: {  	v3 =	vld [tilespmem:$0xA0];
	_ =	sdelay $0x4  }
0xbe: {  	v58 =	vshrl.u32 v3, $0x3  }
0xbf: {  	v4 =	vmul.u32 $0x18, v58  }
0xc0: {  	v3 =	vand.u32 $0x7, v3  }
0xc1: {  	v3 =	vor.u32 v3, v4  }
0xc2: {  	v4 =	vperm.xlane v3, v0;
	_ =	sdelay $0x1  }
0xc3: {  	v4 =	vadd.s32 v1, v4;
	_ =	sdelay $0x1  }
0xc4: {  	v3 =	vperm.xlane v3, v2;
	_ =	sdelay $0x1  }
0xc5: {  	s29 =	simm.s32 $0x10000;
	v3 =	vadd.s32 v1, v3  }
0xc6: {  	[tilespmem:s29], [sflag:$0x2] =	stream.indirect_vreg.gather [hbm4b:s3+s2], $0x80, v4, vm0, $0xb8;
	[tilespmem:$0x19000] =	vst v63  }
0xc7: {  	s29 =	simm.s32 $0x10800  }
0xc8: {  	[tilespmem:s29], [sflag:$0x2] =	stream.indirect_vreg.gather [hbm4b:s5+s2], $0x80, v4, vm1, $0xb8;
	[tilespmem:$0x19000] =	vst v63  }
0xc9: {  	s29 =	simm.s32 $0x10C00  }
0xca: {  	[tilespmem:s29], [sflag:$0x2] =	stream.indirect_vreg.gather [hbm4b:s3+s2], $0x80, v3, vm0, $0xb8;
	[tilespmem:$0x19000] =	vst v63  }
0xcb: {  	s29 =	simm.s32 $0x11400  }
0xcc: {  	[tilespmem:s29], [sflag:$0x2] =	stream.indirect_vreg.gather [hbm4b:s5+s2], $0x80, v3, vm1, $0xb8;
	[tilespmem:$0x19000] =	vst v63  }
0xcd: {  	v3 =	vld [tilespmem:$0xB0];
	_ =	sdelay $0x4  }
0xce: {  	v59 =	vshrl.u32 v3, $0x3  }
0xcf: {  	v4 =	vmul.u32 $0x18, v59  }
0xd0: {  	v3 =	vand.u32 $0x7, v3  }
0xd1: {  	v3 =	vor.u32 v3, v4  }
0xd2: {  	v4 =	vperm.xlane v3, v0;
	_ =	sdelay $0x1  }
0xd3: {  	v4 =	vadd.s32 v1, v4;
	_ =	sdelay $0x1  }
0xd4: {  	v3 =	vperm.xlane v3, v2;
	_ =	sdelay $0x1  }
0xd5: {  	s29 =	simm.s32 $0x11800;
	v3 =	vadd.s32 v1, v3  }
0xd6: {  	[tilespmem:s29], [sflag:$0x2] =	stream.indirect_vreg.gather [hbm4b:s3+s2], $0x80, v4, vm0, $0xb8;
	[tilespmem:$0x19000] =	vst v63  }
0xd7: {  	s29 =	simm.s32 $0x12000  }
0xd8: {  	[tilespmem:s29], [sflag:$0x2] =	stream.indirect_vreg.gather [hbm4b:s5+s2], $0x80, v4, vm1, $0xb8;
	[tilespmem:$0x19000] =	vst v63  }
0xd9: {  	_ = 	snop  }
0xda: {  	[tilespmem:s31], [sflag:$0x2] =	stream.indirect_vreg.gather [hbm4b:s3+s2], $0x80, v3, vm0, $0xb8;
	[tilespmem:$0x19000] =	vst v63  }
0xdb: {  	_ = 	snop  }
0xdc: {  	[tilespmem:s1], [sflag:$0x2] =	stream.indirect_vreg.gather [hbm4b:s5+s2], $0x80, v3, vm1, $0xb8;
	[tilespmem:$0x19000] =	vst v63  }
0xdd: {  	v3 =	vld [tilespmem:$0xC0];
	_ =	sdelay $0x4  }
0xde: {  	v60 =	vshrl.u32 v3, $0x3  }
0xdf: {  	v4 =	vmul.u32 $0x18, v60  }
0xe0: {  	v3 =	vand.u32 $0x7, v3  }
0xe1: {  	v3 =	vor.u32 v3, v4  }
0xe2: {  	v4 =	vperm.xlane v3, v0;
	_ =	sdelay $0x1  }
0xe3: {  	v4 =	vadd.s32 v1, v4;
	_ =	sdelay $0x1  }
0xe4: {  	v3 =	vperm.xlane v3, v2;
	_ =	sdelay $0x1  }
0xe5: {  	v3 =	vadd.s32 v1, v3  }
0xe6: {  	[tilespmem:s0], [sflag:$0x2] =	stream.indirect_vreg.gather [hbm4b:s3+s2], $0x80, v4, vm0, $0xb8;
	[tilespmem:$0x19000] =	vst v63  }
0xe7: {  	_ = 	snop  }
0xe8: {  	[tilespmem:s4], [sflag:$0x2] =	stream.indirect_vreg.gather [hbm4b:s5+s2], $0x80, v4, vm1, $0xb8;
	[tilespmem:$0x19000] =	vst v63  }
0xe9: {  	_ = 	snop  }
0xea: {  	[tilespmem:s6], [sflag:$0x2] =	stream.indirect_vreg.gather [hbm4b:s3+s2], $0x80, v3, vm0, $0xb8;
	[tilespmem:$0x19000] =	vst v63  }
0xeb: {  	_ = 	snop  }
0xec: {  	[tilespmem:s10], [sflag:$0x2] =	stream.indirect_vreg.gather [hbm4b:s5+s2], $0x80, v3, vm1, $0xb8;
	[tilespmem:$0x19000] =	vst v63  }
0xed: {  	v3 =	vld [tilespmem:$0xD0];
	_ =	sdelay $0x4  }
0xee: {  	v61 =	vshrl.u32 v3, $0x3  }
0xef: {  	v4 =	vmul.u32 $0x18, v61  }
0xf0: {  	v3 =	vand.u32 $0x7, v3  }
0xf1: {  	v3 =	vor.u32 v3, v4  }
0xf2: {  	v4 =	vperm.xlane v3, v0;
	_ =	sdelay $0x1  }
0xf3: {  	v4 =	vadd.s32 v1, v4;
	_ =	sdelay $0x1  }
0xf4: {  	v3 =	vperm.xlane v3, v2;
	_ =	sdelay $0x1  }
0xf5: {  	v3 =	vadd.s32 v1, v3  }
0xf6: {  	[tilespmem:s11], [sflag:$0x2] =	stream.indirect_vreg.gather [hbm4b:s3+s2], $0x80, v4, vm0, $0xb8;
	[tilespmem:$0x19000] =	vst v63  }
0xf7: {  	_ = 	snop  }
0xf8: {  	[tilespmem:s12], [sflag:$0x2] =	stream.indirect_vreg.gather [hbm4b:s5+s2], $0x80, v4, vm1, $0xb8;
	[tilespmem:$0x19000] =	vst v63  }
0xf9: {  	_ = 	snop  }
0xfa: {  	[tilespmem:s13], [sflag:$0x2] =	stream.indirect_vreg.gather [hbm4b:s3+s2], $0x80, v3, vm0, $0xb8;
	[tilespmem:$0x19000] =	vst v63  }
0xfb: {  	_ = 	snop  }
0xfc: {  	[tilespmem:s14], [sflag:$0x2] =	stream.indirect_vreg.gather [hbm4b:s5+s2], $0x80, v3, vm1, $0xb8;
	[tilespmem:$0x19000] =	vst v63  }
0xfd: {  	v3 =	vld [tilespmem:$0xE0];
	_ =	sdelay $0x4  }
0xfe: {  	v62 =	vshrl.u32 v3, $0x3  }
0xff: {  	v4 =	vmul.u32 $0x18, v62  }
0x100: {  	v3 =	vand.u32 $0x7, v3  }
0x101: {  	v3 =	vor.u32 v3, v4  }
0x102: {  	v4 =	vperm.xlane v3, v0;
	_ =	sdelay $0x1  }
0x103: {  	v4 =	vadd.s32 v1, v4;
	_ =	sdelay $0x1  }
0x104: {  	v3 =	vperm.xlane v3, v2;
	_ =	sdelay $0x1  }
0x105: {  	v3 =	vadd.s32 v1, v3  }
0x106: {  	[tilespmem:s15], [sflag:$0x2] =	stream.indirect_vreg.gather [hbm4b:s3+s2], $0x80, v4, vm0, $0xb8;
	[tilespmem:$0x19000] =	vst v63  }
0x107: {  	_ = 	snop  }
0x108: {  	[tilespmem:s17], [sflag:$0x2] =	stream.indirect_vreg.gather [hbm4b:s5+s2], $0x80, v4, vm1, $0xb8;
	[tilespmem:$0x19000] =	vst v63  }
0x109: {  	_ = 	snop  }
0x10a: {  	[tilespmem:s18], [sflag:$0x2] =	stream.indirect_vreg.gather [hbm4b:s3+s2], $0x80, v3, vm0, $0xb8;
	[tilespmem:$0x19000] =	vst v63  }
0x10b: {  	_ = 	snop  }
0x10c: {  	[tilespmem:s19], [sflag:$0x2] =	stream.indirect_vreg.gather [hbm4b:s5+s2], $0x80, v3, vm1, $0xb8;
	[tilespmem:$0x19000] =	vst v63  }
0x10d: {  	v3 =	vld [tilespmem:$0xF0];
	_ =	sdelay $0x4  }
0x10e: {  	v63 =	vshrl.u32 v3, $0x3  }
0x10f: {  	v4 =	vmul.u32 $0x18, v63  }
0x110: {  	v3 =	vand.u32 $0x7, v3  }
0x111: {  	v3 =	vor.u32 v3, v4  }
0x112: {  	v4 =	vperm.xlane v3, v0;
	_ =	sdelay $0x1  }
0x113: {  	v4 =	vadd.s32 v1, v4;
	_ =	sdelay $0x1  }
0x114: {  	v3 =	vperm.xlane v3, v2;
	_ =	sdelay $0x1  }
0x115: {  	v3 =	vadd.s32 v1, v3  }
0x116: {  	[tilespmem:s20], [sflag:$0x2] =	stream.indirect_vreg.gather [hbm4b:s3+s2], $0x80, v4, vm0, $0xb8;
	[tilespmem:$0x19000] =	vst v63  }
0x117: {  	_ = 	snop  }
0x118: {  	[tilespmem:s21], [sflag:$0x2] =	stream.indirect_vreg.gather [hbm4b:s5+s2], $0x80, v4, vm1, $0xb8;
	[tilespmem:$0x19000] =	vst v63  }
0x119: {  	_ = 	snop  }
0x11a: {  	[tilespmem:s22], [sflag:$0x2] =	stream.indirect_vreg.gather [hbm4b:s3+s2], $0x80, v3, vm0, $0xb8;
	[tilespmem:$0x19000] =	vst v63  }
0x11b: {  	s28 =	simm.s32 $0x0;
	s26 =	simm.s32 $0x1F0  }
0x11c: {  	[tilespmem:s23], [sflag:$0x2] =	stream.indirect_vreg.gather [hbm4b:s5+s2], $0x80, v3, vm1, $0xb8;
	[tilespmem:$0x19000] =	vst v63  }
.LBB2_2:
0x11d: {  	_ =	swait.ge [sflag:s24], $0xC000  }
0x11e: {  	p0 =	seq.s32 s28, $0x2D000;
	[sflag:s24] =	ssyncset.done $0x0  }
.Ltmp2:
0x11f: {  	s29 =	sadd.s32 s28, s7;
	[sflag:s24] =	ssyncadd.s32 $0xFFFF4000;
	(pc) =	sbr.rel @p0 .LBB2_4-.Ltmp2, $4  }
0x120: {  	[hbm4b:s29+s2] =	stream.linear.scatter [tilespmem:s9], [sflag:$0x3], $0xC000, $0x38;
	[tilespmem:$0x19000] =	vst v63  }
0x121: {  	_ =	swait.ge [sflag:s8], $0xC000  }
0x122: {  	[sflag:s8] =	ssyncset.done $0x0  }
0x123: {  	[sflag:s8] =	ssyncadd.s32 $0xFFFF4000  }
0x124: {  	v3 =	vld [tilespmem:s26+$0xFFFFFF10];
	_ =	sdelay $0x4  }
0x125: {  	v4 =	vshrl.u32 v3, $0x3  }
0x126: {  	v4 =	vmul.u32 $0x18, v4  }
0x127: {  	v3 =	vand.u32 $0x7, v3  }
0x128: {  	v3 =	vor.u32 v3, v4  }
0x129: {  	v4 =	vperm.xlane v3, v0;
	_ =	sdelay $0x1  }
0x12a: {  	v4 =	vadd.s32 v1, v4;
	_ =	sdelay $0x1  }
0x12b: {  	v3 =	vperm.xlane v3, v2;
	_ =	sdelay $0x1  }
0x12c: {  	v3 =	vadd.s32 v1, v3  }
0x12d: {  	[tilespmem:s9], [sflag:$0x1] =	stream.indirect_vreg.gather [hbm4b:s3+s2], $0x80, v4, vm0, $0xb8;
	[tilespmem:$0x19000] =	vst v63  }
0x12e: {  	s30 =	simm.s32 $0x1800  }
0x12f: {  	[tilespmem:s30], [sflag:$0x1] =	stream.indirect_vreg.gather [hbm4b:s5+s2], $0x80, v4, vm1, $0xb8;
	[tilespmem:$0x19000] =	vst v63  }
0x130: {  	s30 =	simm.s32 $0x1C00  }
0x131: {  	[tilespmem:s30], [sflag:$0x1] =	stream.indirect_vreg.gather [hbm4b:s3+s2], $0x80, v3, vm0, $0xb8;
	[tilespmem:$0x19000] =	vst v63  }
0x132: {  	s30 =	simm.s32 $0x2400  }
0x133: {  	[tilespmem:s30], [sflag:$0x1] =	stream.indirect_vreg.gather [hbm4b:s5+s2], $0x80, v3, vm1, $0xb8;
	[tilespmem:$0x19000] =	vst v63  }
0x134: {  	v3 =	vld [tilespmem:s26+$0xFFFFFF20];
	_ =	sdelay $0x4  }
0x135: {  	v57 =	vshrl.u32 v3, $0x3  }
0x136: {  	v4 =	vmul.u32 $0x18, v57  }
0x137: {  	v3 =	vand.u32 $0x7, v3  }
0x138: {  	v3 =	vor.u32 v3, v4  }
0x139: {  	v4 =	vperm.xlane v3, v0;
	_ =	sdelay $0x1  }
0x13a: {  	v4 =	vadd.s32 v1, v4;
	_ =	sdelay $0x1  }
0x13b: {  	v3 =	vperm.xlane v3, v2;
	_ =	sdelay $0x1  }
0x13c: {  	s30 =	simm.s32 $0x2800;
	v3 =	vadd.s32 v1, v3  }
0x13d: {  	[tilespmem:s30], [sflag:$0x1] =	stream.indirect_vreg.gather [hbm4b:s3+s2], $0x80, v4, vm0, $0xb8;
	[tilespmem:$0x19000] =	vst v63  }
0x13e: {  	s30 =	simm.s32 $0x3000  }
0x13f: {  	[tilespmem:s30], [sflag:$0x1] =	stream.indirect_vreg.gather [hbm4b:s5+s2], $0x80, v4, vm1, $0xb8;
	[tilespmem:$0x19000] =	vst v63  }
0x140: {  	s30 =	simm.s32 $0x3400  }
0x141: {  	[tilespmem:s30], [sflag:$0x1] =	stream.indirect_vreg.gather [hbm4b:s3+s2], $0x80, v3, vm0, $0xb8;
	[tilespmem:$0x19000] =	vst v63  }
0x142: {  	s30 =	simm.s32 $0x3C00  }
0x143: {  	[tilespmem:s30], [sflag:$0x1] =	stream.indirect_vreg.gather [hbm4b:s5+s2], $0x80, v3, vm1, $0xb8;
	[tilespmem:$0x19000] =	vst v63  }
0x144: {  	v3 =	vld [tilespmem:s26+$0xFFFFFF30];
	_ =	sdelay $0x4  }
0x145: {  	v58 =	vshrl.u32 v3, $0x3  }
0x146: {  	v4 =	vmul.u32 $0x18, v58  }
0x147: {  	v3 =	vand.u32 $0x7, v3  }
0x148: {  	v3 =	vor.u32 v3, v4  }
0x149: {  	v4 =	vperm.xlane v3, v0;
	_ =	sdelay $0x1  }
0x14a: {  	v4 =	vadd.s32 v1, v4;
	_ =	sdelay $0x1  }
0x14b: {  	v3 =	vperm.xlane v3, v2;
	_ =	sdelay $0x1  }
0x14c: {  	s30 =	simm.s32 $0x4000;
	v3 =	vadd.s32 v1, v3  }
0x14d: {  	[tilespmem:s30], [sflag:$0x1] =	stream.indirect_vreg.gather [hbm4b:s3+s2], $0x80, v4, vm0, $0xb8;
	[tilespmem:$0x19000] =	vst v63  }
0x14e: {  	s30 =	simm.s32 $0x4800  }
0x14f: {  	[tilespmem:s30], [sflag:$0x1] =	stream.indirect_vreg.gather [hbm4b:s5+s2], $0x80, v4, vm1, $0xb8;
	[tilespmem:$0x19000] =	vst v63  }
0x150: {  	s30 =	simm.s32 $0x4C00  }
0x151: {  	[tilespmem:s30], [sflag:$0x1] =	stream.indirect_vreg.gather [hbm4b:s3+s2], $0x80, v3, vm0, $0xb8;
	[tilespmem:$0x19000] =	vst v63  }
0x152: {  	s30 =	simm.s32 $0x5400  }
0x153: {  	[tilespmem:s30], [sflag:$0x1] =	stream.indirect_vreg.gather [hbm4b:s5+s2], $0x80, v3, vm1, $0xb8;
	[tilespmem:$0x19000] =	vst v63  }
0x154: {  	v3 =	vld [tilespmem:s26+$0xFFFFFF40];
	_ =	sdelay $0x4  }
0x155: {  	v59 =	vshrl.u32 v3, $0x3  }
0x156: {  	v4 =	vmul.u32 $0x18, v59  }
0x157: {  	v3 =	vand.u32 $0x7, v3  }
0x158: {  	v3 =	vor.u32 v3, v4  }
0x159: {  	v4 =	vperm.xlane v3, v0;
	_ =	sdelay $0x1  }
0x15a: {  	v4 =	vadd.s32 v1, v4;
	_ =	sdelay $0x1  }
0x15b: {  	v3 =	vperm.xlane v3, v2;
	_ =	sdelay $0x1  }
0x15c: {  	s30 =	simm.s32 $0x5800;
	v3 =	vadd.s32 v1, v3  }
0x15d: {  	[tilespmem:s30], [sflag:$0x1] =	stream.indirect_vreg.gather [hbm4b:s3+s2], $0x80, v4, vm0, $0xb8;
	[tilespmem:$0x19000] =	vst v63  }
0x15e: {  	s30 =	simm.s32 $0x6000  }
0x15f: {  	[tilespmem:s30], [sflag:$0x1] =	stream.indirect_vreg.gather [hbm4b:s5+s2], $0x80, v4, vm1, $0xb8;
	[tilespmem:$0x19000] =	vst v63  }
0x160: {  	s30 =	simm.s32 $0x6400  }
0x161: {  	[tilespmem:s30], [sflag:$0x1] =	stream.indirect_vreg.gather [hbm4b:s3+s2], $0x80, v3, vm0, $0xb8;
	[tilespmem:$0x19000] =	vst v63  }
0x162: {  	s30 =	simm.s32 $0x6C00  }
0x163: {  	[tilespmem:s30], [sflag:$0x1] =	stream.indirect_vreg.gather [hbm4b:s5+s2], $0x80, v3, vm1, $0xb8;
	[tilespmem:$0x19000] =	vst v63  }
0x164: {  	v3 =	vld [tilespmem:s26+$0xFFFFFF50];
	_ =	sdelay $0x4  }
0x165: {  	v60 =	vshrl.u32 v3, $0x3  }
0x166: {  	v4 =	vmul.u32 $0x18, v60  }
0x167: {  	v3 =	vand.u32 $0x7, v3  }
0x168: {  	v3 =	vor.u32 v3, v4  }
0x169: {  	v4 =	vperm.xlane v3, v0;
	_ =	sdelay $0x1  }
0x16a: {  	v4 =	vadd.s32 v1, v4;
	_ =	sdelay $0x1  }
0x16b: {  	v3 =	vperm.xlane v3, v2;
	_ =	sdelay $0x1  }
0x16c: {  	s30 =	simm.s32 $0x7000;
	v3 =	vadd.s32 v1, v3  }
0x16d: {  	[tilespmem:s30], [sflag:$0x1] =	stream.indirect_vreg.gather [hbm4b:s3+s2], $0x80, v4, vm0, $0xb8;
	[tilespmem:$0x19000] =	vst v63  }
0x16e: {  	s30 =	simm.s32 $0x7800  }
0x16f: {  	[tilespmem:s30], [sflag:$0x1] =	stream.indirect_vreg.gather [hbm4b:s5+s2], $0x80, v4, vm1, $0xb8;
	[tilespmem:$0x19000] =	vst v63  }
0x170: {  	s30 =	simm.s32 $0x7C00  }
0x171: {  	[tilespmem:s30], [sflag:$0x1] =	stream.indirect_vreg.gather [hbm4b:s3+s2], $0x80, v3, vm0, $0xb8;
	[tilespmem:$0x19000] =	vst v63  }
0x172: {  	s30 =	simm.s32 $0x8400  }
0x173: {  	[tilespmem:s30], [sflag:$0x1] =	stream.indirect_vreg.gather [hbm4b:s5+s2], $0x80, v3, vm1, $0xb8;
	[tilespmem:$0x19000] =	vst v63  }
0x174: {  	v3 =	vld [tilespmem:s26+$0xFFFFFF60];
	_ =	sdelay $0x4  }
0x175: {  	v61 =	vshrl.u32 v3, $0x3  }
0x176: {  	v4 =	vmul.u32 $0x18, v61  }
0x177: {  	v3 =	vand.u32 $0x7, v3  }
0x178: {  	v3 =	vor.u32 v3, v4  }
0x179: {  	v4 =	vperm.xlane v3, v0;
	_ =	sdelay $0x1  }
0x17a: {  	v4 =	vadd.s32 v1, v4;
	_ =	sdelay $0x1  }
0x17b: {  	v3 =	vperm.xlane v3, v2;
	_ =	sdelay $0x1  }
0x17c: {  	s30 =	simm.s32 $0x8800;
	v3 =	vadd.s32 v1, v3  }
0x17d: {  	[tilespmem:s30], [sflag:$0x1] =	stream.indirect_vreg.gather [hbm4b:s3+s2], $0x80, v4, vm0, $0xb8;
	[tilespmem:$0x19000] =	vst v63  }
0x17e: {  	s30 =	simm.s32 $0x9000  }
0x17f: {  	[tilespmem:s30], [sflag:$0x1] =	stream.indirect_vreg.gather [hbm4b:s5+s2], $0x80, v4, vm1, $0xb8;
	[tilespmem:$0x19000] =	vst v63  }
0x180: {  	s30 =	simm.s32 $0x9400  }
0x181: {  	[tilespmem:s30], [sflag:$0x1] =	stream.indirect_vreg.gather [hbm4b:s3+s2], $0x80, v3, vm0, $0xb8;
	[tilespmem:$0x19000] =	vst v63  }
0x182: {  	s30 =	simm.s32 $0x9C00  }
0x183: {  	[tilespmem:s30], [sflag:$0x1] =	stream.indirect_vreg.gather [hbm4b:s5+s2], $0x80, v3, vm1, $0xb8;
	[tilespmem:$0x19000] =	vst v63  }
0x184: {  	v3 =	vld [tilespmem:s26+$0xFFFFFF70];
	_ =	sdelay $0x4  }
0x185: {  	v62 =	vshrl.u32 v3, $0x3  }
0x186: {  	v4 =	vmul.u32 $0x18, v62  }
0x187: {  	v3 =	vand.u32 $0x7, v3  }
0x188: {  	v3 =	vor.u32 v3, v4  }
0x189: {  	v4 =	vperm.xlane v3, v0;
	_ =	sdelay $0x1  }
0x18a: {  	v4 =	vadd.s32 v1, v4;
	_ =	sdelay $0x1  }
0x18b: {  	v3 =	vperm.xlane v3, v2;
	_ =	sdelay $0x1  }
0x18c: {  	s30 =	simm.s32 $0xA000;
	v3 =	vadd.s32 v1, v3  }
0x18d: {  	[tilespmem:s30], [sflag:$0x1] =	stream.indirect_vreg.gather [hbm4b:s3+s2], $0x80, v4, vm0, $0xb8;
	[tilespmem:$0x19000] =	vst v63  }
0x18e: {  	s30 =	simm.s32 $0xA800  }
0x18f: {  	[tilespmem:s30], [sflag:$0x1] =	stream.indirect_vreg.gather [hbm4b:s5+s2], $0x80, v4, vm1, $0xb8;
	[tilespmem:$0x19000] =	vst v63  }
0x190: {  	s30 =	simm.s32 $0xAC00  }
0x191: {  	[tilespmem:s30], [sflag:$0x1] =	stream.indirect_vreg.gather [hbm4b:s3+s2], $0x80, v3, vm0, $0xb8;
	[tilespmem:$0x19000] =	vst v63  }
0x192: {  	s30 =	simm.s32 $0xB400  }
0x193: {  	[tilespmem:s30], [sflag:$0x1] =	stream.indirect_vreg.gather [hbm4b:s5+s2], $0x80, v3, vm1, $0xb8;
	[tilespmem:$0x19000] =	vst v63  }
0x194: {  	v3 =	vld [tilespmem:s26+$0xFFFFFF80];
	_ =	sdelay $0x4  }
0x195: {  	v63 =	vshrl.u32 v3, $0x3  }
0x196: {  	v4 =	vmul.u32 $0x18, v63  }
0x197: {  	v3 =	vand.u32 $0x7, v3  }
0x198: {  	v3 =	vor.u32 v3, v4  }
0x199: {  	v4 =	vperm.xlane v3, v0;
	_ =	sdelay $0x1  }
0x19a: {  	v4 =	vadd.s32 v1, v4;
	_ =	sdelay $0x1  }
0x19b: {  	v3 =	vperm.xlane v3, v2;
	_ =	sdelay $0x1  }
0x19c: {  	s30 =	simm.s32 $0xB800;
	v3 =	vadd.s32 v1, v3  }
0x19d: {  	[tilespmem:s30], [sflag:$0x1] =	stream.indirect_vreg.gather [hbm4b:s3+s2], $0x80, v4, vm0, $0xb8;
	[tilespmem:$0x19000] =	vst v63  }
0x19e: {  	s30 =	simm.s32 $0xC000  }
0x19f: {  	[tilespmem:s30], [sflag:$0x1] =	stream.indirect_vreg.gather [hbm4b:s5+s2], $0x80, v4, vm1, $0xb8;
	[tilespmem:$0x19000] =	vst v63  }
0x1a0: {  	s30 =	simm.s32 $0xC400  }
0x1a1: {  	[tilespmem:s30], [sflag:$0x1] =	stream.indirect_vreg.gather [hbm4b:s3+s2], $0x80, v3, vm0, $0xb8;
	[tilespmem:$0x19000] =	vst v63  }
0x1a2: {  	s30 =	simm.s32 $0xCC00  }
0x1a3: {  	[tilespmem:s30], [sflag:$0x1] =	stream.indirect_vreg.gather [hbm4b:s5+s2], $0x80, v3, vm1, $0xb8;
	[tilespmem:$0x19000] =	vst v63  }
0x1a4: {  	s30 =	simm.s32 $0xD800  }
.LBB2_4:
0x1a5: {  	_ =	swait.ge [sflag:s25], $0xC000  }
0x1a6: {  	[sflag:s25] =	ssyncset.done $0x0  }
.Ltmp3:
0x1a7: {  	s29 =	sadd.s32 $0x1800, s29;
	[sflag:s25] =	ssyncadd.s32 $0xFFFF4000;
	(pc) =	sbr.rel @p0 .LBB2_6-.Ltmp3, $4  }
0x1a8: {  	[hbm4b:s29+s2] =	stream.linear.scatter [tilespmem:s16], [sflag:$0x3], $0xC000, $0x38;
	[tilespmem:$0x19000] =	vst v63  }
0x1a9: {  	_ =	swait.ge [sflag:s8], $0xC000  }
0x1aa: {  	[sflag:s8] =	ssyncset.done $0x0  }
0x1ab: {  	[sflag:s8] =	ssyncadd.s32 $0xFFFF4000  }
0x1ac: {  	v3 =	vld [tilespmem:s26+$0xFFFFFF90];
	_ =	sdelay $0x4  }
0x1ad: {  	v4 =	vshrl.u32 v3, $0x3  }
0x1ae: {  	v4 =	vmul.u32 $0x18, v4  }
0x1af: {  	v3 =	vand.u32 $0x7, v3  }
0x1b0: {  	v3 =	vor.u32 v3, v4  }
0x1b1: {  	v4 =	vperm.xlane v3, v0;
	_ =	sdelay $0x1  }
0x1b2: {  	v4 =	vadd.s32 v1, v4;
	_ =	sdelay $0x1  }
0x1b3: {  	v3 =	vperm.xlane v3, v2;
	_ =	sdelay $0x1  }
0x1b4: {  	v3 =	vadd.s32 v1, v3  }
0x1b5: {  	[tilespmem:s16], [sflag:$0x2] =	stream.indirect_vreg.gather [hbm4b:s3+s2], $0x80, v4, vm0, $0xb8;
	[tilespmem:$0x19000] =	vst v63  }
0x1b6: {  	_ = 	snop  }
0x1b7: {  	[tilespmem:s30], [sflag:$0x2] =	stream.indirect_vreg.gather [hbm4b:s5+s2], $0x80, v4, vm1, $0xb8;
	[tilespmem:$0x19000] =	vst v63  }
0x1b8: {  	s29 =	simm.s32 $0xDC00  }
0x1b9: {  	[tilespmem:s29], [sflag:$0x2] =	stream.indirect_vreg.gather [hbm4b:s3+s2], $0x80, v3, vm0, $0xb8;
	[tilespmem:$0x19000] =	vst v63  }
0x1ba: {  	s29 =	simm.s32 $0xE400  }
0x1bb: {  	[tilespmem:s29], [sflag:$0x2] =	stream.indirect_vreg.gather [hbm4b:s5+s2], $0x80, v3, vm1, $0xb8;
	[tilespmem:$0x19000] =	vst v63  }
0x1bc: {  	v3 =	vld [tilespmem:s26+$0xFFFFFFA0];
	_ =	sdelay $0x4  }
0x1bd: {  	v57 =	vshrl.u32 v3, $0x3  }
0x1be: {  	v4 =	vmul.u32 $0x18, v57  }
0x1bf: {  	v3 =	vand.u32 $0x7, v3  }
0x1c0: {  	v3 =	vor.u32 v3, v4  }
0x1c1: {  	v4 =	vperm.xlane v3, v0;
	_ =	sdelay $0x1  }
0x1c2: {  	v4 =	vadd.s32 v1, v4;
	_ =	sdelay $0x1  }
0x1c3: {  	v3 =	vperm.xlane v3, v2;
	_ =	sdelay $0x1  }
0x1c4: {  	s29 =	simm.s32 $0xE800;
	v3 =	vadd.s32 v1, v3  }
0x1c5: {  	[tilespmem:s29], [sflag:$0x2] =	stream.indirect_vreg.gather [hbm4b:s3+s2], $0x80, v4, vm0, $0xb8;
	[tilespmem:$0x19000] =	vst v63  }
0x1c6: {  	s29 =	simm.s32 $0xF000  }
0x1c7: {  	[tilespmem:s29], [sflag:$0x2] =	stream.indirect_vreg.gather [hbm4b:s5+s2], $0x80, v4, vm1, $0xb8;
	[tilespmem:$0x19000] =	vst v63  }
0x1c8: {  	s29 =	simm.s32 $0xF400  }
0x1c9: {  	[tilespmem:s29], [sflag:$0x2] =	stream.indirect_vreg.gather [hbm4b:s3+s2], $0x80, v3, vm0, $0xb8;
	[tilespmem:$0x19000] =	vst v63  }
0x1ca: {  	s29 =	simm.s32 $0xFC00  }
0x1cb: {  	[tilespmem:s29], [sflag:$0x2] =	stream.indirect_vreg.gather [hbm4b:s5+s2], $0x80, v3, vm1, $0xb8;
	[tilespmem:$0x19000] =	vst v63  }
0x1cc: {  	v3 =	vld [tilespmem:s26+$0xFFFFFFB0];
	_ =	sdelay $0x4  }
0x1cd: {  	v58 =	vshrl.u32 v3, $0x3  }
0x1ce: {  	v4 =	vmul.u32 $0x18, v58  }
0x1cf: {  	v3 =	vand.u32 $0x7, v3  }
0x1d0: {  	v3 =	vor.u32 v3, v4  }
0x1d1: {  	v4 =	vperm.xlane v3, v0;
	_ =	sdelay $0x1  }
0x1d2: {  	v4 =	vadd.s32 v1, v4;
	_ =	sdelay $0x1  }
0x1d3: {  	v3 =	vperm.xlane v3, v2;
	_ =	sdelay $0x1  }
0x1d4: {  	s29 =	simm.s32 $0x10000;
	v3 =	vadd.s32 v1, v3  }
0x1d5: {  	[tilespmem:s29], [sflag:$0x2] =	stream.indirect_vreg.gather [hbm4b:s3+s2], $0x80, v4, vm0, $0xb8;
	[tilespmem:$0x19000] =	vst v63  }
0x1d6: {  	s29 =	simm.s32 $0x10800  }
0x1d7: {  	[tilespmem:s29], [sflag:$0x2] =	stream.indirect_vreg.gather [hbm4b:s5+s2], $0x80, v4, vm1, $0xb8;
	[tilespmem:$0x19000] =	vst v63  }
0x1d8: {  	s29 =	simm.s32 $0x10C00  }
0x1d9: {  	[tilespmem:s29], [sflag:$0x2] =	stream.indirect_vreg.gather [hbm4b:s3+s2], $0x80, v3, vm0, $0xb8;
	[tilespmem:$0x19000] =	vst v63  }
0x1da: {  	s29 =	simm.s32 $0x11400  }
0x1db: {  	[tilespmem:s29], [sflag:$0x2] =	stream.indirect_vreg.gather [hbm4b:s5+s2], $0x80, v3, vm1, $0xb8;
	[tilespmem:$0x19000] =	vst v63  }
0x1dc: {  	v3 =	vld [tilespmem:s26+$0xFFFFFFC0];
	_ =	sdelay $0x4  }
0x1dd: {  	v59 =	vshrl.u32 v3, $0x3  }
0x1de: {  	v4 =	vmul.u32 $0x18, v59  }
0x1df: {  	v3 =	vand.u32 $0x7, v3  }
0x1e0: {  	v3 =	vor.u32 v3, v4  }
0x1e1: {  	v4 =	vperm.xlane v3, v0;
	_ =	sdelay $0x1  }
0x1e2: {  	v4 =	vadd.s32 v1, v4;
	_ =	sdelay $0x1  }
0x1e3: {  	v3 =	vperm.xlane v3, v2;
	_ =	sdelay $0x1  }
0x1e4: {  	s29 =	simm.s32 $0x11800;
	v3 =	vadd.s32 v1, v3  }
0x1e5: {  	[tilespmem:s29], [sflag:$0x2] =	stream.indirect_vreg.gather [hbm4b:s3+s2], $0x80, v4, vm0, $0xb8;
	[tilespmem:$0x19000] =	vst v63  }
0x1e6: {  	s29 =	simm.s32 $0x12000  }
0x1e7: {  	[tilespmem:s29], [sflag:$0x2] =	stream.indirect_vreg.gather [hbm4b:s5+s2], $0x80, v4, vm1, $0xb8;
	[tilespmem:$0x19000] =	vst v63  }
0x1e8: {  	_ = 	snop  }
0x1e9: {  	[tilespmem:s31], [sflag:$0x2] =	stream.indirect_vreg.gather [hbm4b:s3+s2], $0x80, v3, vm0, $0xb8;
	[tilespmem:$0x19000] =	vst v63  }
0x1ea: {  	_ = 	snop  }
0x1eb: {  	[tilespmem:s1], [sflag:$0x2] =	stream.indirect_vreg.gather [hbm4b:s5+s2], $0x80, v3, vm1, $0xb8;
	[tilespmem:$0x19000] =	vst v63  }
0x1ec: {  	v3 =	vld [tilespmem:s26+$0xFFFFFFD0];
	_ =	sdelay $0x4  }
0x1ed: {  	v60 =	vshrl.u32 v3, $0x3  }
0x1ee: {  	v4 =	vmul.u32 $0x18, v60  }
0x1ef: {  	v3 =	vand.u32 $0x7, v3  }
0x1f0: {  	v3 =	vor.u32 v3, v4  }
0x1f1: {  	v4 =	vperm.xlane v3, v0;
	_ =	sdelay $0x1  }
0x1f2: {  	v4 =	vadd.s32 v1, v4;
	_ =	sdelay $0x1  }
0x1f3: {  	v3 =	vperm.xlane v3, v2;
	_ =	sdelay $0x1  }
0x1f4: {  	v3 =	vadd.s32 v1, v3  }
0x1f5: {  	[tilespmem:s0], [sflag:$0x2] =	stream.indirect_vreg.gather [hbm4b:s3+s2], $0x80, v4, vm0, $0xb8;
	[tilespmem:$0x19000] =	vst v63  }
0x1f6: {  	_ = 	snop  }
0x1f7: {  	[tilespmem:s4], [sflag:$0x2] =	stream.indirect_vreg.gather [hbm4b:s5+s2], $0x80, v4, vm1, $0xb8;
	[tilespmem:$0x19000] =	vst v63  }
0x1f8: {  	_ = 	snop  }
0x1f9: {  	[tilespmem:s6], [sflag:$0x2] =	stream.indirect_vreg.gather [hbm4b:s3+s2], $0x80, v3, vm0, $0xb8;
	[tilespmem:$0x19000] =	vst v63  }
0x1fa: {  	_ = 	snop  }
0x1fb: {  	[tilespmem:s10], [sflag:$0x2] =	stream.indirect_vreg.gather [hbm4b:s5+s2], $0x80, v3, vm1, $0xb8;
	[tilespmem:$0x19000] =	vst v63  }
0x1fc: {  	v3 =	vld [tilespmem:s26+$0xFFFFFFE0];
	_ =	sdelay $0x4  }
0x1fd: {  	v61 =	vshrl.u32 v3, $0x3  }
0x1fe: {  	v4 =	vmul.u32 $0x18, v61  }
0x1ff: {  	v3 =	vand.u32 $0x7, v3  }
0x200: {  	v3 =	vor.u32 v3, v4  }
0x201: {  	v4 =	vperm.xlane v3, v0;
	_ =	sdelay $0x1  }
0x202: {  	v4 =	vadd.s32 v1, v4;
	_ =	sdelay $0x1  }
0x203: {  	v3 =	vperm.xlane v3, v2;
	_ =	sdelay $0x1  }
0x204: {  	v3 =	vadd.s32 v1, v3  }
0x205: {  	[tilespmem:s11], [sflag:$0x2] =	stream.indirect_vreg.gather [hbm4b:s3+s2], $0x80, v4, vm0, $0xb8;
	[tilespmem:$0x19000] =	vst v63  }
0x206: {  	_ = 	snop  }
0x207: {  	[tilespmem:s12], [sflag:$0x2] =	stream.indirect_vreg.gather [hbm4b:s5+s2], $0x80, v4, vm1, $0xb8;
	[tilespmem:$0x19000] =	vst v63  }
0x208: {  	_ = 	snop  }
0x209: {  	[tilespmem:s13], [sflag:$0x2] =	stream.indirect_vreg.gather [hbm4b:s3+s2], $0x80, v3, vm0, $0xb8;
	[tilespmem:$0x19000] =	vst v63  }
0x20a: {  	_ = 	snop  }
0x20b: {  	[tilespmem:s14], [sflag:$0x2] =	stream.indirect_vreg.gather [hbm4b:s5+s2], $0x80, v3, vm1, $0xb8;
	[tilespmem:$0x19000] =	vst v63  }
0x20c: {  	v3 =	vld [tilespmem:s26+$0xFFFFFFF0];
	_ =	sdelay $0x4  }
0x20d: {  	v62 =	vshrl.u32 v3, $0x3  }
0x20e: {  	v4 =	vmul.u32 $0x18, v62  }
0x20f: {  	v3 =	vand.u32 $0x7, v3  }
0x210: {  	v3 =	vor.u32 v3, v4  }
0x211: {  	v4 =	vperm.xlane v3, v0;
	_ =	sdelay $0x1  }
0x212: {  	v4 =	vadd.s32 v1, v4;
	_ =	sdelay $0x1  }
0x213: {  	v3 =	vperm.xlane v3, v2;
	_ =	sdelay $0x1  }
0x214: {  	v3 =	vadd.s32 v1, v3  }
0x215: {  	[tilespmem:s15], [sflag:$0x2] =	stream.indirect_vreg.gather [hbm4b:s3+s2], $0x80, v4, vm0, $0xb8;
	[tilespmem:$0x19000] =	vst v63  }
0x216: {  	_ = 	snop  }
0x217: {  	[tilespmem:s17], [sflag:$0x2] =	stream.indirect_vreg.gather [hbm4b:s5+s2], $0x80, v4, vm1, $0xb8;
	[tilespmem:$0x19000] =	vst v63  }
0x218: {  	_ = 	snop  }
0x219: {  	[tilespmem:s18], [sflag:$0x2] =	stream.indirect_vreg.gather [hbm4b:s3+s2], $0x80, v3, vm0, $0xb8;
	[tilespmem:$0x19000] =	vst v63  }
0x21a: {  	_ = 	snop  }
0x21b: {  	[tilespmem:s19], [sflag:$0x2] =	stream.indirect_vreg.gather [hbm4b:s5+s2], $0x80, v3, vm1, $0xb8;
	[tilespmem:$0x19000] =	vst v63  }
0x21c: {  	v3 =	vld [tilespmem:s26+$0x0];
	_ =	sdelay $0x4  }
0x21d: {  	v63 =	vshrl.u32 v3, $0x3  }
0x21e: {  	v4 =	vmul.u32 $0x18, v63  }
0x21f: {  	v3 =	vand.u32 $0x7, v3  }
0x220: {  	v3 =	vor.u32 v3, v4  }
0x221: {  	v4 =	vperm.xlane v3, v0;
	_ =	sdelay $0x1  }
0x222: {  	v4 =	vadd.s32 v1, v4;
	_ =	sdelay $0x2  }
0x223: {  	v3 =	vperm.xlane v3, v2;
	_ =	sdelay $0x1  }
0x224: {  	v3 =	vadd.s32 v1, v3;
	[tilespmem:s20], [sflag:$0x2] =	stream.indirect_vreg.gather [hbm4b:s3+s2], $0x80, v4, vm0, $0xb8;
	[tilespmem:$0x19000] =	vst v63  }
0x225: {  	_ = 	snop  }
0x226: {  	[tilespmem:s21], [sflag:$0x2] =	stream.indirect_vreg.gather [hbm4b:s5+s2], $0x80, v4, vm1, $0xb8;
	[tilespmem:$0x19000] =	vst v63  }
.Ltmp4:
0x227: {  	_ = 	snop;
	(pc) =	sbr.rel .LBB2_2-.Ltmp4, $4  }
0x228: {  	_ = 	snop  }
0x229: {  	[tilespmem:s22], [sflag:$0x2] =	stream.indirect_vreg.gather [hbm4b:s3+s2], $0x80, v3, vm0, $0xb8;
	[tilespmem:$0x19000] =	vst v63  }
0x22a: {  	s28 =	sadd.s32 $0x3000, s28;
	s26 =	sadd.s32 $0x100, s26  }
0x22b: {  	[tilespmem:s23], [sflag:$0x2] =	stream.indirect_vreg.gather [hbm4b:s5+s2], $0x80, v3, vm1, $0xb8;
	[tilespmem:$0x19000] =	vst v63  }
.LBB2_7:
0x22c: {  	_ =	sfence.sel $0x180000  }
0x22d: {  	[bflag:$0x0] =	sbarrier.arrive $0xFFFF  }
0x22e: {  	_ =	strace $0x9000004A  }
0x22f: {  	s0 =	stileid.u32;
	[bflag:$0x2] =	sbarrier.arrive $0xFFFF  }
0x230: {  	p0 =	sne.s32 s0, $0x0;
	s0 =	rddreg [dreg:$0x1]  }
0x231: {  	s0 =	sadd.s32 @!p0 $0x100000, s0  }
0x232: {  	[sflag:s0] =	ssyncadd.tile.s32 @!p0 $0x1;
	_ =	shalt  }
.Lfunc_end2:
_tile_overlayer_lowered:
.L_overlay_start_2:
0x233: {  	(tag) =	ssettag $0x2  }
0x234: {  	s0 =	rddreg [dreg:$0x0];
	s2 =	stileid.u32  }
0x235: {  	s1 =	rddreg [dreg:$0x1];
	p0 =	sne.s32 s2, $0x0  }
0x236: {  	s3 =	rddreg [dreg:$0x2];
	[bflag:$0x3] =	sbarrier.arrive $0xFFFF;
	s2 =	simm.s32 @!p0 $0x1C03  }
0x237: {  	[timem:s3], [sflag:s2] =	dma.local @!p0 [hbm:s0], s1  }
0x238: {  	s0 =	simm.s32 @!p0 $0x3  }
0x239: {  	_ =	swait.ge @!p0 [sflag:s0], s1  }
0x23a: {  	s1 =	ssub.s32 @!p0 $0x0, s1;
	[sflag:s0] =	ssyncset.done @!p0 $0x0  }
0x23b: {  	[sflag:s0] =	ssyncadd.s32 @!p0 s1  }
0x23c: {  	[bflag:$0x3] =	sbarrier.arrive $0xFFFF  }
0x23d: {  	_ =	shalt  }

// kernel: kernel.8.cloned.1.call-start
scs
__scs_entry_jumppad:
0x0: {  	(pc) =	sbr.rel $0x88, $3  }
0x1: {  	(tag) =	ssettag $0x0;
	lr =	simm.s32 $0x1  }
0x2: {  	[smem:$0x3F89] =	sst lr;
	_ =	strace $0xD0000000  }
0x3: {  	_ = 	snop  }
0x4: {  	_ = 	snop  }
0x5: {  	_ = 	snop  }
0x6: {  	_ = 	snop  }
0x7: {  	_ = 	snop  }
__scs_overlays_trampoline_lowered:
0x8: {  	[smem:$0x3F98] =	sst s0  }
0x9: {  	[smem:$0x3F99] =	sst s1  }
0xa: {  	[smem:$0x3F9A] =	sst s2  }
0xb: {  	[smem:$0x3F9B] =	sst s3  }
0xc: {  	[smem:$0x3F9C] =	sst s4  }
0xd: {  	[smem:$0x3F9D] =	sst s5  }
0xe: {  	[smem:$0x3F9E] =	sst s6  }
0xf: {  	[smem:$0x3F9F] =	sst s7  }
0x10: {  	[smem:$0x3FA0] =	sst s8  }
0x11: {  	[smem:$0x3FA1] =	sst s9;
	s0 =	simm.s32 @!p0 $0x0  }
0x12: {  	s1 =	sld [smem:$0x3F87];
	s0 =	simm.s32 @p0 $0x1  }
0x13: {  	[smem:$0x3FA2] =	sst s0;
	s0 =	simm.s32 @!p1 $0x0  }
0x14: {  	s2 =	sld [smem:$0x3F86];
	s0 =	simm.s32 @p1 $0x1  }
0x15: {  	[smem:$0x3FA3] =	sst s0;
	s0 =	simm.s32 @!p2 $0x0  }
0x16: {  	s3 =	sld [smem:$0x3FDB];
	s0 =	simm.s32 @p2 $0x1  }
0x17: {  	s4 =	simm.s32 $0x1BF5;
	[smem:$0x3FA5] =	sst s0  }
0x18: {  	s0 =	sld [smem:$0x3F88];
	_ =	swait.ge [sflag:s4], $0x0  }
0x19: {  	s7 =	sld [smem:$0x3F89]  }
0x1a: {  	s8 =	sadd.s32 $0xFFFFE003, lr  }
0x1b: {  	s9 =	sadd.s32 $0xFFFFFEF7, lr;
	s5 =	simm.s32 $0xFFFFFFFF;
	p2 =	slt.u32 s8, $0xFFFFF086  }
0x1c: {  	p1 =	slt.u32 s9, $0xF7A;
	s5 =	simm.s32 @!p2 $0x0  }
0x1d: {  	s5 =	simm.s32 @p1 $0x1;
	p0 =	seq.s32 s7, s2  }
0x1e: {  	s7 =	smul.u32 @!p0 $0xF7A, s2;
	p2 =	seq.s32 @!p0 s5, $0x0  }
0x1f: {  	s9 =	smul.u32 $0xF7A, s1;
	s8 =	simm.s32 @!p0 $0x1BF5;
	p2 =	por !p2, p0  }
0x20: {  	[sflag:s8] =	ssyncset.s32 @!p0 $0xFFFFF086;
	s6 =	sadd.s32 @!p0 s3, s7;
	s7 =	simm.s32 @!p0 $0x108  }
0x21: {  	s3 =	sadd.s32 s3, s9;
	s6 =	sadd.s32 @!p0 $0x88, s6;
	s7 =	simm.s32 @p2 $0x1082  }
0x22: {  	[simem:s7], [sflag:s8] =	dma.local @!p0 [hbm:s6], $0xF7A  }
0x23: {  	s9 =	sor.u32 $0xD0000000, s2;
	s6 =	simm.s32 $0x108;
	_ =	swait.ge @!p0 [sflag:s8], $0x0  }
0x24: {  	s3 =	sadd.s32 $0x88, s3;
	s6 =	simm.s32 @!p1 $0x1082;
	[sflag:s4] =	ssyncset.s32 $0xFFFFF086  }
0x25: {  	[simem:s6], [sflag:s4] =	dma.local [hbm:s3], $0xF7A  }
0x26: {  	[smem:$0x3F89] =	sst s1;
	(tag) =	ssettag s2;
	_ =	strace s9  }
0x27: {  	s1 =	sld [smem:$0x3F99]  }
0x28: {  	s2 =	sld [smem:$0x3F9A]  }
0x29: {  	s4 =	sld [smem:$0x3F9C]  }
0x2a: {  	p0 =	seq.s32 s5, $0x0;
	s5 =	sld [smem:$0x3F9D]  }
0x2b: {  	s6 =	sld [smem:$0x3F9E]  }
0x2c: {  	s7 =	sld [smem:$0x3F9F]  }
0x2d: {  	s3 =	simm.s32 $0x108;
	s8 =	sld [smem:$0x3FA0]  }
0x2e: {  	s3 =	simm.s32 @!p0 $0x1082;
	s9 =	sld [smem:$0x3FA1]  }
0x2f: {  	lr =	sadd.s32 s0, s3;
	s0 =	sld [smem:$0x3F98]  }
0x30: {  	s3 =	sld [smem:$0x3F9B]  }
0x31: {  	[smem:$0x3FA4] =	sst s10  }
0x32: {  	s10 =	sld [smem:$0x3FA2];
	_ =	sdelay $0x3  }
0x33: {  	p0 =	seq.s32 s10, $0x1;
	s10 =	sld [smem:$0x3FA4];
	_ =	sdelay $0x3  }
0x34: {  	[smem:$0x3FA4] =	sst s10  }
0x35: {  	s10 =	sld [smem:$0x3FA3];
	_ =	sdelay $0x3  }
0x36: {  	p1 =	seq.s32 s10, $0x1;
	s10 =	sld [smem:$0x3FA4];
	_ =	sdelay $0x3  }
0x37: {  	[smem:$0x3FA4] =	sst s10  }
0x38: {  	s10 =	sld [smem:$0x3FA5]  }
0x39: {  	_ = 	snop;
	(pc) =	sbr.ind lr, $3  }
0x3a: {  	_ = 	snop  }
0x3b: {  	_ = 	snop  }
0x3c: {  	p2 =	seq.s32 s10, $0x1;
	s10 =	sld [smem:$0x3FA4]  }
0x3d: {  	_ =	shalt  }
0x3e: {  	_ =	shalt  }
0x3f: {  	_ =	shalt  }
0x40: {  	_ =	shalt  }
0x41: {  	_ =	shalt  }
0x42: {  	_ =	shalt  }
0x43: {  	_ =	shalt  }
0x44: {  	_ =	shalt  }
0x45: {  	_ =	shalt  }
0x46: {  	_ =	shalt  }
0x47: {  	_ =	shalt  }
0x48: {  	_ =	shalt  }
0x49: {  	_ =	shalt  }
0x4a: {  	_ =	shalt  }
0x4b: {  	_ =	shalt  }
0x4c: {  	_ =	shalt  }
0x4d: {  	_ =	shalt  }
0x4e: {  	_ =	shalt  }
0x4f: {  	_ =	shalt  }
0x50: {  	_ =	shalt  }
0x51: {  	_ =	shalt  }
0x52: {  	_ =	shalt  }
0x53: {  	_ =	shalt  }
0x54: {  	_ =	shalt  }
0x55: {  	_ =	shalt  }
0x56: {  	_ =	shalt  }
0x57: {  	_ =	shalt  }
0x58: {  	_ =	shalt  }
0x59: {  	_ =	shalt  }
0x5a: {  	_ =	shalt  }
0x5b: {  	_ =	shalt  }
0x5c: {  	_ =	shalt  }
0x5d: {  	_ =	shalt  }
0x5e: {  	_ =	shalt  }
0x5f: {  	_ =	shalt  }
0x60: {  	_ =	shalt  }
0x61: {  	_ =	shalt  }
0x62: {  	_ =	shalt  }
0x63: {  	_ =	shalt  }
0x64: {  	_ =	shalt  }
0x65: {  	_ =	shalt  }
0x66: {  	_ =	shalt  }
0x67: {  	_ =	shalt  }
0x68: {  	_ =	shalt  }
0x69: {  	_ =	shalt  }
0x6a: {  	_ =	shalt  }
0x6b: {  	_ =	shalt  }
0x6c: {  	_ =	shalt  }
0x6d: {  	_ =	shalt  }
0x6e: {  	_ =	shalt  }
0x6f: {  	_ =	shalt  }
0x70: {  	_ =	shalt  }
0x71: {  	_ =	shalt  }
0x72: {  	_ =	shalt  }
0x73: {  	_ =	shalt  }
0x74: {  	_ =	shalt  }
0x75: {  	_ =	shalt  }
0x76: {  	_ =	shalt  }
0x77: {  	_ =	shalt  }
0x78: {  	_ =	shalt  }
0x79: {  	_ =	shalt  }
0x7a: {  	_ =	shalt  }
0x7b: {  	_ =	shalt  }
0x7c: {  	_ =	shalt  }
0x7d: {  	_ =	shalt  }
0x7e: {  	_ =	shalt  }
0x7f: {  	_ =	shalt  }
0x80: {  	_ =	shalt  }
0x81: {  	_ =	shalt  }
0x82: {  	_ =	shalt  }
0x83: {  	_ =	shalt  }
0x84: {  	_ =	shalt  }
0x85: {  	_ =	shalt  }
0x86: {  	_ =	shalt  }
0x87: {  	_ =	shalt  }
.Lfunc_end0:
.L_simem_size_0:
called_computation_lowered:
.L_overlay_start_0:
0x88: {  	s2 =	sld [smem:$0x3FD9]  }
0x89: {  	s3 =	sld [smem:$0x3FFE];
	_ =	sdelay $0x1  }
0x8a: {  	s1 =	srdreg.scid  }
0x8b: {  	s0 =	sand.u32 $0x1, s1  }
0x8c: {  	s16 =	sshll.u32 s0, $0xA;
	s2 =	sadd.s32 s3, s2  }
0x8d: {  	s2 =	sadd.s32 s2, s16  }
0x8e: {  	[smem:$0x3FB0] =	sst s2  }
0x8f: {  	_ = 	snop  }
0x90: {  	(tm) =	ssettm $0x1  }
0x91: {  	s17 =	sld [smem:$0x3FFB];
	_ =	sdelay $0x3  }
0x92: {  	_ =	strace s17  }
0x93: {  	s2 =	sld [smem:$0x3FFC];
	_ =	sdelay $0x3  }
0x94: {  	_ =	strace s2  }
0x95: {  	s2 =	sld [smem:$0x3FFD];
	_ =	sdelay $0x3  }
0x96: {  	_ =	strace s2  }
0x97: {  	_ =	strace $0x8FFFFFFF  }
0x98: {  	s18 =	sld [smem:$0x3FDB];
	_ =	sdelay $0x1  }
0x99: {  	s19 =	simm.s32 $_scs_section_size  }
0x9a: {  	s4 =	simm.s32 $_size__tile_overlayer_lowered;
	s5 =	simm.s32 $_tile_overlayer_lowered  }
0x9b: {  	s22 =	simm.s32 $0x1BFF;
	s21 =	sshll.u32 s5, $0x1;
	s2 =	sadd.s32 s19, s18  }
0x9c: {  	s6 =	simm.s32 $0x0;
	s20 =	sshll.u32 s4, $0x1;
	s4 =	sadd.s32 s21, s2  }
0x9d: {  	[timem:s6], [sflag:s22] =	dma.local [hbm:s4], s20  }
0x9e: {  	_ =	swait.ge [sflag:s22], s20  }
0x9f: {  	s3 =	ssub.s32 $0x0, s20;
	[sflag:s22] =	ssyncset.done $0x0  }
0xa0: {  	[sflag:s22] =	ssyncadd.s32 s3;
	_ =	sdelay $0x1  }
0xa1: {  	s23 =	simm.s32 $0x1B8B  }
0xa2: {  	_ =	swait.ge [sflag:s23], $0x1  }
0xa3: {  	[sflag:s23] =	ssyncset.done $0x0  }
0xa4: {  	s25 =	simm.s32 $0x1B8E;
	s24 =	sld [smem:$0x3FFE];
	[sflag:s23] =	ssyncadd.s32 $0xFFFFFFFF  }
0xa5: {  	s26 =	simm.s32 $execute0_lowered;
	[smem:$0x3FD2] =	sst s25  }
0xa6: {  	s4 =	sshll.u32 s26, $0x1;
	_ =	strace $0x80000046;
	[dreg:$0x1] =	wrdreg $0xFFFFFFFF  }
0xa7: {  	s28 =	simm.s32 $_size_execute0_lowered;
	s2 =	sadd.s32 s2, s4;
	[dreg:$0x0] =	wrdreg $0x0  }
0xa8: {  	s4 =	sshll.u32 s28, $0x1;
	[dreg:$0x2] =	wrdreg s2  }
0xa9: {  	[dreg:$0x3] =	wrdreg s4  }
0xaa: {  	[dreg:$0x4] =	wrdreg $0xC0  }
0xab: {  	_ =	task [dreg:s6], $0x5FFFF  }
0xac: {  	[dreg:$0x1] =	wrdreg $0xFFFFFFFF  }
0xad: {  	[dreg:$0x0] =	wrdreg $0x60  }
0xae: {  	[dreg:$0x2] =	wrdreg s24  }
0xaf: {  	[dreg:$0x3] =	wrdreg $0x9  }
0xb0: {  	_ =	task.clear_ibuf [dreg:s6], $0x4FFFF;
	_ =	strace $0x90000046  }
0xb1: {  	s29 =	simm.s32 $0x9;
	_ =	strace $0x80000048  }
0xb2: {  	_ =	swait.ge [sflag:s29], $0x1  }
0xb3: {  	[sflag:s29] =	ssyncadd.s32 $0xFFFFFFFF  }
0xb4: {  	_ =	strace $0x90000048  }
0xb5: {  	_ =	sfence  }
0xb6: {  	s30 =	sld [smem:$0x0];
	_ =	sdelay $0x2  }
0xb7: {  	s31 =	sshll.u32 s1, $0xD;
	s1 =	sshrl.u32 s1, $0x2  }
0xb8: {  	s3 =	sand.u32 $0x4000, s31;
	s1 =	sadd.s32 s1, s30  }
0xb9: {  	s0 =	sor.u32 s3, s0;
	s1 =	sshll.u32 s1, $0x11  }
0xba: {  	s0 =	sor.u32 s1, s0  }
0xbb: {  	s0 =	sadd.s32 $0x8F2B, s0  }
0xbc: {  	[sflag:s0] =	ssyncadd.remote.s32 $0x1  }
0xbd: {  	_ =	sfence.sel $0xFFFF  }
0xbe: {  	[dreg:$0x0] =	wrdreg $0xFFFFFFFF;
	(pc) =	sbr.abs _section_cstart, $3  }
0xbf: {  	[dreg:$0x1] =	wrdreg $0xFFFFFFFF  }
0xc0: {  	_ =	task.clear_ibuf [dreg:s6], $0x2FFFF;
	_ =	strace $0x9FFFFFFF  }
0xc1: {  	(tm) =	ssettm $0x7FFFFFFF  }
tec
execute0_lowered:
.L_overlay_start_1:
0x0: {  	(tag) =	ssettag $0x1  }
0x1: {  	s4 =	rddreg [dreg:$0x0]  }
0x2: {  	s0 =	rddreg [dreg:$0x1]  }
0x3: {  	s3 =	srdreg.scid;
	s2 =	simm.s32 $0x0;
	s1 =	stileid.u32  }
0x4: {  	s11 =	simm.s32 $0x1000;
	s12 =	simm.s32 $0x5000;
	s13 =	simm.s32 $0x1  }
0x5: {  	s14 =	simm.s32 $0x2;
	s15 =	simm.s32 $0x0;
	s7 =	sand.u32 $0x1, s3  }
0x6: {  	[smem:$0x7FF] =	sst s2;
	s28 =	sshll.u32 s1, $0xD;
	s3 =	sadd.s32 $0x864E00, s4  }
0x7: {  	s9 =	sadd.s32 $0x28E00, s4;
	s30 =	sshll.u32 s1, $0x11;
	s5 =	sshll.u32 s7, $0xC  }
0x8: {  	_ =	strace $0x80000047;
	s8 =	ssub.s32 $0x2, s7;
	s5 =	sor.u32 s5, s28  }
0x9: {  	s31 =	sshll.u32 s7, $0x10;
	s29 =	sshrl.u32 s8, $0x1;
	s6 =	sshrl.u32 s5, $0x3  }
0xa: {  	s8 =	ssub.s32 s8, s29;
	s5 =	sshll.u32 s5, $0x4;
	s6 =	sadd.s32 s6, s4  }
0xb: {  	s10 =	sadd.s32 s9, s5;
	s5 =	smax.u32 s8, $0x1;
	s8 =	sadd.s32 s30, s9  }
0xc: {  	s9 =	simm.s32 $0x3;
	s4 =	sadd.s32 $0x24E00, s6;
	s6 =	sadd.s32 $0xF000, s10  }
0xd: {  	s7 =	sadd.s32 $0xF800, s10;
	s8 =	sadd.s32 s31, s8;
	s10 =	simm.s32 $0x80  }
.LBB2_1:
0xe: {  	[tilespmem:s2], [sflag:$0x3] =	stream.linear.gather [hbm4b:s4+s2], $0x1000, $0x38;
	[tilespmem:$0x9000] =	vst v63  }
0xf: {  	_ =	swait.ge [sflag:s9], $0x1000  }
0x10: {  	[sflag:s9] =	ssyncset.done $0x0  }
0x11: {  	[sflag:s9] =	ssyncadd.s32 $0xFFFFF000  }
0x12: {  	[tilespmem:s11], [sflag:$0x1] =	stream.indirect.gather [hbm4b:s3+s10], $0x80, s2, s10, $0xb8;
	[tilespmem:$0x9000] =	vst v63  }
0x13: {  	_ = 	snop  }
0x14: {  	[tilespmem:s12], [sflag:$0x2] =	stream.indirect.gather [hbm4b:s3+s10], $0x80, s10, s10, $0xb8;
	[tilespmem:$0x9000] =	vst v63  }
0x15: {  	_ =	swait.ge [sflag:s13], $0x4000  }
0x16: {  	[sflag:s13] =	ssyncset.done $0x0  }
0x17: {  	s16 =	sadd.s32 $0x0, s8;
	[sflag:s13] =	ssyncadd.s32 $0xFFFFC000  }
0x18: {  	[hbm4b:s16+s2] =	stream.linear.scatter [tilespmem:s11], [sflag:$0x3], $0x4000, $0x38;
	[tilespmem:$0x9000] =	vst v63  }
0x19: {  	_ =	swait.ge [sflag:s9], $0x4000  }
0x1a: {  	[sflag:s9] =	ssyncset.done $0x0  }
0x1b: {  	s17 =	simm.s32 $0x100;
	[sflag:s9] =	ssyncadd.s32 $0xFFFFC000  }
0x1c: {  	[tilespmem:s11], [sflag:$0x1] =	stream.indirect.gather [hbm4b:s3+s10], $0x80, s17, s10, $0xb8;
	[tilespmem:$0x9000] =	vst v63  }
0x1d: {  	_ =	swait.ge [sflag:s14], $0x4000  }
0x1e: {  	[sflag:s14] =	ssyncset.done $0x0  }
0x1f: {  	s16 =	sadd.s32 $0x800, s16;
	[sflag:s14] =	ssyncadd.s32 $0xFFFFC000  }
0x20: {  	[hbm4b:s16+s2] =	stream.linear.scatter [tilespmem:s12], [sflag:$0x3], $0x4000, $0x38;
	[tilespmem:$0x9000] =	vst v63  }
0x21: {  	_ =	swait.ge [sflag:s9], $0x4000  }
0x22: {  	s18 =	simm.s32 $0x280;
	[sflag:s9] =	ssyncset.done $0x0  }
0x23: {  	s17 =	simm.s32 $0x1000;
	s16 =	simm.s32 $0x180;
	[sflag:s9] =	ssyncadd.s32 $0xFFFFC000  }
.LBB2_2:
0x24: {  	[tilespmem:s12], [sflag:$0x2] =	stream.indirect.gather [hbm4b:s3+s10], $0x80, s16, s10, $0xb8;
	[tilespmem:$0x9000] =	vst v63  }
0x25: {  	s19 =	smov.u32 s17;
	s16 =	smov.u32 s18  }
0x26: {  	p0 =	sne.s32 s17, $0xE000;
	s17 =	sadd.s32 $0x1000, s17;
	_ =	swait.ge [sflag:s13], $0x4000  }
0x27: {  	[sflag:s13] =	ssyncset.done $0x0  }
0x28: {  	s19 =	sadd.s32 s19, s8;
	[sflag:s13] =	ssyncadd.s32 $0xFFFFC000  }
0x29: {  	[hbm4b:s19+s2] =	stream.linear.scatter [tilespmem:s11], [sflag:$0x3], $0x4000, $0x38;
	[tilespmem:$0x9000] =	vst v63  }
0x2a: {  	_ =	swait.ge [sflag:s9], $0x4000  }
0x2b: {  	[sflag:s9] =	ssyncset.done $0x0  }
0x2c: {  	s20 =	sadd.s32 $0xFFFFFF80, s18;
	[sflag:s9] =	ssyncadd.s32 $0xFFFFC000  }
0x2d: {  	[tilespmem:s11], [sflag:$0x1] =	stream.indirect.gather [hbm4b:s3+s10], $0x80, s20, s10, $0xb8;
	[tilespmem:$0x9000] =	vst v63  }
0x2e: {  	_ =	swait.ge [sflag:s14], $0x4000  }
0x2f: {  	[sflag:s14] =	ssyncset.done $0x0  }
.Ltmp0:
0x30: {  	s19 =	sadd.s32 $0x800, s19;
	[sflag:s14] =	ssyncadd.s32 $0xFFFFC000;
	(pc) =	sbr.rel @p0 .LBB2_2-.Ltmp0, $4  }
0x31: {  	[hbm4b:s19+s2] =	stream.linear.scatter [tilespmem:s12], [sflag:$0x3], $0x4000, $0x38;
	[tilespmem:$0x9000] =	vst v63  }
0x32: {  	_ =	swait.ge [sflag:s9], $0x4000  }
0x33: {  	[sflag:s9] =	ssyncset.done $0x0  }
0x34: {  	s18 =	sadd.s32 $0x100, s18;
	[sflag:s9] =	ssyncadd.s32 $0xFFFFC000  }
0x35: {  	[tilespmem:s12], [sflag:$0x2] =	stream.indirect.gather [hbm4b:s3+s10], $0x80, s16, s10, $0xb8;
	[tilespmem:$0x9000] =	vst v63  }
0x36: {  	_ =	swait.ge [sflag:s13], $0x4000  }
0x37: {  	[sflag:s13] =	ssyncset.done $0x0  }
0x38: {  	[sflag:s13] =	ssyncadd.s32 $0xFFFFC000  }
0x39: {  	[hbm4b:s6+s2] =	stream.linear.scatter [tilespmem:s11], [sflag:$0x3], $0x4000, $0x38;
	[tilespmem:$0x9000] =	vst v63  }
0x3a: {  	_ =	swait.ge [sflag:s9], $0x4000  }
0x3b: {  	[sflag:s9] =	ssyncset.done $0x0  }
0x3c: {  	[sflag:s9] =	ssyncadd.s32 $0xFFFFC000  }
0x3d: {  	s15 =	sadd.s32 $0x1, s15;
	_ =	swait.ge [sflag:s14], $0x4000  }
0x3e: {  	p0 =	sne.s32 s15, s5;
	[sflag:s14] =	ssyncset.done $0x0  }
.Ltmp1:
0x3f: {  	[sflag:s14] =	ssyncadd.s32 $0xFFFFC000;
	(pc) =	sbr.rel @p0 .LBB2_1-.Ltmp1, $4  }
0x40: {  	[hbm4b:s7+s2] =	stream.linear.scatter [tilespmem:s12], [sflag:$0x3], $0x4000, $0x38;
	[tilespmem:$0x9000] =	vst v63  }
0x41: {  	_ =	swait.ge [sflag:s9], $0x4000  }
0x42: {  	[sflag:s9] =	ssyncset.done $0x0  }
0x43: {  	[sflag:s9] =	ssyncadd.s32 $0xFFFFC000  }
0x44: {  	_ =	sfence.sel $0x180000  }
0x45: {  	[bflag:$0x0] =	sbarrier.arrive $0xFFFF  }
0x46: {  	p0 =	sne.s32 s1, $0x0;
	_ =	strace $0x90000047  }
0x47: {  	s0 =	sadd.s32 @!p0 $0x100000, s0;
	[bflag:$0x2] =	sbarrier.arrive $0xFFFF  }
0x48: {  	[sflag:s0] =	ssyncadd.tile.s32 @!p0 $0x1;
	_ =	shalt  }
.Lfunc_end2:
_tile_overlayer_lowered:
.L_overlay_start_2:
0x49: {  	(tag) =	ssettag $0x2  }
0x4a: {  	s0 =	rddreg [dreg:$0x0];
	s2 =	stileid.u32  }
0x4b: {  	s1 =	rddreg [dreg:$0x1];
	p0 =	sne.s32 s2, $0x0  }
0x4c: {  	s3 =	rddreg [dreg:$0x2];
	[bflag:$0x3] =	sbarrier.arrive $0xFFFF;
	s2 =	simm.s32 @!p0 $0x1C03  }
0x4d: {  	[timem:s3], [sflag:s2] =	dma.local @!p0 [hbm:s0], s1  }
0x4e: {  	s0 =	simm.s32 @!p0 $0x3  }
0x4f: {  	_ =	swait.ge @!p0 [sflag:s0], s1  }
0x50: {  	s1 =	ssub.s32 @!p0 $0x0, s1;
	[sflag:s0] =	ssyncset.done @!p0 $0x0  }
0x51: {  	[sflag:s0] =	ssyncadd.s32 @!p0 s1  }
0x52: {  	[bflag:$0x3] =	sbarrier.arrive $0xFFFF  }
0x53: {  	_ =	shalt  }

</sc_bundles>
